<compile_context>
chip_gen: v7x
topology: tpu7x:2x2x1
jax: 0.10.2.dev20260603
libtpu: 0.0.44.dev20260713+nightly
codegen_flags: <defaults>
</compile_context>

<pallas_src>
import functools

import jax
import jax.numpy as jnp
from jax import lax
from jax.experimental import pallas as pl
from jax.experimental.pallas import tpu as pltpu
from jax.experimental.pallas import tpu_sc as plsc

N_NODES = 10000
N_PAD = 10240
CH = 128
NC = 2
NS = 16
NW = NC * NS
CH_A = 256
NCH_A = 40
DUMP0 = N_PAD - CH
ROW_BLK = 2048

_mesh = plsc.VectorSubcoreMesh(core_axis_name="c", subcore_axis_name="s")
_sc_params = pltpu.CompilerParams(use_tc_tiling_on_sc=False)



@functools.partial(
    pl.kernel,
    out_type=jax.ShapeDtypeStruct((NC, 2 * N_PAD), jnp.float32),
    mesh=_mesh,
    compiler_params=_sc_params,
    scratch_types=[
        pltpu.VMEM((NCH_A, CH_A), jnp.int32),
        pltpu.VMEM((NCH_A, CH_A), jnp.int32),
        pltpu.VMEM((CH_A,), jnp.float32),
        pltpu.VMEM_SHARED((N_PAD,), jnp.float32),
        pltpu.VMEM_SHARED((N_PAD,), jnp.float32),
        pltpu.SemaphoreType.DMA,
    ],
)
def _deg_kernel(sidx_hbm, didx_hbm, ones_hbm, zeros_hbm, out_hbm,
                sidx, didx, ones_v, acc_s, acc_d, dsem):
    cc = lax.axis_index("c")
    ss = lax.axis_index("s")
    wid = cc * NS + ss
    span = N_PAD // NS
    pltpu.sync_copy(zeros_hbm, acc_s.at[pl.ds(ss * span, span)])
    pltpu.sync_copy(zeros_hbm, acc_d.at[pl.ds(ss * span, span)])
    pltpu.sync_copy(sidx_hbm.at[wid], sidx)
    pltpu.sync_copy(didx_hbm.at[wid], didx)
    pltpu.sync_copy(ones_hbm, ones_v)
    plsc.subcore_barrier()

    @pl.loop(0, NCH_A // 4)
    def _(g):
        t0 = 4 * g
        for k in range(4):
            pltpu.async_copy(ones_v, acc_s.at[sidx.at[t0 + k]], dsem,
                             add=True)
            pltpu.async_copy(ones_v, acc_d.at[didx.at[t0 + k]], dsem,
                             add=True)
        for k in range(4):
            pltpu.make_async_copy(ones_v, acc_s.at[sidx.at[t0 + k]],
                                  dsem).wait()
            pltpu.make_async_copy(ones_v, acc_d.at[didx.at[t0 + k]],
                                  dsem).wait()

    plsc.subcore_barrier()
    pltpu.sync_copy(acc_s.at[pl.ds(ss * span, span)],
                    out_hbm.at[cc, pl.ds(ss * span, span)])
    pltpu.sync_copy(acc_d.at[pl.ds(ss * span, span)],
                    out_hbm.at[cc, pl.ds(N_PAD + ss * span, span)])


def _make_agg(phases):

    @functools.partial(
        pl.kernel,
        out_type=tuple(jax.ShapeDtypeStruct((NC, N_PAD, 128), jnp.float32)
                       for _ in range(phases)),
        mesh=_mesh,
        compiler_params=_sc_params,
        scratch_types=[
            pltpu.VMEM((NCH_A, CH_A), jnp.int32),
            pltpu.VMEM((NCH_A, CH_A), jnp.int32),
            [pltpu.VMEM((CH_A, 64), jnp.float32) for _ in range(4)],
            pltpu.VMEM_SHARED((N_PAD, 64), jnp.float32),
            [pltpu.SemaphoreType.DMA for _ in range(4)],
            [pltpu.SemaphoreType.DMA for _ in range(4)],
        ],
    )
    def agg(*refs):
        tables = refs[:phases]
        sidx_hbm, didx_hbm, zeros_hbm = refs[phases:phases + 3]
        outs = refs[phases + 3:2 * phases + 3]
        sidx, didx, rows, acc, gsem, ssem = refs[2 * phases + 3:]
        cc = lax.axis_index("c")
        ss = lax.axis_index("s")
        wid = cc * NS + ss
        rpt = N_PAD // NS

        def wait_gather(table, t, b):
            pltpu.make_async_copy(table.at[sidx.at[t]], rows[b], gsem[b]).wait()

        def wait_scatter(t, b):
            pltpu.make_async_copy(rows[b], acc.at[didx.at[t]], ssem[b]).wait()

        def edge_pass(table, nch):
            pltpu.async_copy(table.at[sidx.at[0]], rows[0], gsem[0])
            pltpu.async_copy(table.at[sidx.at[1]], rows[1], gsem[1])

            @pl.loop(0, nch // 4)
            def _(g):
                t0 = 4 * g
                for b in range(4):
                    t = t0 + b
                    b2 = (b + 2) % 4
                    wait_gather(table, t, b)
                    pltpu.async_copy(rows[b], acc.at[didx.at[t]], ssem[b],
                                     add=True)
                    if b < 2:
                        @pl.when(g > 0)
                        def _():
                            wait_scatter(t - 2, b2)
                        pltpu.async_copy(table.at[sidx.at[t + 2]], rows[b2],
                                         gsem[b2])
                    else:
                        wait_scatter(t - 2, b2)

                        @pl.when(g < nch // 4 - 1)
                        def _():
                            pltpu.async_copy(table.at[sidx.at[t + 2]],
                                             rows[b2], gsem[b2])

            wait_scatter(nch - 2, 2)
            wait_scatter(nch - 1, 3)

        pltpu.sync_copy(sidx_hbm.at[wid], sidx)
        pltpu.sync_copy(didx_hbm.at[wid], didx)
        for ph in range(phases):
            pltpu.sync_copy(zeros_hbm, acc.at[pl.ds(ss * rpt, rpt)])
            plsc.subcore_barrier()
            edge_pass(tables[ph], NCH_A)
            plsc.subcore_barrier()
            pltpu.sync_copy(acc.at[pl.ds(ss * rpt, rpt)],
                            outs[ph].at[cc, pl.ds(ss * rpt, rpt),
                                        pl.ds(0, 64)])

    return agg


_agg2 = _make_agg(2)
_agg1 = _make_agg(1)



def _col(dg):
    t = dg.T
    return jnp.concatenate([t[:, c:c + 1] for c in range(LB)], axis=0)


def _scale_body(x_ref, dg_ref, lo_ref, hi_ref):
    ns = lax.rsqrt(jnp.maximum(_col(dg_ref[0]), 1.0))
    xv = x_ref[...] * ns
    lo_ref[...] = xv[:, :64]
    hi_ref[...] = xv[:, 64:]


def _mid_body(lo_ref, hi_ref, dg_ref, w1lo_ref, w1hi_ref, b1_ref,
              w2_ref, o_ref):
    ns = lax.rsqrt(jnp.maximum(_col(dg_ref[0]), 1.0))
    nd = lax.rsqrt(jnp.maximum(_col(dg_ref[1]), 1.0))
    agg_lo = (lo_ref[0, :, :64] + lo_ref[1, :, :64]) * nd
    agg_hi = (hi_ref[0, :, :64] + hi_ref[1, :, :64]) * nd
    z1 = (jnp.dot(agg_lo, w1lo_ref[...], preferred_element_type=jnp.float32)
          + jnp.dot(agg_hi, w1hi_ref[...], preferred_element_type=jnp.float32)
          + b1_ref[...])
    o_ref[...] = jnp.dot(z1 * ns, w2_ref[...], preferred_element_type=jnp.float32)


def _fin_body(p_ref, dg_ref, b2_ref, o_ref):
    nd = lax.rsqrt(jnp.maximum(_col(dg_ref[0]), 1.0))
    o_ref[...] = (p_ref[0, :, :64] + p_ref[1, :, :64]) * nd + b2_ref[...]


LB = ROW_BLK // 128


def _scale(x, deg2):
    return pl.pallas_call(
        _scale_body,
        grid=(N_PAD // ROW_BLK,),
        in_specs=[pl.BlockSpec((ROW_BLK, 128), lambda i: (i, 0)),
                  pl.BlockSpec((1, LB, 128), lambda i: (0, i, 0))],
        out_specs=[pl.BlockSpec((ROW_BLK, 64), lambda i: (i, 0)),
                   pl.BlockSpec((ROW_BLK, 64), lambda i: (i, 0))],
        out_shape=[jax.ShapeDtypeStruct((N_PAD, 64), jnp.float32),
                   jax.ShapeDtypeStruct((N_PAD, 64), jnp.float32)],
    )(x, deg2)


def _mid(p_lo, p_hi, deg2, W1, b1, W2):
    return pl.pallas_call(
        _mid_body,
        grid=(N_PAD // ROW_BLK,),
        in_specs=[
            pl.BlockSpec((NC, ROW_BLK, 128), lambda i: (0, i, 0)),
            pl.BlockSpec((NC, ROW_BLK, 128), lambda i: (0, i, 0)),
            pl.BlockSpec((2, LB, 128), lambda i: (0, i, 0)),
            pl.BlockSpec((64, 128), lambda i: (0, 0)),
            pl.BlockSpec((64, 128), lambda i: (0, 0)),
            pl.BlockSpec((1, 128), lambda i: (0, 0)),
            pl.BlockSpec((128, 64), lambda i: (0, 0)),
        ],
        out_specs=pl.BlockSpec((ROW_BLK, 64), lambda i: (i, 0)),
        out_shape=jax.ShapeDtypeStruct((N_PAD, 64), jnp.float32),
    )(p_lo, p_hi, deg2, W1[:64], W1[64:], b1, W2)


def _fin(p2, deg2, b2):
    return pl.pallas_call(
        _fin_body,
        grid=(N_PAD // ROW_BLK,),
        in_specs=[
            pl.BlockSpec((NC, ROW_BLK, 128), lambda i: (0, i, 0)),
            pl.BlockSpec((1, LB, 128), lambda i: (1, i, 0)),
            pl.BlockSpec((1, 64), lambda i: (0, 0)),
        ],
        out_specs=pl.BlockSpec((ROW_BLK, 64), lambda i: (i, 0)),
        out_shape=jax.ShapeDtypeStruct((N_NODES, 64), jnp.float32),
    )(p2, deg2, b2)



def kernel(x, edge_index, W1, b1, W2, b2):
    E = edge_index.shape[1]
    src = edge_index[0].astype(jnp.int32)
    dst = edge_index[1].astype(jnp.int32)

    n_a = NW * NCH_A * CH_A
    pad1 = DUMP0 + (jnp.arange(n_a - E, dtype=jnp.int32) % CH)

    def to_slabs(idx):
        return jnp.concatenate([idx, pad1]).reshape(NW, NCH_A, CH_A)

    src3 = to_slabs(src)
    dst3 = to_slabs(dst)

    ones = jnp.ones((CH_A,), jnp.float32)
    zeros_deg = jnp.zeros((N_PAD // NS,), jnp.float32)
    zeros64 = jnp.zeros((N_PAD // NS, 64), jnp.float32)

    dp = _deg_kernel(src3, dst3, ones, zeros_deg)
    deg2 = (dp[0] + dp[1]).reshape(2, N_PAD // 128, 128)

    a1_lo, a1_hi = _scale(x, deg2)
    p1_lo, p1_hi = _agg2(a1_lo, a1_hi, src3, dst3, zeros64)
    a2 = _mid(p1_lo, p1_hi, deg2, W1, b1.reshape(1, 128), W2)
    (p2,) = _agg1(a2, src3, dst3, zeros64)
    return _fin(p2, deg2, b2.reshape(1, 64))

# --- scband reference (transcript-rebuilt; emitter-appended) ---
"""Pipeline reference for scband-enc-celeb-agcn-52793738002763 (READ-ONLY COPY).

The authoritative reference and input builder live on the scoring server;
editing this copy changes nothing except your own understanding.
"""

import jax, jax.numpy as jnp
import numpy as np

N, E, D, H, R = 10000, 320000, 128, 128, 64

def setup_inputs(seed: int = 0) -> dict:
    key = jax.random.key(seed)
    ks = jax.random.split(key, 6)
    x = jax.random.normal(ks[0], (N, D), dtype=jnp.float32)
    edge_index = jax.random.randint(ks[1], (2, E), 0, N)
    W1 = jax.random.normal(ks[2], (D, H), dtype=jnp.float32) * (1.0 / np.sqrt(D))
    b1 = jnp.zeros((H,), dtype=jnp.float32)
    W2 = jax.random.normal(ks[3], (H, R), dtype=jnp.float32) * (1.0 / np.sqrt(H))
    b2 = jnp.zeros((R,), dtype=jnp.float32)
    return {"x": x, "edge_index": edge_index, "W1": W1, "b1": b1, "W2": W2, "b2": b2}

def _graph_conv(h, src, dst, W, b, n_nodes):
    # DGL GraphConv semantics, norm='both': h' = D_dst^{-1/2} A D_src^{-1/2} h W + b
    ones = jnp.ones((src.shape[0],), dtype=h.dtype)
    deg_out = jax.ops.segment_sum(ones, src, num_segments=n_nodes)
    deg_in = jax.ops.segment_sum(ones, dst, num_segments=n_nodes)
    norm_src = jnp.power(jnp.clip(deg_out, 1.0, None), -0.5)
    norm_dst = jnp.power(jnp.clip(deg_in, 1.0, None), -0.5)
    h = h * norm_src[:, None]
    m = jnp.take(h, src, axis=0)
    agg = jax.ops.segment_sum(m, dst, num_segments=n_nodes)
    agg = agg * norm_dst[:, None]
    return agg @ W + b

def reference(x, edge_index, W1, b1, W2, b2):
    src = edge_index[0]
    dst = edge_index[1]
    n_nodes = x.shape[0]
    z = _graph_conv(x, src, dst, W1, b1, n_nodes)
    z = _graph_conv(z, src, dst, W2, b2, n_nodes)
    return z

if __name__ == "__main__":
    import jax
    _d = setup_inputs()
    print(jax.jit(kernel)(*tuple(_d.values())))

</pallas_src>

<mosaic_0001>
#map = affine_map<(d0, d1) -> (0, 0)>
#map1 = affine_map<(d0, d1) -> (0, 0, 0)>
module attributes {stable_mosaic.version = 14 : i64} {
  func.func @agg(%arg0: i32, %arg1: i32, %arg2: memref<10240x64xf32, #tpu.memory_space<hbm>>, %arg3: memref<10240x64xf32, #tpu.memory_space<hbm>>, %arg4: memref<32x40x256xi32, #tpu.memory_space<hbm>>, %arg5: memref<32x40x256xi32, #tpu.memory_space<hbm>>, %arg6: memref<640x64xf32, #tpu.memory_space<hbm>>, %arg7: memref<2x10240x128xf32, #tpu.memory_space<hbm>>, %arg8: memref<2x10240x128xf32, #tpu.memory_space<hbm>>, %arg9: memref<40x256xi32, #tpu.memory_space<vmem>>, %arg10: memref<40x256xi32, #tpu.memory_space<vmem>>, %arg11: memref<256x64xf32, #tpu.memory_space<vmem>>, %arg12: memref<256x64xf32, #tpu.memory_space<vmem>>, %arg13: memref<256x64xf32, #tpu.memory_space<vmem>>, %arg14: memref<256x64xf32, #tpu.memory_space<vmem>>, %arg15: memref<10240x64xf32, #tpu.memory_space<vmem_shared>>, %arg16: memref<!tpu.dma_semaphore, #tpu.memory_space<semaphore_mem>>, %arg17: memref<!tpu.dma_semaphore, #tpu.memory_space<semaphore_mem>>, %arg18: memref<!tpu.dma_semaphore, #tpu.memory_space<semaphore_mem>>, %arg19: memref<!tpu.dma_semaphore, #tpu.memory_space<semaphore_mem>>, %arg20: memref<!tpu.dma_semaphore, #tpu.memory_space<semaphore_mem>>, %arg21: memref<!tpu.dma_semaphore, #tpu.memory_space<semaphore_mem>>, %arg22: memref<!tpu.dma_semaphore, #tpu.memory_space<semaphore_mem>>, %arg23: memref<!tpu.dma_semaphore, #tpu.memory_space<semaphore_mem>>) attributes {dimension_semantics = [#tpu.dimension_semantics<core_parallel>, #tpu.dimension_semantics<subcore_parallel>], iteration_bounds = array<i64: 2, 16>, scalar_prefetch = 0 : i64, scratch_operands = 15 : i64, tpu.core_type = #tpu.core_type<sc_vector_subcore>, window_params = [{transform_indices = #map}, {transform_indices = #map}, {transform_indices = #map1}, {transform_indices = #map1}, {transform_indices = #map}, {transform_indices = #map1}, {transform_indices = #map1}]} {
    %mul3A = arith.constant 16 : i32
    %mul3A_0 = arith.muli %arg0, %mul3A : i32
    %add3A = arith.addi %mul3A_0, %arg1 : i32
    "tpu.region"() ({
      %run_scoped3A = tpu.sem_alloc : memref<!tpu.dma_semaphore, #tpu.memory_space<semaphore_mem>>
      %dma_start3A_79 = arith.constant 0 : i32
      %dma_start3A_80 = arith.constant 0 : i32
      %dma_start3A_81 = tpu.memref_slice %arg4[%add3A, %dma_start3A_79, %dma_start3A_80] : memref<32x40x256xi32, #tpu.memory_space<hbm>> -> memref<1x40x256xi32, #tpu.memory_space<hbm>>
      %dma_start3A_82 = tpu.memref_squeeze %dma_start3A_81 : memref<1x40x256xi32, #tpu.memory_space<hbm>> -> memref<40x256xi32, #tpu.memory_space<hbm>>
      %dma_start3A_83 = arith.constant 0 : i32
      %dma_start3A_84 = arith.constant 0 : i32
      %dma_start3A_85 = tpu.memref_slice %arg4[%add3A, %dma_start3A_83, %dma_start3A_84] : memref<32x40x256xi32, #tpu.memory_space<hbm>> -> memref<1x40x256xi32, #tpu.memory_space<hbm>>
      %dma_start3A_86 = tpu.memref_squeeze %dma_start3A_85 : memref<1x40x256xi32, #tpu.memory_space<hbm>> -> memref<40x256xi32, #tpu.memory_space<hbm>>
      tpu.enqueue_dma source(%dma_start3A_86 : memref<40x256xi32, #tpu.memory_space<hbm>>) target(%arg9 : memref<40x256xi32, #tpu.memory_space<vmem>>) target_semaphore(%run_scoped3A : memref<!tpu.dma_semaphore, #tpu.memory_space<semaphore_mem>>)
      %dma_wait3A_87 = arith.constant 0 : i32
      %dma_wait3A_88 = arith.constant 0 : i32
      %dma_wait3A_89 = tpu.memref_slice %arg4[%add3A, %dma_wait3A_87, %dma_wait3A_88] : memref<32x40x256xi32, #tpu.memory_space<hbm>> -> memref<1x40x256xi32, #tpu.memory_space<hbm>>
      %dma_wait3A_90 = tpu.memref_squeeze %dma_wait3A_89 : memref<1x40x256xi32, #tpu.memory_space<hbm>> -> memref<40x256xi32, #tpu.memory_space<hbm>>
      %dma_wait3A_91 = arith.constant 0 : i32
      %dma_wait3A_92 = arith.constant 0 : i32
      %dma_wait3A_93 = tpu.memref_slice %arg4[%add3A, %dma_wait3A_91, %dma_wait3A_92] : memref<32x40x256xi32, #tpu.memory_space<hbm>> -> memref<1x40x256xi32, #tpu.memory_space<hbm>>
      %dma_wait3A_94 = tpu.memref_squeeze %dma_wait3A_93 : memref<1x40x256xi32, #tpu.memory_space<hbm>> -> memref<40x256xi32, #tpu.memory_space<hbm>>
      tpu.wait_dma2 semaphore(%run_scoped3A : memref<!tpu.dma_semaphore, #tpu.memory_space<semaphore_mem>>) src(%dma_wait3A_94 : memref<40x256xi32, #tpu.memory_space<hbm>>) dst(%arg9 : memref<40x256xi32, #tpu.memory_space<vmem>>)
      tpu.yield
    }) : () -> ()
    "tpu.region"() ({
      %run_scoped3A = tpu.sem_alloc : memref<!tpu.dma_semaphore, #tpu.memory_space<semaphore_mem>>
      %dma_start3A_79 = arith.constant 0 : i32
      %dma_start3A_80 = arith.constant 0 : i32
      %dma_start3A_81 = tpu.memref_slice %arg5[%add3A, %dma_start3A_79, %dma_start3A_80] : memref<32x40x256xi32, #tpu.memory_space<hbm>> -> memref<1x40x256xi32, #tpu.memory_space<hbm>>
      %dma_start3A_82 = tpu.memref_squeeze %dma_start3A_81 : memref<1x40x256xi32, #tpu.memory_space<hbm>> -> memref<40x256xi32, #tpu.memory_space<hbm>>
      %dma_start3A_83 = arith.constant 0 : i32
      %dma_start3A_84 = arith.constant 0 : i32
      %dma_start3A_85 = tpu.memref_slice %arg5[%add3A, %dma_start3A_83, %dma_start3A_84] : memref<32x40x256xi32, #tpu.memory_space<hbm>> -> memref<1x40x256xi32, #tpu.memory_space<hbm>>
      %dma_start3A_86 = tpu.memref_squeeze %dma_start3A_85 : memref<1x40x256xi32, #tpu.memory_space<hbm>> -> memref<40x256xi32, #tpu.memory_space<hbm>>
      tpu.enqueue_dma source(%dma_start3A_86 : memref<40x256xi32, #tpu.memory_space<hbm>>) target(%arg10 : memref<40x256xi32, #tpu.memory_space<vmem>>) target_semaphore(%run_scoped3A : memref<!tpu.dma_semaphore, #tpu.memory_space<semaphore_mem>>)
      %dma_wait3A_87 = arith.constant 0 : i32
      %dma_wait3A_88 = arith.constant 0 : i32
      %dma_wait3A_89 = tpu.memref_slice %arg5[%add3A, %dma_wait3A_87, %dma_wait3A_88] : memref<32x40x256xi32, #tpu.memory_space<hbm>> -> memref<1x40x256xi32, #tpu.memory_space<hbm>>
      %dma_wait3A_90 = tpu.memref_squeeze %dma_wait3A_89 : memref<1x40x256xi32, #tpu.memory_space<hbm>> -> memref<40x256xi32, #tpu.memory_space<hbm>>
      %dma_wait3A_91 = arith.constant 0 : i32
      %dma_wait3A_92 = arith.constant 0 : i32
      %dma_wait3A_93 = tpu.memref_slice %arg5[%add3A, %dma_wait3A_91, %dma_wait3A_92] : memref<32x40x256xi32, #tpu.memory_space<hbm>> -> memref<1x40x256xi32, #tpu.memory_space<hbm>>
      %dma_wait3A_94 = tpu.memref_squeeze %dma_wait3A_93 : memref<1x40x256xi32, #tpu.memory_space<hbm>> -> memref<40x256xi32, #tpu.memory_space<hbm>>
      tpu.wait_dma2 semaphore(%run_scoped3A : memref<!tpu.dma_semaphore, #tpu.memory_space<semaphore_mem>>) src(%dma_wait3A_94 : memref<40x256xi32, #tpu.memory_space<hbm>>) dst(%arg10 : memref<40x256xi32, #tpu.memory_space<vmem>>)
      tpu.yield
    }) : () -> ()
    %mul3A_1 = arith.constant 640 : i32
    %mul3A_2 = arith.muli %arg1, %mul3A_1 : i32
    "tpu.region"() ({
      %run_scoped3A = tpu.sem_alloc : memref<!tpu.dma_semaphore, #tpu.memory_space<semaphore_mem>>
      %dma_start3A_79 = arith.constant 0 : i32
      %dma_start3A_80 = tpu.memref_slice %arg15[%mul3A_2, %dma_start3A_79] : memref<10240x64xf32, #tpu.memory_space<vmem_shared>> -> memref<640x64xf32, #tpu.memory_space<vmem_shared>>
      tpu.enqueue_dma source(%arg6 : memref<640x64xf32, #tpu.memory_space<hbm>>) target(%dma_start3A_80 : memref<640x64xf32, #tpu.memory_space<vmem_shared>>) target_semaphore(%run_scoped3A : memref<!tpu.dma_semaphore, #tpu.memory_space<semaphore_mem>>)
      %dma_wait3A_81 = arith.constant 0 : i32
      %dma_wait3A_82 = tpu.memref_slice %arg15[%mul3A_2, %dma_wait3A_81] : memref<10240x64xf32, #tpu.memory_space<vmem_shared>> -> memref<640x64xf32, #tpu.memory_space<vmem_shared>>
      tpu.wait_dma2 semaphore(%run_scoped3A : memref<!tpu.dma_semaphore, #tpu.memory_space<semaphore_mem>>) src(%arg6 : memref<640x64xf32, #tpu.memory_space<hbm>>) dst(%dma_wait3A_82 : memref<640x64xf32, #tpu.memory_space<vmem_shared>>)
      tpu.yield
    }) : () -> ()
    %barrier3A = arith.constant 0 : index
    tpu.barrier barrier_id(%barrier3A)
    %dma_start3A = arith.constant 0 : i32
    %dma_start3A_3 = arith.constant 0 : i32
    %dma_start3A_4 = tpu.memref_slice %arg9[%dma_start3A, %dma_start3A_3] : memref<40x256xi32, #tpu.memory_space<vmem>> -> memref<1x256xi32, #tpu.memory_space<vmem>>
    %dma_start3A_5 = tpu.memref_squeeze %dma_start3A_4 : memref<1x256xi32, #tpu.memory_space<vmem>> -> memref<256xi32, #tpu.memory_space<vmem>>
    %dma_start3A_6 = arith.constant 0 : i32
    %dma_start3A_7 = arith.constant 0 : i32
    %dma_start3A_8 = tpu.memref_slice %arg2[%dma_start3A_6, %dma_start3A_7] : memref<10240x64xf32, #tpu.memory_space<hbm>> -> memref<10240x64xf32, #tpu.memory_space<hbm>>
    tpu.enqueue_indirect_dma source(%dma_start3A_8 : memref<10240x64xf32, #tpu.memory_space<hbm>>) target(%arg11 : memref<256x64xf32, #tpu.memory_space<vmem>>) offsets(%dma_start3A_5 : memref<256xi32, #tpu.memory_space<vmem>>) semaphore(%arg16 : memref<!tpu.dma_semaphore, #tpu.memory_space<semaphore_mem>>)
    %dma_start3A_9 = arith.constant 1 : i32
    %dma_start3A_10 = arith.constant 0 : i32
    %dma_start3A_11 = tpu.memref_slice %arg9[%dma_start3A_9, %dma_start3A_10] : memref<40x256xi32, #tpu.memory_space<vmem>> -> memref<1x256xi32, #tpu.memory_space<vmem>>
    %dma_start3A_12 = tpu.memref_squeeze %dma_start3A_11 : memref<1x256xi32, #tpu.memory_space<vmem>> -> memref<256xi32, #tpu.memory_space<vmem>>
    %dma_start3A_13 = arith.constant 0 : i32
    %dma_start3A_14 = arith.constant 0 : i32
    %dma_start3A_15 = tpu.memref_slice %arg2[%dma_start3A_13, %dma_start3A_14] : memref<10240x64xf32, #tpu.memory_space<hbm>> -> memref<10240x64xf32, #tpu.memory_space<hbm>>
    tpu.enqueue_indirect_dma source(%dma_start3A_15 : memref<10240x64xf32, #tpu.memory_space<hbm>>) target(%arg12 : memref<256x64xf32, #tpu.memory_space<vmem>>) offsets(%dma_start3A_12 : memref<256xi32, #tpu.memory_space<vmem>>) semaphore(%arg17 : memref<!tpu.dma_semaphore, #tpu.memory_space<semaphore_mem>>)
    %scan3A = arith.constant 0 : i32
    %scan3A_16 = arith.constant 10 : i32
    %scan3A_17 = arith.addi %scan3A, %scan3A_16 : i32
    %scan3A_18 = arith.constant 1 : i32
    scf.for %scan3A_79 = %scan3A to %scan3A_17 step %scan3A_18  : i32 {
      %mul3A_80 = arith.constant 1 : i32
      %mul3A_81 = arith.muli %scan3A_79, %mul3A_80 : i32
      %add3A_82 = arith.constant 0 : i32
      %add3A_83 = arith.addi %add3A_82, %mul3A_81 : i32
      %mul3A_84 = arith.constant 4 : i32
      %mul3A_85 = arith.muli %mul3A_84, %add3A_83 : i32
      %add3A_86 = arith.constant 0 : i32
      %add3A_87 = arith.addi %mul3A_85, %add3A_86 : i32
      %dma_wait3A_88 = arith.constant 0 : i32
      %dma_wait3A_89 = tpu.memref_slice %arg9[%add3A_87, %dma_wait3A_88] : memref<40x256xi32, #tpu.memory_space<vmem>> -> memref<1x256xi32, #tpu.memory_space<vmem>>
      %dma_wait3A_90 = tpu.memref_squeeze %dma_wait3A_89 : memref<1x256xi32, #tpu.memory_space<vmem>> -> memref<256xi32, #tpu.memory_space<vmem>>
      %dma_wait3A_91 = arith.constant 0 : i32
      %dma_wait3A_92 = arith.constant 0 : i32
      %dma_wait3A_93 = tpu.memref_slice %arg2[%dma_wait3A_91, %dma_wait3A_92] : memref<10240x64xf32, #tpu.memory_space<hbm>> -> memref<10240x64xf32, #tpu.memory_space<hbm>>
      tpu.wait_indirect_dma semaphore(%arg16 : memref<!tpu.dma_semaphore, #tpu.memory_space<semaphore_mem>>) src(%dma_wait3A_93 : memref<10240x64xf32, #tpu.memory_space<hbm>>) dst(%arg11 : memref<256x64xf32, #tpu.memory_space<vmem>>)
      %dma_start3A_94 = arith.constant 0 : i32
      %dma_start3A_95 = tpu.memref_slice %arg10[%add3A_87, %dma_start3A_94] : memref<40x256xi32, #tpu.memory_space<vmem>> -> memref<1x256xi32, #tpu.memory_space<vmem>>
      %dma_start3A_96 = tpu.memref_squeeze %dma_start3A_95 : memref<1x256xi32, #tpu.memory_space<vmem>> -> memref<256xi32, #tpu.memory_space<vmem>>
      %dma_start3A_97 = arith.constant 0 : i32
      %dma_start3A_98 = arith.constant 0 : i32
      %dma_start3A_99 = tpu.memref_slice %arg15[%dma_start3A_97, %dma_start3A_98] : memref<10240x64xf32, #tpu.memory_space<vmem_shared>> -> memref<10240x64xf32, #tpu.memory_space<vmem_shared>>
      tpu.enqueue_indirect_dma source(%arg11 : memref<256x64xf32, #tpu.memory_space<vmem>>) target(%dma_start3A_99 : memref<10240x64xf32, #tpu.memory_space<vmem_shared>>) offsets(%dma_start3A_96 : memref<256xi32, #tpu.memory_space<vmem>>) semaphore(%arg20 : memref<!tpu.dma_semaphore, #tpu.memory_space<semaphore_mem>>) {add = true}
      %gt3A = arith.constant 0 : i32
      %gt3A_100 = arith.cmpi sgt, %add3A_83, %gt3A : i32
      %convert_element_type3A = arith.extui %gt3A_100 : i1 to i32
      %cond3A = arith.constant 0 : i32
      %cond3A_101 = arith.cmpi ne, %convert_element_type3A, %cond3A : i32
      scf.if %cond3A_101 {
        %sub3A_189 = arith.constant 2 : i32
        %sub3A_190 = arith.subi %add3A_87, %sub3A_189 : i32
        %dma_wait3A_191 = arith.constant 0 : i32
        %dma_wait3A_192 = tpu.memref_slice %arg10[%sub3A_190, %dma_wait3A_191] : memref<40x256xi32, #tpu.memory_space<vmem>> -> memref<1x256xi32, #tpu.memory_space<vmem>>
        %dma_wait3A_193 = tpu.memref_squeeze %dma_wait3A_192 : memref<1x256xi32, #tpu.memory_space<vmem>> -> memref<256xi32, #tpu.memory_space<vmem>>
        %dma_wait3A_194 = arith.constant 0 : i32
        %dma_wait3A_195 = arith.constant 0 : i32
        %dma_wait3A_196 = tpu.memref_slice %arg15[%dma_wait3A_194, %dma_wait3A_195] : memref<10240x64xf32, #tpu.memory_space<vmem_shared>> -> memref<10240x64xf32, #tpu.memory_space<vmem_shared>>
        tpu.wait_indirect_dma semaphore(%arg22 : memref<!tpu.dma_semaphore, #tpu.memory_space<semaphore_mem>>) src(%arg13 : memref<256x64xf32, #tpu.memory_space<vmem>>) dst(%dma_wait3A_196 : memref<10240x64xf32, #tpu.memory_space<vmem_shared>>)
      } else {
      }
      %add3A_102 = arith.constant 2 : i32
      %add3A_103 = arith.addi %add3A_87, %add3A_102 : i32
      %dma_start3A_104 = arith.constant 0 : i32
      %dma_start3A_105 = tpu.memref_slice %arg9[%add3A_103, %dma_start3A_104] : memref<40x256xi32, #tpu.memory_space<vmem>> -> memref<1x256xi32, #tpu.memory_space<vmem>>
      %dma_start3A_106 = tpu.memref_squeeze %dma_start3A_105 : memref<1x256xi32, #tpu.memory_space<vmem>> -> memref<256xi32, #tpu.memory_space<vmem>>
      %dma_start3A_107 = arith.constant 0 : i32
      %dma_start3A_108 = arith.constant 0 : i32
      %dma_start3A_109 = tpu.memref_slice %arg2[%dma_start3A_107, %dma_start3A_108] : memref<10240x64xf32, #tpu.memory_space<hbm>> -> memref<10240x64xf32, #tpu.memory_space<hbm>>
      tpu.enqueue_indirect_dma source(%dma_start3A_109 : memref<10240x64xf32, #tpu.memory_space<hbm>>) target(%arg13 : memref<256x64xf32, #tpu.memory_space<vmem>>) offsets(%dma_start3A_106 : memref<256xi32, #tpu.memory_space<vmem>>) semaphore(%arg18 : memref<!tpu.dma_semaphore, #tpu.memory_space<semaphore_mem>>)
      %add3A_110 = arith.constant 1 : i32
      %add3A_111 = arith.addi %mul3A_85, %add3A_110 : i32
      %dma_wait3A_112 = arith.constant 0 : i32
      %dma_wait3A_113 = tpu.memref_slice %arg9[%add3A_111, %dma_wait3A_112] : memref<40x256xi32, #tpu.memory_space<vmem>> -> memref<1x256xi32, #tpu.memory_space<vmem>>
      %dma_wait3A_114 = tpu.memref_squeeze %dma_wait3A_113 : memref<1x256xi32, #tpu.memory_space<vmem>> -> memref<256xi32, #tpu.memory_space<vmem>>
      %dma_wait3A_115 = arith.constant 0 : i32
      %dma_wait3A_116 = arith.constant 0 : i32
      %dma_wait3A_117 = tpu.memref_slice %arg2[%dma_wait3A_115, %dma_wait3A_116] : memref<10240x64xf32, #tpu.memory_space<hbm>> -> memref<10240x64xf32, #tpu.memory_space<hbm>>
      tpu.wait_indirect_dma semaphore(%arg17 : memref<!tpu.dma_semaphore, #tpu.memory_space<semaphore_mem>>) src(%dma_wait3A_117 : memref<10240x64xf32, #tpu.memory_space<hbm>>) dst(%arg12 : memref<256x64xf32, #tpu.memory_space<vmem>>)
      %dma_start3A_118 = arith.constant 0 : i32
      %dma_start3A_119 = tpu.memref_slice %arg10[%add3A_111, %dma_start3A_118] : memref<40x256xi32, #tpu.memory_space<vmem>> -> memref<1x256xi32, #tpu.memory_space<vmem>>
      %dma_start3A_120 = tpu.memref_squeeze %dma_start3A_119 : memref<1x256xi32, #tpu.memory_space<vmem>> -> memref<256xi32, #tpu.memory_space<vmem>>
      %dma_start3A_121 = arith.constant 0 : i32
      %dma_start3A_122 = arith.constant 0 : i32
      %dma_start3A_123 = tpu.memref_slice %arg15[%dma_start3A_121, %dma_start3A_122] : memref<10240x64xf32, #tpu.memory_space<vmem_shared>> -> memref<10240x64xf32, #tpu.memory_space<vmem_shared>>
      tpu.enqueue_indirect_dma source(%arg12 : memref<256x64xf32, #tpu.memory_space<vmem>>) target(%dma_start3A_123 : memref<10240x64xf32, #tpu.memory_space<vmem_shared>>) offsets(%dma_start3A_120 : memref<256xi32, #tpu.memory_space<vmem>>) semaphore(%arg21 : memref<!tpu.dma_semaphore, #tpu.memory_space<semaphore_mem>>) {add = true}
      %gt3A_124 = arith.constant 0 : i32
      %gt3A_125 = arith.cmpi sgt, %add3A_83, %gt3A_124 : i32
      %convert_element_type3A_126 = arith.extui %gt3A_125 : i1 to i32
      %cond3A_127 = arith.constant 0 : i32
      %cond3A_128 = arith.cmpi ne, %convert_element_type3A_126, %cond3A_127 : i32
      scf.if %cond3A_128 {
        %sub3A_189 = arith.constant 2 : i32
        %sub3A_190 = arith.subi %add3A_111, %sub3A_189 : i32
        %dma_wait3A_191 = arith.constant 0 : i32
        %dma_wait3A_192 = tpu.memref_slice %arg10[%sub3A_190, %dma_wait3A_191] : memref<40x256xi32, #tpu.memory_space<vmem>> -> memref<1x256xi32, #tpu.memory_space<vmem>>
        %dma_wait3A_193 = tpu.memref_squeeze %dma_wait3A_192 : memref<1x256xi32, #tpu.memory_space<vmem>> -> memref<256xi32, #tpu.memory_space<vmem>>
        %dma_wait3A_194 = arith.constant 0 : i32
        %dma_wait3A_195 = arith.constant 0 : i32
        %dma_wait3A_196 = tpu.memref_slice %arg15[%dma_wait3A_194, %dma_wait3A_195] : memref<10240x64xf32, #tpu.memory_space<vmem_shared>> -> memref<10240x64xf32, #tpu.memory_space<vmem_shared>>
        tpu.wait_indirect_dma semaphore(%arg23 : memref<!tpu.dma_semaphore, #tpu.memory_space<semaphore_mem>>) src(%arg14 : memref<256x64xf32, #tpu.memory_space<vmem>>) dst(%dma_wait3A_196 : memref<10240x64xf32, #tpu.memory_space<vmem_shared>>)
      } else {
      }
      %add3A_129 = arith.constant 2 : i32
      %add3A_130 = arith.addi %add3A_111, %add3A_129 : i32
      %dma_start3A_131 = arith.constant 0 : i32
      %dma_start3A_132 = tpu.memref_slice %arg9[%add3A_130, %dma_start3A_131] : memref<40x256xi32, #tpu.memory_space<vmem>> -> memref<1x256xi32, #tpu.memory_space<vmem>>
      %dma_start3A_133 = tpu.memref_squeeze %dma_start3A_132 : memref<1x256xi32, #tpu.memory_space<vmem>> -> memref<256xi32, #tpu.memory_space<vmem>>
      %dma_start3A_134 = arith.constant 0 : i32
      %dma_start3A_135 = arith.constant 0 : i32
      %dma_start3A_136 = tpu.memref_slice %arg2[%dma_start3A_134, %dma_start3A_135] : memref<10240x64xf32, #tpu.memory_space<hbm>> -> memref<10240x64xf32, #tpu.memory_space<hbm>>
      tpu.enqueue_indirect_dma source(%dma_start3A_136 : memref<10240x64xf32, #tpu.memory_space<hbm>>) target(%arg14 : memref<256x64xf32, #tpu.memory_space<vmem>>) offsets(%dma_start3A_133 : memref<256xi32, #tpu.memory_space<vmem>>) semaphore(%arg19 : memref<!tpu.dma_semaphore, #tpu.memory_space<semaphore_mem>>)
      %add3A_137 = arith.constant 2 : i32
      %add3A_138 = arith.addi %mul3A_85, %add3A_137 : i32
      %dma_wait3A_139 = arith.constant 0 : i32
      %dma_wait3A_140 = tpu.memref_slice %arg9[%add3A_138, %dma_wait3A_139] : memref<40x256xi32, #tpu.memory_space<vmem>> -> memref<1x256xi32, #tpu.memory_space<vmem>>
      %dma_wait3A_141 = tpu.memref_squeeze %dma_wait3A_140 : memref<1x256xi32, #tpu.memory_space<vmem>> -> memref<256xi32, #tpu.memory_space<vmem>>
      %dma_wait3A_142 = arith.constant 0 : i32
      %dma_wait3A_143 = arith.constant 0 : i32
      %dma_wait3A_144 = tpu.memref_slice %arg2[%dma_wait3A_142, %dma_wait3A_143] : memref<10240x64xf32, #tpu.memory_space<hbm>> -> memref<10240x64xf32, #tpu.memory_space<hbm>>
      tpu.wait_indirect_dma semaphore(%arg18 : memref<!tpu.dma_semaphore, #tpu.memory_space<semaphore_mem>>) src(%dma_wait3A_144 : memref<10240x64xf32, #tpu.memory_space<hbm>>) dst(%arg13 : memref<256x64xf32, #tpu.memory_space<vmem>>)
      %dma_start3A_145 = arith.constant 0 : i32
      %dma_start3A_146 = tpu.memref_slice %arg10[%add3A_138, %dma_start3A_145] : memref<40x256xi32, #tpu.memory_space<vmem>> -> memref<1x256xi32, #tpu.memory_space<vmem>>
      %dma_start3A_147 = tpu.memref_squeeze %dma_start3A_146 : memref<1x256xi32, #tpu.memory_space<vmem>> -> memref<256xi32, #tpu.memory_space<vmem>>
      %dma_start3A_148 = arith.constant 0 : i32
      %dma_start3A_149 = arith.constant 0 : i32
      %dma_start3A_150 = tpu.memref_slice %arg15[%dma_start3A_148, %dma_start3A_149] : memref<10240x64xf32, #tpu.memory_space<vmem_shared>> -> memref<10240x64xf32, #tpu.memory_space<vmem_shared>>
      tpu.enqueue_indirect_dma source(%arg13 : memref<256x64xf32, #tpu.memory_space<vmem>>) target(%dma_start3A_150 : memref<10240x64xf32, #tpu.memory_space<vmem_shared>>) offsets(%dma_start3A_147 : memref<256xi32, #tpu.memory_space<vmem>>) semaphore(%arg22 : memref<!tpu.dma_semaphore, #tpu.memory_space<semaphore_mem>>) {add = true}
      %sub3A = arith.constant 2 : i32
      %sub3A_151 = arith.subi %add3A_138, %sub3A : i32
      %dma_wait3A_152 = arith.constant 0 : i32
      %dma_wait3A_153 = tpu.memref_slice %arg10[%sub3A_151, %dma_wait3A_152] : memref<40x256xi32, #tpu.memory_space<vmem>> -> memref<1x256xi32, #tpu.memory_space<vmem>>
      %dma_wait3A_154 = tpu.memref_squeeze %dma_wait3A_153 : memref<1x256xi32, #tpu.memory_space<vmem>> -> memref<256xi32, #tpu.memory_space<vmem>>
      %dma_wait3A_155 = arith.constant 0 : i32
      %dma_wait3A_156 = arith.constant 0 : i32
      %dma_wait3A_157 = tpu.memref_slice %arg15[%dma_wait3A_155, %dma_wait3A_156] : memref<10240x64xf32, #tpu.memory_space<vmem_shared>> -> memref<10240x64xf32, #tpu.memory_space<vmem_shared>>
      tpu.wait_indirect_dma semaphore(%arg20 : memref<!tpu.dma_semaphore, #tpu.memory_space<semaphore_mem>>) src(%arg11 : memref<256x64xf32, #tpu.memory_space<vmem>>) dst(%dma_wait3A_157 : memref<10240x64xf32, #tpu.memory_space<vmem_shared>>)
      %lt3A = arith.constant 9 : i32
      %lt3A_158 = arith.cmpi slt, %add3A_83, %lt3A : i32
      %convert_element_type3A_159 = arith.extui %lt3A_158 : i1 to i32
      %cond3A_160 = arith.constant 0 : i32
      %cond3A_161 = arith.cmpi ne, %convert_element_type3A_159, %cond3A_160 : i32
      scf.if %cond3A_161 {
        %add3A_189 = arith.constant 2 : i32
        %add3A_190 = arith.addi %add3A_138, %add3A_189 : i32
        %dma_start3A_191 = arith.constant 0 : i32
        %dma_start3A_192 = tpu.memref_slice %arg9[%add3A_190, %dma_start3A_191] : memref<40x256xi32, #tpu.memory_space<vmem>> -> memref<1x256xi32, #tpu.memory_space<vmem>>
        %dma_start3A_193 = tpu.memref_squeeze %dma_start3A_192 : memref<1x256xi32, #tpu.memory_space<vmem>> -> memref<256xi32, #tpu.memory_space<vmem>>
        %dma_start3A_194 = arith.constant 0 : i32
        %dma_start3A_195 = arith.constant 0 : i32
        %dma_start3A_196 = tpu.memref_slice %arg2[%dma_start3A_194, %dma_start3A_195] : memref<10240x64xf32, #tpu.memory_space<hbm>> -> memref<10240x64xf32, #tpu.memory_space<hbm>>
        tpu.enqueue_indirect_dma source(%dma_start3A_196 : memref<10240x64xf32, #tpu.memory_space<hbm>>) target(%arg11 : memref<256x64xf32, #tpu.memory_space<vmem>>) offsets(%dma_start3A_193 : memref<256xi32, #tpu.memory_space<vmem>>) semaphore(%arg16 : memref<!tpu.dma_semaphore, #tpu.memory_space<semaphore_mem>>)
      } else {
      }
      %add3A_162 = arith.constant 3 : i32
      %add3A_163 = arith.addi %mul3A_85, %add3A_162 : i32
      %dma_wait3A_164 = arith.constant 0 : i32
      %dma_wait3A_165 = tpu.memref_slice %arg9[%add3A_163, %dma_wait3A_164] : memref<40x256xi32, #tpu.memory_space<vmem>> -> memref<1x256xi32, #tpu.memory_space<vmem>>
      %dma_wait3A_166 = tpu.memref_squeeze %dma_wait3A_165 : memref<1x256xi32, #tpu.memory_space<vmem>> -> memref<256xi32, #tpu.memory_space<vmem>>
      %dma_wait3A_167 = arith.constant 0 : i32
      %dma_wait3A_168 = arith.constant 0 : i32
      %dma_wait3A_169 = tpu.memref_slice %arg2[%dma_wait3A_167, %dma_wait3A_168] : memref<10240x64xf32, #tpu.memory_space<hbm>> -> memref<10240x64xf32, #tpu.memory_space<hbm>>
      tpu.wait_indirect_dma semaphore(%arg19 : memref<!tpu.dma_semaphore, #tpu.memory_space<semaphore_mem>>) src(%dma_wait3A_169 : memref<10240x64xf32, #tpu.memory_space<hbm>>) dst(%arg14 : memref<256x64xf32, #tpu.memory_space<vmem>>)
      %dma_start3A_170 = arith.constant 0 : i32
      %dma_start3A_171 = tpu.memref_slice %arg10[%add3A_163, %dma_start3A_170] : memref<40x256xi32, #tpu.memory_space<vmem>> -> memref<1x256xi32, #tpu.memory_space<vmem>>
      %dma_start3A_172 = tpu.memref_squeeze %dma_start3A_171 : memref<1x256xi32, #tpu.memory_space<vmem>> -> memref<256xi32, #tpu.memory_space<vmem>>
      %dma_start3A_173 = arith.constant 0 : i32
      %dma_start3A_174 = arith.constant 0 : i32
      %dma_start3A_175 = tpu.memref_slice %arg15[%dma_start3A_173, %dma_start3A_174] : memref<10240x64xf32, #tpu.memory_space<vmem_shared>> -> memref<10240x64xf32, #tpu.memory_space<vmem_shared>>
      tpu.enqueue_indirect_dma source(%arg14 : memref<256x64xf32, #tpu.memory_space<vmem>>) target(%dma_start3A_175 : memref<10240x64xf32, #tpu.memory_space<vmem_shared>>) offsets(%dma_start3A_172 : memref<256xi32, #tpu.memory_space<vmem>>) semaphore(%arg23 : memref<!tpu.dma_semaphore, #tpu.memory_space<semaphore_mem>>) {add = true}
      %sub3A_176 = arith.constant 2 : i32
      %sub3A_177 = arith.subi %add3A_163, %sub3A_176 : i32
      %dma_wait3A_178 = arith.constant 0 : i32
      %dma_wait3A_179 = tpu.memref_slice %arg10[%sub3A_177, %dma_wait3A_178] : memref<40x256xi32, #tpu.memory_space<vmem>> -> memref<1x256xi32, #tpu.memory_space<vmem>>
      %dma_wait3A_180 = tpu.memref_squeeze %dma_wait3A_179 : memref<1x256xi32, #tpu.memory_space<vmem>> -> memref<256xi32, #tpu.memory_space<vmem>>
      %dma_wait3A_181 = arith.constant 0 : i32
      %dma_wait3A_182 = arith.constant 0 : i32
      %dma_wait3A_183 = tpu.memref_slice %arg15[%dma_wait3A_181, %dma_wait3A_182] : memref<10240x64xf32, #tpu.memory_space<vmem_shared>> -> memref<10240x64xf32, #tpu.memory_space<vmem_shared>>
      tpu.wait_indirect_dma semaphore(%arg21 : memref<!tpu.dma_semaphore, #tpu.memory_space<semaphore_mem>>) src(%arg12 : memref<256x64xf32, #tpu.memory_space<vmem>>) dst(%dma_wait3A_183 : memref<10240x64xf32, #tpu.memory_space<vmem_shared>>)
      %lt3A_184 = arith.constant 9 : i32
      %lt3A_185 = arith.cmpi slt, %add3A_83, %lt3A_184 : i32
      %convert_element_type3A_186 = arith.extui %lt3A_185 : i1 to i32
      %cond3A_187 = arith.constant 0 : i32
      %cond3A_188 = arith.cmpi ne, %convert_element_type3A_186, %cond3A_187 : i32
      scf.if %cond3A_188 {
        %add3A_189 = arith.constant 2 : i32
        %add3A_190 = arith.addi %add3A_163, %add3A_189 : i32
        %dma_start3A_191 = arith.constant 0 : i32
        %dma_start3A_192 = tpu.memref_slice %arg9[%add3A_190, %dma_start3A_191] : memref<40x256xi32, #tpu.memory_space<vmem>> -> memref<1x256xi32, #tpu.memory_space<vmem>>
        %dma_start3A_193 = tpu.memref_squeeze %dma_start3A_192 : memref<1x256xi32, #tpu.memory_space<vmem>> -> memref<256xi32, #tpu.memory_space<vmem>>
        %dma_start3A_194 = arith.constant 0 : i32
        %dma_start3A_195 = arith.constant 0 : i32
        %dma_start3A_196 = tpu.memref_slice %arg2[%dma_start3A_194, %dma_start3A_195] : memref<10240x64xf32, #tpu.memory_space<hbm>> -> memref<10240x64xf32, #tpu.memory_space<hbm>>
        tpu.enqueue_indirect_dma source(%dma_start3A_196 : memref<10240x64xf32, #tpu.memory_space<hbm>>) target(%arg12 : memref<256x64xf32, #tpu.memory_space<vmem>>) offsets(%dma_start3A_193 : memref<256xi32, #tpu.memory_space<vmem>>) semaphore(%arg17 : memref<!tpu.dma_semaphore, #tpu.memory_space<semaphore_mem>>)
      } else {
      }
    }
    %scan3A_19 = arith.constant 10 : i32
    %dma_wait3A = arith.constant 38 : i32
    %dma_wait3A_20 = arith.constant 0 : i32
    %dma_wait3A_21 = tpu.memref_slice %arg10[%dma_wait3A, %dma_wait3A_20] : memref<40x256xi32, #tpu.memory_space<vmem>> -> memref<1x256xi32, #tpu.memory_space<vmem>>
    %dma_wait3A_22 = tpu.memref_squeeze %dma_wait3A_21 : memref<1x256xi32, #tpu.memory_space<vmem>> -> memref<256xi32, #tpu.memory_space<vmem>>
    %dma_wait3A_23 = arith.constant 0 : i32
    %dma_wait3A_24 = arith.constant 0 : i32
    %dma_wait3A_25 = tpu.memref_slice %arg15[%dma_wait3A_23, %dma_wait3A_24] : memref<10240x64xf32, #tpu.memory_space<vmem_shared>> -> memref<10240x64xf32, #tpu.memory_space<vmem_shared>>
    tpu.wait_indirect_dma semaphore(%arg22 : memref<!tpu.dma_semaphore, #tpu.memory_space<semaphore_mem>>) src(%arg13 : memref<256x64xf32, #tpu.memory_space<vmem>>) dst(%dma_wait3A_25 : memref<10240x64xf32, #tpu.memory_space<vmem_shared>>)
    %dma_wait3A_26 = arith.constant 39 : i32
    %dma_wait3A_27 = arith.constant 0 : i32
    %dma_wait3A_28 = tpu.memref_slice %arg10[%dma_wait3A_26, %dma_wait3A_27] : memref<40x256xi32, #tpu.memory_space<vmem>> -> memref<1x256xi32, #tpu.memory_space<vmem>>
    %dma_wait3A_29 = tpu.memref_squeeze %dma_wait3A_28 : memref<1x256xi32, #tpu.memory_space<vmem>> -> memref<256xi32, #tpu.memory_space<vmem>>
    %dma_wait3A_30 = arith.constant 0 : i32
    %dma_wait3A_31 = arith.constant 0 : i32
    %dma_wait3A_32 = tpu.memref_slice %arg15[%dma_wait3A_30, %dma_wait3A_31] : memref<10240x64xf32, #tpu.memory_space<vmem_shared>> -> memref<10240x64xf32, #tpu.memory_space<vmem_shared>>
    tpu.wait_indirect_dma semaphore(%arg23 : memref<!tpu.dma_semaphore, #tpu.memory_space<semaphore_mem>>) src(%arg14 : memref<256x64xf32, #tpu.memory_space<vmem>>) dst(%dma_wait3A_32 : memref<10240x64xf32, #tpu.memory_space<vmem_shared>>)
    %barrier3A_33 = arith.constant 0 : index
    tpu.barrier barrier_id(%barrier3A_33)
    %mul3A_34 = arith.constant 640 : i32
    %mul3A_35 = arith.muli %arg1, %mul3A_34 : i32
    %mul3A_36 = arith.constant 640 : i32
    %mul3A_37 = arith.muli %arg1, %mul3A_36 : i32
    "tpu.region"() ({
      %run_scoped3A = tpu.sem_alloc : memref<!tpu.dma_semaphore, #tpu.memory_space<semaphore_mem>>
      %dma_start3A_79 = arith.constant 0 : i32
      %dma_start3A_80 = tpu.memref_slice %arg7[%arg0, %mul3A_37, %dma_start3A_79] : memref<2x10240x128xf32, #tpu.memory_space<hbm>> -> memref<1x640x64xf32, #tpu.memory_space<hbm>>
      %dma_start3A_81 = tpu.memref_squeeze %dma_start3A_80 : memref<1x640x64xf32, #tpu.memory_space<hbm>> -> memref<640x64xf32, #tpu.memory_space<hbm>>
      %dma_start3A_82 = arith.constant 0 : i32
      %dma_start3A_83 = tpu.memref_slice %arg15[%mul3A_35, %dma_start3A_82] : memref<10240x64xf32, #tpu.memory_space<vmem_shared>> -> memref<640x64xf32, #tpu.memory_space<vmem_shared>>
      tpu.enqueue_dma source(%dma_start3A_83 : memref<640x64xf32, #tpu.memory_space<vmem_shared>>) target(%dma_start3A_81 : memref<640x64xf32, #tpu.memory_space<hbm>>) target_semaphore(%run_scoped3A : memref<!tpu.dma_semaphore, #tpu.memory_space<semaphore_mem>>)
      %dma_wait3A_84 = arith.constant 0 : i32
      %dma_wait3A_85 = tpu.memref_slice %arg7[%arg0, %mul3A_37, %dma_wait3A_84] : memref<2x10240x128xf32, #tpu.memory_space<hbm>> -> memref<1x640x64xf32, #tpu.memory_space<hbm>>
      %dma_wait3A_86 = tpu.memref_squeeze %dma_wait3A_85 : memref<1x640x64xf32, #tpu.memory_space<hbm>> -> memref<640x64xf32, #tpu.memory_space<hbm>>
      %dma_wait3A_87 = arith.constant 0 : i32
      %dma_wait3A_88 = tpu.memref_slice %arg15[%mul3A_35, %dma_wait3A_87] : memref<10240x64xf32, #tpu.memory_space<vmem_shared>> -> memref<640x64xf32, #tpu.memory_space<vmem_shared>>
      tpu.wait_dma2 semaphore(%run_scoped3A : memref<!tpu.dma_semaphore, #tpu.memory_space<semaphore_mem>>) src(%dma_wait3A_88 : memref<640x64xf32, #tpu.memory_space<vmem_shared>>) dst(%dma_wait3A_86 : memref<640x64xf32, #tpu.memory_space<hbm>>)
      tpu.yield
    }) : () -> ()
    %mul3A_38 = arith.constant 640 : i32
    %mul3A_39 = arith.muli %arg1, %mul3A_38 : i32
    "tpu.region"() ({
      %run_scoped3A = tpu.sem_alloc : memref<!tpu.dma_semaphore, #tpu.memory_space<semaphore_mem>>
      %dma_start3A_79 = arith.constant 0 : i32
      %dma_start3A_80 = tpu.memref_slice %arg15[%mul3A_39, %dma_start3A_79] : memref<10240x64xf32, #tpu.memory_space<vmem_shared>> -> memref<640x64xf32, #tpu.memory_space<vmem_shared>>
      tpu.enqueue_dma source(%arg6 : memref<640x64xf32, #tpu.memory_space<hbm>>) target(%dma_start3A_80 : memref<640x64xf32, #tpu.memory_space<vmem_shared>>) target_semaphore(%run_scoped3A : memref<!tpu.dma_semaphore, #tpu.memory_space<semaphore_mem>>)
      %dma_wait3A_81 = arith.constant 0 : i32
      %dma_wait3A_82 = tpu.memref_slice %arg15[%mul3A_39, %dma_wait3A_81] : memref<10240x64xf32, #tpu.memory_space<vmem_shared>> -> memref<640x64xf32, #tpu.memory_space<vmem_shared>>
      tpu.wait_dma2 semaphore(%run_scoped3A : memref<!tpu.dma_semaphore, #tpu.memory_space<semaphore_mem>>) src(%arg6 : memref<640x64xf32, #tpu.memory_space<hbm>>) dst(%dma_wait3A_82 : memref<640x64xf32, #tpu.memory_space<vmem_shared>>)
      tpu.yield
    }) : () -> ()
    %barrier3A_40 = arith.constant 0 : index
    tpu.barrier barrier_id(%barrier3A_40)
    %dma_start3A_41 = arith.constant 0 : i32
    %dma_start3A_42 = arith.constant 0 : i32
    %dma_start3A_43 = tpu.memref_slice %arg9[%dma_start3A_41, %dma_start3A_42] : memref<40x256xi32, #tpu.memory_space<vmem>> -> memref<1x256xi32, #tpu.memory_space<vmem>>
    %dma_start3A_44 = tpu.memref_squeeze %dma_start3A_43 : memref<1x256xi32, #tpu.memory_space<vmem>> -> memref<256xi32, #tpu.memory_space<vmem>>
    %dma_start3A_45 = arith.constant 0 : i32
    %dma_start3A_46 = arith.constant 0 : i32
    %dma_start3A_47 = tpu.memref_slice %arg3[%dma_start3A_45, %dma_start3A_46] : memref<10240x64xf32, #tpu.memory_space<hbm>> -> memref<10240x64xf32, #tpu.memory_space<hbm>>
    tpu.enqueue_indirect_dma source(%dma_start3A_47 : memref<10240x64xf32, #tpu.memory_space<hbm>>) target(%arg11 : memref<256x64xf32, #tpu.memory_space<vmem>>) offsets(%dma_start3A_44 : memref<256xi32, #tpu.memory_space<vmem>>) semaphore(%arg16 : memref<!tpu.dma_semaphore, #tpu.memory_space<semaphore_mem>>)
    %dma_start3A_48 = arith.constant 1 : i32
    %dma_start3A_49 = arith.constant 0 : i32
    %dma_start3A_50 = tpu.memref_slice %arg9[%dma_start3A_48, %dma_start3A_49] : memref<40x256xi32, #tpu.memory_space<vmem>> -> memref<1x256xi32, #tpu.memory_space<vmem>>
    %dma_start3A_51 = tpu.memref_squeeze %dma_start3A_50 : memref<1x256xi32, #tpu.memory_space<vmem>> -> memref<256xi32, #tpu.memory_space<vmem>>
    %dma_start3A_52 = arith.constant 0 : i32
    %dma_start3A_53 = arith.constant 0 : i32
    %dma_start3A_54 = tpu.memref_slice %arg3[%dma_start3A_52, %dma_start3A_53] : memref<10240x64xf32, #tpu.memory_space<hbm>> -> memref<10240x64xf32, #tpu.memory_space<hbm>>
    tpu.enqueue_indirect_dma source(%dma_start3A_54 : memref<10240x64xf32, #tpu.memory_space<hbm>>) target(%arg12 : memref<256x64xf32, #tpu.memory_space<vmem>>) offsets(%dma_start3A_51 : memref<256xi32, #tpu.memory_space<vmem>>) semaphore(%arg17 : memref<!tpu.dma_semaphore, #tpu.memory_space<semaphore_mem>>)
    %scan3A_55 = arith.constant 0 : i32
    %scan3A_56 = arith.constant 10 : i32
    %scan3A_57 = arith.addi %scan3A_55, %scan3A_56 : i32
    %scan3A_58 = arith.constant 1 : i32
    scf.for %scan3A_79 = %scan3A_55 to %scan3A_57 step %scan3A_58  : i32 {
      %mul3A_80 = arith.constant 1 : i32
      %mul3A_81 = arith.muli %scan3A_79, %mul3A_80 : i32
      %add3A_82 = arith.constant 0 : i32
      %add3A_83 = arith.addi %add3A_82, %mul3A_81 : i32
      %mul3A_84 = arith.constant 4 : i32
      %mul3A_85 = arith.muli %mul3A_84, %add3A_83 : i32
      %add3A_86 = arith.constant 0 : i32
      %add3A_87 = arith.addi %mul3A_85, %add3A_86 : i32
      %dma_wait3A_88 = arith.constant 0 : i32
      %dma_wait3A_89 = tpu.memref_slice %arg9[%add3A_87, %dma_wait3A_88] : memref<40x256xi32, #tpu.memory_space<vmem>> -> memref<1x256xi32, #tpu.memory_space<vmem>>
      %dma_wait3A_90 = tpu.memref_squeeze %dma_wait3A_89 : memref<1x256xi32, #tpu.memory_space<vmem>> -> memref<256xi32, #tpu.memory_space<vmem>>
      %dma_wait3A_91 = arith.constant 0 : i32
      %dma_wait3A_92 = arith.constant 0 : i32
      %dma_wait3A_93 = tpu.memref_slice %arg3[%dma_wait3A_91, %dma_wait3A_92] : memref<10240x64xf32, #tpu.memory_space<hbm>> -> memref<10240x64xf32, #tpu.memory_space<hbm>>
      tpu.wait_indirect_dma semaphore(%arg16 : memref<!tpu.dma_semaphore, #tpu.memory_space<semaphore_mem>>) src(%dma_wait3A_93 : memref<10240x64xf32, #tpu.memory_space<hbm>>) dst(%arg11 : memref<256x64xf32, #tpu.memory_space<vmem>>)
      %dma_start3A_94 = arith.constant 0 : i32
      %dma_start3A_95 = tpu.memref_slice %arg10[%add3A_87, %dma_start3A_94] : memref<40x256xi32, #tpu.memory_space<vmem>> -> memref<1x256xi32, #tpu.memory_space<vmem>>
      %dma_start3A_96 = tpu.memref_squeeze %dma_start3A_95 : memref<1x256xi32, #tpu.memory_space<vmem>> -> memref<256xi32, #tpu.memory_space<vmem>>
      %dma_start3A_97 = arith.constant 0 : i32
      %dma_start3A_98 = arith.constant 0 : i32
      %dma_start3A_99 = tpu.memref_slice %arg15[%dma_start3A_97, %dma_start3A_98] : memref<10240x64xf32, #tpu.memory_space<vmem_shared>> -> memref<10240x64xf32, #tpu.memory_space<vmem_shared>>
      tpu.enqueue_indirect_dma source(%arg11 : memref<256x64xf32, #tpu.memory_space<vmem>>) target(%dma_start3A_99 : memref<10240x64xf32, #tpu.memory_space<vmem_shared>>) offsets(%dma_start3A_96 : memref<256xi32, #tpu.memory_space<vmem>>) semaphore(%arg20 : memref<!tpu.dma_semaphore, #tpu.memory_space<semaphore_mem>>) {add = true}
      %gt3A = arith.constant 0 : i32
      %gt3A_100 = arith.cmpi sgt, %add3A_83, %gt3A : i32
      %convert_element_type3A = arith.extui %gt3A_100 : i1 to i32
      %cond3A = arith.constant 0 : i32
      %cond3A_101 = arith.cmpi ne, %convert_element_type3A, %cond3A : i32
      scf.if %cond3A_101 {
        %sub3A_189 = arith.constant 2 : i32
        %sub3A_190 = arith.subi %add3A_87, %sub3A_189 : i32
        %dma_wait3A_191 = arith.constant 0 : i32
        %dma_wait3A_192 = tpu.memref_slice %arg10[%sub3A_190, %dma_wait3A_191] : memref<40x256xi32, #tpu.memory_space<vmem>> -> memref<1x256xi32, #tpu.memory_space<vmem>>
        %dma_wait3A_193 = tpu.memref_squeeze %dma_wait3A_192 : memref<1x256xi32, #tpu.memory_space<vmem>> -> memref<256xi32, #tpu.memory_space<vmem>>
        %dma_wait3A_194 = arith.constant 0 : i32
        %dma_wait3A_195 = arith.constant 0 : i32
        %dma_wait3A_196 = tpu.memref_slice %arg15[%dma_wait3A_194, %dma_wait3A_195] : memref<10240x64xf32, #tpu.memory_space<vmem_shared>> -> memref<10240x64xf32, #tpu.memory_space<vmem_shared>>
        tpu.wait_indirect_dma semaphore(%arg22 : memref<!tpu.dma_semaphore, #tpu.memory_space<semaphore_mem>>) src(%arg13 : memref<256x64xf32, #tpu.memory_space<vmem>>) dst(%dma_wait3A_196 : memref<10240x64xf32, #tpu.memory_space<vmem_shared>>)
      } else {
      }
      %add3A_102 = arith.constant 2 : i32
      %add3A_103 = arith.addi %add3A_87, %add3A_102 : i32
      %dma_start3A_104 = arith.constant 0 : i32
      %dma_start3A_105 = tpu.memref_slice %arg9[%add3A_103, %dma_start3A_104] : memref<40x256xi32, #tpu.memory_space<vmem>> -> memref<1x256xi32, #tpu.memory_space<vmem>>
      %dma_start3A_106 = tpu.memref_squeeze %dma_start3A_105 : memref<1x256xi32, #tpu.memory_space<vmem>> -> memref<256xi32, #tpu.memory_space<vmem>>
      %dma_start3A_107 = arith.constant 0 : i32
      %dma_start3A_108 = arith.constant 0 : i32
      %dma_start3A_109 = tpu.memref_slice %arg3[%dma_start3A_107, %dma_start3A_108] : memref<10240x64xf32, #tpu.memory_space<hbm>> -> memref<10240x64xf32, #tpu.memory_space<hbm>>
      tpu.enqueue_indirect_dma source(%dma_start3A_109 : memref<10240x64xf32, #tpu.memory_space<hbm>>) target(%arg13 : memref<256x64xf32, #tpu.memory_space<vmem>>) offsets(%dma_start3A_106 : memref<256xi32, #tpu.memory_space<vmem>>) semaphore(%arg18 : memref<!tpu.dma_semaphore, #tpu.memory_space<semaphore_mem>>)
      %add3A_110 = arith.constant 1 : i32
      %add3A_111 = arith.addi %mul3A_85, %add3A_110 : i32
      %dma_wait3A_112 = arith.constant 0 : i32
      %dma_wait3A_113 = tpu.memref_slice %arg9[%add3A_111, %dma_wait3A_112] : memref<40x256xi32, #tpu.memory_space<vmem>> -> memref<1x256xi32, #tpu.memory_space<vmem>>
      %dma_wait3A_114 = tpu.memref_squeeze %dma_wait3A_113 : memref<1x256xi32, #tpu.memory_space<vmem>> -> memref<256xi32, #tpu.memory_space<vmem>>
      %dma_wait3A_115 = arith.constant 0 : i32
      %dma_wait3A_116 = arith.constant 0 : i32
      %dma_wait3A_117 = tpu.memref_slice %arg3[%dma_wait3A_115, %dma_wait3A_116] : memref<10240x64xf32, #tpu.memory_space<hbm>> -> memref<10240x64xf32, #tpu.memory_space<hbm>>
      tpu.wait_indirect_dma semaphore(%arg17 : memref<!tpu.dma_semaphore, #tpu.memory_space<semaphore_mem>>) src(%dma_wait3A_117 : memref<10240x64xf32, #tpu.memory_space<hbm>>) dst(%arg12 : memref<256x64xf32, #tpu.memory_space<vmem>>)
      %dma_start3A_118 = arith.constant 0 : i32
      %dma_start3A_119 = tpu.memref_slice %arg10[%add3A_111, %dma_start3A_118] : memref<40x256xi32, #tpu.memory_space<vmem>> -> memref<1x256xi32, #tpu.memory_space<vmem>>
      %dma_start3A_120 = tpu.memref_squeeze %dma_start3A_119 : memref<1x256xi32, #tpu.memory_space<vmem>> -> memref<256xi32, #tpu.memory_space<vmem>>
      %dma_start3A_121 = arith.constant 0 : i32
      %dma_start3A_122 = arith.constant 0 : i32
      %dma_start3A_123 = tpu.memref_slice %arg15[%dma_start3A_121, %dma_start3A_122] : memref<10240x64xf32, #tpu.memory_space<vmem_shared>> -> memref<10240x64xf32, #tpu.memory_space<vmem_shared>>
      tpu.enqueue_indirect_dma source(%arg12 : memref<256x64xf32, #tpu.memory_space<vmem>>) target(%dma_start3A_123 : memref<10240x64xf32, #tpu.memory_space<vmem_shared>>) offsets(%dma_start3A_120 : memref<256xi32, #tpu.memory_space<vmem>>) semaphore(%arg21 : memref<!tpu.dma_semaphore, #tpu.memory_space<semaphore_mem>>) {add = true}
      %gt3A_124 = arith.constant 0 : i32
      %gt3A_125 = arith.cmpi sgt, %add3A_83, %gt3A_124 : i32
      %convert_element_type3A_126 = arith.extui %gt3A_125 : i1 to i32
      %cond3A_127 = arith.constant 0 : i32
      %cond3A_128 = arith.cmpi ne, %convert_element_type3A_126, %cond3A_127 : i32
      scf.if %cond3A_128 {
        %sub3A_189 = arith.constant 2 : i32
        %sub3A_190 = arith.subi %add3A_111, %sub3A_189 : i32
        %dma_wait3A_191 = arith.constant 0 : i32
        %dma_wait3A_192 = tpu.memref_slice %arg10[%sub3A_190, %dma_wait3A_191] : memref<40x256xi32, #tpu.memory_space<vmem>> -> memref<1x256xi32, #tpu.memory_space<vmem>>
        %dma_wait3A_193 = tpu.memref_squeeze %dma_wait3A_192 : memref<1x256xi32, #tpu.memory_space<vmem>> -> memref<256xi32, #tpu.memory_space<vmem>>
        %dma_wait3A_194 = arith.constant 0 : i32
        %dma_wait3A_195 = arith.constant 0 : i32
        %dma_wait3A_196 = tpu.memref_slice %arg15[%dma_wait3A_194, %dma_wait3A_195] : memref<10240x64xf32, #tpu.memory_space<vmem_shared>> -> memref<10240x64xf32, #tpu.memory_space<vmem_shared>>
        tpu.wait_indirect_dma semaphore(%arg23 : memref<!tpu.dma_semaphore, #tpu.memory_space<semaphore_mem>>) src(%arg14 : memref<256x64xf32, #tpu.memory_space<vmem>>) dst(%dma_wait3A_196 : memref<10240x64xf32, #tpu.memory_space<vmem_shared>>)
      } else {
      }
      %add3A_129 = arith.constant 2 : i32
      %add3A_130 = arith.addi %add3A_111, %add3A_129 : i32
      %dma_start3A_131 = arith.constant 0 : i32
      %dma_start3A_132 = tpu.memref_slice %arg9[%add3A_130, %dma_start3A_131] : memref<40x256xi32, #tpu.memory_space<vmem>> -> memref<1x256xi32, #tpu.memory_space<vmem>>
      %dma_start3A_133 = tpu.memref_squeeze %dma_start3A_132 : memref<1x256xi32, #tpu.memory_space<vmem>> -> memref<256xi32, #tpu.memory_space<vmem>>
      %dma_start3A_134 = arith.constant 0 : i32
      %dma_start3A_135 = arith.constant 0 : i32
      %dma_start3A_136 = tpu.memref_slice %arg3[%dma_start3A_134, %dma_start3A_135] : memref<10240x64xf32, #tpu.memory_space<hbm>> -> memref<10240x64xf32, #tpu.memory_space<hbm>>
      tpu.enqueue_indirect_dma source(%dma_start3A_136 : memref<10240x64xf32, #tpu.memory_space<hbm>>) target(%arg14 : memref<256x64xf32, #tpu.memory_space<vmem>>) offsets(%dma_start3A_133 : memref<256xi32, #tpu.memory_space<vmem>>) semaphore(%arg19 : memref<!tpu.dma_semaphore, #tpu.memory_space<semaphore_mem>>)
      %add3A_137 = arith.constant 2 : i32
      %add3A_138 = arith.addi %mul3A_85, %add3A_137 : i32
      %dma_wait3A_139 = arith.constant 0 : i32
      %dma_wait3A_140 = tpu.memref_slice %arg9[%add3A_138, %dma_wait3A_139] : memref<40x256xi32, #tpu.memory_space<vmem>> -> memref<1x256xi32, #tpu.memory_space<vmem>>
      %dma_wait3A_141 = tpu.memref_squeeze %dma_wait3A_140 : memref<1x256xi32, #tpu.memory_space<vmem>> -> memref<256xi32, #tpu.memory_space<vmem>>
      %dma_wait3A_142 = arith.constant 0 : i32
      %dma_wait3A_143 = arith.constant 0 : i32
      %dma_wait3A_144 = tpu.memref_slice %arg3[%dma_wait3A_142, %dma_wait3A_143] : memref<10240x64xf32, #tpu.memory_space<hbm>> -> memref<10240x64xf32, #tpu.memory_space<hbm>>
      tpu.wait_indirect_dma semaphore(%arg18 : memref<!tpu.dma_semaphore, #tpu.memory_space<semaphore_mem>>) src(%dma_wait3A_144 : memref<10240x64xf32, #tpu.memory_space<hbm>>) dst(%arg13 : memref<256x64xf32, #tpu.memory_space<vmem>>)
      %dma_start3A_145 = arith.constant 0 : i32
      %dma_start3A_146 = tpu.memref_slice %arg10[%add3A_138, %dma_start3A_145] : memref<40x256xi32, #tpu.memory_space<vmem>> -> memref<1x256xi32, #tpu.memory_space<vmem>>
      %dma_start3A_147 = tpu.memref_squeeze %dma_start3A_146 : memref<1x256xi32, #tpu.memory_space<vmem>> -> memref<256xi32, #tpu.memory_space<vmem>>
      %dma_start3A_148 = arith.constant 0 : i32
      %dma_start3A_149 = arith.constant 0 : i32
      %dma_start3A_150 = tpu.memref_slice %arg15[%dma_start3A_148, %dma_start3A_149] : memref<10240x64xf32, #tpu.memory_space<vmem_shared>> -> memref<10240x64xf32, #tpu.memory_space<vmem_shared>>
      tpu.enqueue_indirect_dma source(%arg13 : memref<256x64xf32, #tpu.memory_space<vmem>>) target(%dma_start3A_150 : memref<10240x64xf32, #tpu.memory_space<vmem_shared>>) offsets(%dma_start3A_147 : memref<256xi32, #tpu.memory_space<vmem>>) semaphore(%arg22 : memref<!tpu.dma_semaphore, #tpu.memory_space<semaphore_mem>>) {add = true}
      %sub3A = arith.constant 2 : i32
      %sub3A_151 = arith.subi %add3A_138, %sub3A : i32
      %dma_wait3A_152 = arith.constant 0 : i32
      %dma_wait3A_153 = tpu.memref_slice %arg10[%sub3A_151, %dma_wait3A_152] : memref<40x256xi32, #tpu.memory_space<vmem>> -> memref<1x256xi32, #tpu.memory_space<vmem>>
      %dma_wait3A_154 = tpu.memref_squeeze %dma_wait3A_153 : memref<1x256xi32, #tpu.memory_space<vmem>> -> memref<256xi32, #tpu.memory_space<vmem>>
      %dma_wait3A_155 = arith.constant 0 : i32
      %dma_wait3A_156 = arith.constant 0 : i32
      %dma_wait3A_157 = tpu.memref_slice %arg15[%dma_wait3A_155, %dma_wait3A_156] : memref<10240x64xf32, #tpu.memory_space<vmem_shared>> -> memref<10240x64xf32, #tpu.memory_space<vmem_shared>>
      tpu.wait_indirect_dma semaphore(%arg20 : memref<!tpu.dma_semaphore, #tpu.memory_space<semaphore_mem>>) src(%arg11 : memref<256x64xf32, #tpu.memory_space<vmem>>) dst(%dma_wait3A_157 : memref<10240x64xf32, #tpu.memory_space<vmem_shared>>)
      %lt3A = arith.constant 9 : i32
      %lt3A_158 = arith.cmpi slt, %add3A_83, %lt3A : i32
      %convert_element_type3A_159 = arith.extui %lt3A_158 : i1 to i32
      %cond3A_160 = arith.constant 0 : i32
      %cond3A_161 = arith.cmpi ne, %convert_element_type3A_159, %cond3A_160 : i32
      scf.if %cond3A_161 {
        %add3A_189 = arith.constant 2 : i32
        %add3A_190 = arith.addi %add3A_138, %add3A_189 : i32
        %dma_start3A_191 = arith.constant 0 : i32
        %dma_start3A_192 = tpu.memref_slice %arg9[%add3A_190, %dma_start3A_191] : memref<40x256xi32, #tpu.memory_space<vmem>> -> memref<1x256xi32, #tpu.memory_space<vmem>>
        %dma_start3A_193 = tpu.memref_squeeze %dma_start3A_192 : memref<1x256xi32, #tpu.memory_space<vmem>> -> memref<256xi32, #tpu.memory_space<vmem>>
        %dma_start3A_194 = arith.constant 0 : i32
        %dma_start3A_195 = arith.constant 0 : i32
        %dma_start3A_196 = tpu.memref_slice %arg3[%dma_start3A_194, %dma_start3A_195] : memref<10240x64xf32, #tpu.memory_space<hbm>> -> memref<10240x64xf32, #tpu.memory_space<hbm>>
        tpu.enqueue_indirect_dma source(%dma_start3A_196 : memref<10240x64xf32, #tpu.memory_space<hbm>>) target(%arg11 : memref<256x64xf32, #tpu.memory_space<vmem>>) offsets(%dma_start3A_193 : memref<256xi32, #tpu.memory_space<vmem>>) semaphore(%arg16 : memref<!tpu.dma_semaphore, #tpu.memory_space<semaphore_mem>>)
      } else {
      }
      %add3A_162 = arith.constant 3 : i32
      %add3A_163 = arith.addi %mul3A_85, %add3A_162 : i32
      %dma_wait3A_164 = arith.constant 0 : i32
      %dma_wait3A_165 = tpu.memref_slice %arg9[%add3A_163, %dma_wait3A_164] : memref<40x256xi32, #tpu.memory_space<vmem>> -> memref<1x256xi32, #tpu.memory_space<vmem>>
      %dma_wait3A_166 = tpu.memref_squeeze %dma_wait3A_165 : memref<1x256xi32, #tpu.memory_space<vmem>> -> memref<256xi32, #tpu.memory_space<vmem>>
      %dma_wait3A_167 = arith.constant 0 : i32
      %dma_wait3A_168 = arith.constant 0 : i32
      %dma_wait3A_169 = tpu.memref_slice %arg3[%dma_wait3A_167, %dma_wait3A_168] : memref<10240x64xf32, #tpu.memory_space<hbm>> -> memref<10240x64xf32, #tpu.memory_space<hbm>>
      tpu.wait_indirect_dma semaphore(%arg19 : memref<!tpu.dma_semaphore, #tpu.memory_space<semaphore_mem>>) src(%dma_wait3A_169 : memref<10240x64xf32, #tpu.memory_space<hbm>>) dst(%arg14 : memref<256x64xf32, #tpu.memory_space<vmem>>)
      %dma_start3A_170 = arith.constant 0 : i32
      %dma_start3A_171 = tpu.memref_slice %arg10[%add3A_163, %dma_start3A_170] : memref<40x256xi32, #tpu.memory_space<vmem>> -> memref<1x256xi32, #tpu.memory_space<vmem>>
      %dma_start3A_172 = tpu.memref_squeeze %dma_start3A_171 : memref<1x256xi32, #tpu.memory_space<vmem>> -> memref<256xi32, #tpu.memory_space<vmem>>
      %dma_start3A_173 = arith.constant 0 : i32
      %dma_start3A_174 = arith.constant 0 : i32
      %dma_start3A_175 = tpu.memref_slice %arg15[%dma_start3A_173, %dma_start3A_174] : memref<10240x64xf32, #tpu.memory_space<vmem_shared>> -> memref<10240x64xf32, #tpu.memory_space<vmem_shared>>
      tpu.enqueue_indirect_dma source(%arg14 : memref<256x64xf32, #tpu.memory_space<vmem>>) target(%dma_start3A_175 : memref<10240x64xf32, #tpu.memory_space<vmem_shared>>) offsets(%dma_start3A_172 : memref<256xi32, #tpu.memory_space<vmem>>) semaphore(%arg23 : memref<!tpu.dma_semaphore, #tpu.memory_space<semaphore_mem>>) {add = true}
      %sub3A_176 = arith.constant 2 : i32
      %sub3A_177 = arith.subi %add3A_163, %sub3A_176 : i32
      %dma_wait3A_178 = arith.constant 0 : i32
      %dma_wait3A_179 = tpu.memref_slice %arg10[%sub3A_177, %dma_wait3A_178] : memref<40x256xi32, #tpu.memory_space<vmem>> -> memref<1x256xi32, #tpu.memory_space<vmem>>
      %dma_wait3A_180 = tpu.memref_squeeze %dma_wait3A_179 : memref<1x256xi32, #tpu.memory_space<vmem>> -> memref<256xi32, #tpu.memory_space<vmem>>
      %dma_wait3A_181 = arith.constant 0 : i32
      %dma_wait3A_182 = arith.constant 0 : i32
      %dma_wait3A_183 = tpu.memref_slice %arg15[%dma_wait3A_181, %dma_wait3A_182] : memref<10240x64xf32, #tpu.memory_space<vmem_shared>> -> memref<10240x64xf32, #tpu.memory_space<vmem_shared>>
      tpu.wait_indirect_dma semaphore(%arg21 : memref<!tpu.dma_semaphore, #tpu.memory_space<semaphore_mem>>) src(%arg12 : memref<256x64xf32, #tpu.memory_space<vmem>>) dst(%dma_wait3A_183 : memref<10240x64xf32, #tpu.memory_space<vmem_shared>>)
      %lt3A_184 = arith.constant 9 : i32
      %lt3A_185 = arith.cmpi slt, %add3A_83, %lt3A_184 : i32
      %convert_element_type3A_186 = arith.extui %lt3A_185 : i1 to i32
      %cond3A_187 = arith.constant 0 : i32
      %cond3A_188 = arith.cmpi ne, %convert_element_type3A_186, %cond3A_187 : i32
      scf.if %cond3A_188 {
        %add3A_189 = arith.constant 2 : i32
        %add3A_190 = arith.addi %add3A_163, %add3A_189 : i32
        %dma_start3A_191 = arith.constant 0 : i32
        %dma_start3A_192 = tpu.memref_slice %arg9[%add3A_190, %dma_start3A_191] : memref<40x256xi32, #tpu.memory_space<vmem>> -> memref<1x256xi32, #tpu.memory_space<vmem>>
        %dma_start3A_193 = tpu.memref_squeeze %dma_start3A_192 : memref<1x256xi32, #tpu.memory_space<vmem>> -> memref<256xi32, #tpu.memory_space<vmem>>
        %dma_start3A_194 = arith.constant 0 : i32
        %dma_start3A_195 = arith.constant 0 : i32
        %dma_start3A_196 = tpu.memref_slice %arg3[%dma_start3A_194, %dma_start3A_195] : memref<10240x64xf32, #tpu.memory_space<hbm>> -> memref<10240x64xf32, #tpu.memory_space<hbm>>
        tpu.enqueue_indirect_dma source(%dma_start3A_196 : memref<10240x64xf32, #tpu.memory_space<hbm>>) target(%arg12 : memref<256x64xf32, #tpu.memory_space<vmem>>) offsets(%dma_start3A_193 : memref<256xi32, #tpu.memory_space<vmem>>) semaphore(%arg17 : memref<!tpu.dma_semaphore, #tpu.memory_space<semaphore_mem>>)
      } else {
      }
    }
    %scan3A_59 = arith.constant 10 : i32
    %dma_wait3A_60 = arith.constant 38 : i32
    %dma_wait3A_61 = arith.constant 0 : i32
    %dma_wait3A_62 = tpu.memref_slice %arg10[%dma_wait3A_60, %dma_wait3A_61] : memref<40x256xi32, #tpu.memory_space<vmem>> -> memref<1x256xi32, #tpu.memory_space<vmem>>
    %dma_wait3A_63 = tpu.memref_squeeze %dma_wait3A_62 : memref<1x256xi32, #tpu.memory_space<vmem>> -> memref<256xi32, #tpu.memory_space<vmem>>
    %dma_wait3A_64 = arith.constant 0 : i32
    %dma_wait3A_65 = arith.constant 0 : i32
    %dma_wait3A_66 = tpu.memref_slice %arg15[%dma_wait3A_64, %dma_wait3A_65] : memref<10240x64xf32, #tpu.memory_space<vmem_shared>> -> memref<10240x64xf32, #tpu.memory_space<vmem_shared>>
    tpu.wait_indirect_dma semaphore(%arg22 : memref<!tpu.dma_semaphore, #tpu.memory_space<semaphore_mem>>) src(%arg13 : memref<256x64xf32, #tpu.memory_space<vmem>>) dst(%dma_wait3A_66 : memref<10240x64xf32, #tpu.memory_space<vmem_shared>>)
    %dma_wait3A_67 = arith.constant 39 : i32
    %dma_wait3A_68 = arith.constant 0 : i32
    %dma_wait3A_69 = tpu.memref_slice %arg10[%dma_wait3A_67, %dma_wait3A_68] : memref<40x256xi32, #tpu.memory_space<vmem>> -> memref<1x256xi32, #tpu.memory_space<vmem>>
    %dma_wait3A_70 = tpu.memref_squeeze %dma_wait3A_69 : memref<1x256xi32, #tpu.memory_space<vmem>> -> memref<256xi32, #tpu.memory_space<vmem>>
    %dma_wait3A_71 = arith.constant 0 : i32
    %dma_wait3A_72 = arith.constant 0 : i32
    %dma_wait3A_73 = tpu.memref_slice %arg15[%dma_wait3A_71, %dma_wait3A_72] : memref<10240x64xf32, #tpu.memory_space<vmem_shared>> -> memref<10240x64xf32, #tpu.memory_space<vmem_shared>>
    tpu.wait_indirect_dma semaphore(%arg23 : memref<!tpu.dma_semaphore, #tpu.memory_space<semaphore_mem>>) src(%arg14 : memref<256x64xf32, #tpu.memory_space<vmem>>) dst(%dma_wait3A_73 : memref<10240x64xf32, #tpu.memory_space<vmem_shared>>)
    %barrier3A_74 = arith.constant 0 : index
    tpu.barrier barrier_id(%barrier3A_74)
    %mul3A_75 = arith.constant 640 : i32
    %mul3A_76 = arith.muli %arg1, %mul3A_75 : i32
    %mul3A_77 = arith.constant 640 : i32
    %mul3A_78 = arith.muli %arg1, %mul3A_77 : i32
    "tpu.region"() ({
      %run_scoped3A = tpu.sem_alloc : memref<!tpu.dma_semaphore, #tpu.memory_space<semaphore_mem>>
      %dma_start3A_79 = arith.constant 0 : i32
      %dma_start3A_80 = tpu.memref_slice %arg8[%arg0, %mul3A_78, %dma_start3A_79] : memref<2x10240x128xf32, #tpu.memory_space<hbm>> -> memref<1x640x64xf32, #tpu.memory_space<hbm>>
      %dma_start3A_81 = tpu.memref_squeeze %dma_start3A_80 : memref<1x640x64xf32, #tpu.memory_space<hbm>> -> memref<640x64xf32, #tpu.memory_space<hbm>>
      %dma_start3A_82 = arith.constant 0 : i32
      %dma_start3A_83 = tpu.memref_slice %arg15[%mul3A_76, %dma_start3A_82] : memref<10240x64xf32, #tpu.memory_space<vmem_shared>> -> memref<640x64xf32, #tpu.memory_space<vmem_shared>>
      tpu.enqueue_dma source(%dma_start3A_83 : memref<640x64xf32, #tpu.memory_space<vmem_shared>>) target(%dma_start3A_81 : memref<640x64xf32, #tpu.memory_space<hbm>>) target_semaphore(%run_scoped3A : memref<!tpu.dma_semaphore, #tpu.memory_space<semaphore_mem>>)
      %dma_wait3A_84 = arith.constant 0 : i32
      %dma_wait3A_85 = tpu.memref_slice %arg8[%arg0, %mul3A_78, %dma_wait3A_84] : memref<2x10240x128xf32, #tpu.memory_space<hbm>> -> memref<1x640x64xf32, #tpu.memory_space<hbm>>
      %dma_wait3A_86 = tpu.memref_squeeze %dma_wait3A_85 : memref<1x640x64xf32, #tpu.memory_space<hbm>> -> memref<640x64xf32, #tpu.memory_space<hbm>>
      %dma_wait3A_87 = arith.constant 0 : i32
      %dma_wait3A_88 = tpu.memref_slice %arg15[%mul3A_76, %dma_wait3A_87] : memref<10240x64xf32, #tpu.memory_space<vmem_shared>> -> memref<640x64xf32, #tpu.memory_space<vmem_shared>>
      tpu.wait_dma2 semaphore(%run_scoped3A : memref<!tpu.dma_semaphore, #tpu.memory_space<semaphore_mem>>) src(%dma_wait3A_88 : memref<640x64xf32, #tpu.memory_space<vmem_shared>>) dst(%dma_wait3A_86 : memref<640x64xf32, #tpu.memory_space<hbm>>)
      tpu.yield
    }) : () -> ()
    return
  }
}

#map = affine_map<(d0, d1) -> (0, 0, 0)>
#map1 = affine_map<(d0, d1) -> (0)>
#map2 = affine_map<(d0, d1) -> (0, 0)>
module attributes {stable_mosaic.version = 14 : i64} {
  func.func @_deg_kernel(%arg0: i32, %arg1: i32, %arg2: memref<32x40x256xi32, #tpu.memory_space<hbm>>, %arg3: memref<32x40x256xi32, #tpu.memory_space<hbm>>, %arg4: memref<256xf32, #tpu.memory_space<hbm>>, %arg5: memref<640xf32, #tpu.memory_space<hbm>>, %arg6: memref<2x20480xf32, #tpu.memory_space<hbm>>, %arg7: memref<40x256xi32, #tpu.memory_space<vmem>>, %arg8: memref<40x256xi32, #tpu.memory_space<vmem>>, %arg9: memref<256xf32, #tpu.memory_space<vmem>>, %arg10: memref<10240xf32, #tpu.memory_space<vmem_shared>>, %arg11: memref<10240xf32, #tpu.memory_space<vmem_shared>>, %arg12: memref<!tpu.dma_semaphore, #tpu.memory_space<semaphore_mem>>) attributes {dimension_semantics = [#tpu.dimension_semantics<core_parallel>, #tpu.dimension_semantics<subcore_parallel>], iteration_bounds = array<i64: 2, 16>, scalar_prefetch = 0 : i64, scratch_operands = 6 : i64, tpu.core_type = #tpu.core_type<sc_vector_subcore>, window_params = [{transform_indices = #map}, {transform_indices = #map}, {transform_indices = #map1}, {transform_indices = #map1}, {transform_indices = #map2}]} {
    %mul3A = arith.constant 16 : i32
    %mul3A_0 = arith.muli %arg0, %mul3A : i32
    %add3A = arith.addi %mul3A_0, %arg1 : i32
    %mul3A_1 = arith.constant 640 : i32
    %mul3A_2 = arith.muli %arg1, %mul3A_1 : i32
    "tpu.region"() ({
      %run_scoped3A = tpu.sem_alloc : memref<!tpu.dma_semaphore, #tpu.memory_space<semaphore_mem>>
      %dma_start3A = tpu.memref_slice %arg10[%mul3A_2] : memref<10240xf32, #tpu.memory_space<vmem_shared>> -> memref<640xf32, #tpu.memory_space<vmem_shared>>
      tpu.enqueue_dma source(%arg5 : memref<640xf32, #tpu.memory_space<hbm>>) target(%dma_start3A : memref<640xf32, #tpu.memory_space<vmem_shared>>) target_semaphore(%run_scoped3A : memref<!tpu.dma_semaphore, #tpu.memory_space<semaphore_mem>>)
      %dma_wait3A = tpu.memref_slice %arg10[%mul3A_2] : memref<10240xf32, #tpu.memory_space<vmem_shared>> -> memref<640xf32, #tpu.memory_space<vmem_shared>>
      tpu.wait_dma2 semaphore(%run_scoped3A : memref<!tpu.dma_semaphore, #tpu.memory_space<semaphore_mem>>) src(%arg5 : memref<640xf32, #tpu.memory_space<hbm>>) dst(%dma_wait3A : memref<640xf32, #tpu.memory_space<vmem_shared>>)
      tpu.yield
    }) : () -> ()
    %mul3A_3 = arith.constant 640 : i32
    %mul3A_4 = arith.muli %arg1, %mul3A_3 : i32
    "tpu.region"() ({
      %run_scoped3A = tpu.sem_alloc : memref<!tpu.dma_semaphore, #tpu.memory_space<semaphore_mem>>
      %dma_start3A = tpu.memref_slice %arg11[%mul3A_4] : memref<10240xf32, #tpu.memory_space<vmem_shared>> -> memref<640xf32, #tpu.memory_space<vmem_shared>>
      tpu.enqueue_dma source(%arg5 : memref<640xf32, #tpu.memory_space<hbm>>) target(%dma_start3A : memref<640xf32, #tpu.memory_space<vmem_shared>>) target_semaphore(%run_scoped3A : memref<!tpu.dma_semaphore, #tpu.memory_space<semaphore_mem>>)
      %dma_wait3A = tpu.memref_slice %arg11[%mul3A_4] : memref<10240xf32, #tpu.memory_space<vmem_shared>> -> memref<640xf32, #tpu.memory_space<vmem_shared>>
      tpu.wait_dma2 semaphore(%run_scoped3A : memref<!tpu.dma_semaphore, #tpu.memory_space<semaphore_mem>>) src(%arg5 : memref<640xf32, #tpu.memory_space<hbm>>) dst(%dma_wait3A : memref<640xf32, #tpu.memory_space<vmem_shared>>)
      tpu.yield
    }) : () -> ()
    "tpu.region"() ({
      %run_scoped3A = tpu.sem_alloc : memref<!tpu.dma_semaphore, #tpu.memory_space<semaphore_mem>>
      %dma_start3A = arith.constant 0 : i32
      %dma_start3A_20 = arith.constant 0 : i32
      %dma_start3A_21 = tpu.memref_slice %arg2[%add3A, %dma_start3A, %dma_start3A_20] : memref<32x40x256xi32, #tpu.memory_space<hbm>> -> memref<1x40x256xi32, #tpu.memory_space<hbm>>
      %dma_start3A_22 = tpu.memref_squeeze %dma_start3A_21 : memref<1x40x256xi32, #tpu.memory_space<hbm>> -> memref<40x256xi32, #tpu.memory_space<hbm>>
      %dma_start3A_23 = arith.constant 0 : i32
      %dma_start3A_24 = arith.constant 0 : i32
      %dma_start3A_25 = tpu.memref_slice %arg2[%add3A, %dma_start3A_23, %dma_start3A_24] : memref<32x40x256xi32, #tpu.memory_space<hbm>> -> memref<1x40x256xi32, #tpu.memory_space<hbm>>
      %dma_start3A_26 = tpu.memref_squeeze %dma_start3A_25 : memref<1x40x256xi32, #tpu.memory_space<hbm>> -> memref<40x256xi32, #tpu.memory_space<hbm>>
      tpu.enqueue_dma source(%dma_start3A_26 : memref<40x256xi32, #tpu.memory_space<hbm>>) target(%arg7 : memref<40x256xi32, #tpu.memory_space<vmem>>) target_semaphore(%run_scoped3A : memref<!tpu.dma_semaphore, #tpu.memory_space<semaphore_mem>>)
      %dma_wait3A = arith.constant 0 : i32
      %dma_wait3A_27 = arith.constant 0 : i32
      %dma_wait3A_28 = tpu.memref_slice %arg2[%add3A, %dma_wait3A, %dma_wait3A_27] : memref<32x40x256xi32, #tpu.memory_space<hbm>> -> memref<1x40x256xi32, #tpu.memory_space<hbm>>
      %dma_wait3A_29 = tpu.memref_squeeze %dma_wait3A_28 : memref<1x40x256xi32, #tpu.memory_space<hbm>> -> memref<40x256xi32, #tpu.memory_space<hbm>>
      %dma_wait3A_30 = arith.constant 0 : i32
      %dma_wait3A_31 = arith.constant 0 : i32
      %dma_wait3A_32 = tpu.memref_slice %arg2[%add3A, %dma_wait3A_30, %dma_wait3A_31] : memref<32x40x256xi32, #tpu.memory_space<hbm>> -> memref<1x40x256xi32, #tpu.memory_space<hbm>>
      %dma_wait3A_33 = tpu.memref_squeeze %dma_wait3A_32 : memref<1x40x256xi32, #tpu.memory_space<hbm>> -> memref<40x256xi32, #tpu.memory_space<hbm>>
      tpu.wait_dma2 semaphore(%run_scoped3A : memref<!tpu.dma_semaphore, #tpu.memory_space<semaphore_mem>>) src(%dma_wait3A_33 : memref<40x256xi32, #tpu.memory_space<hbm>>) dst(%arg7 : memref<40x256xi32, #tpu.memory_space<vmem>>)
      tpu.yield
    }) : () -> ()
    "tpu.region"() ({
      %run_scoped3A = tpu.sem_alloc : memref<!tpu.dma_semaphore, #tpu.memory_space<semaphore_mem>>
      %dma_start3A = arith.constant 0 : i32
      %dma_start3A_20 = arith.constant 0 : i32
      %dma_start3A_21 = tpu.memref_slice %arg3[%add3A, %dma_start3A, %dma_start3A_20] : memref<32x40x256xi32, #tpu.memory_space<hbm>> -> memref<1x40x256xi32, #tpu.memory_space<hbm>>
      %dma_start3A_22 = tpu.memref_squeeze %dma_start3A_21 : memref<1x40x256xi32, #tpu.memory_space<hbm>> -> memref<40x256xi32, #tpu.memory_space<hbm>>
      %dma_start3A_23 = arith.constant 0 : i32
      %dma_start3A_24 = arith.constant 0 : i32
      %dma_start3A_25 = tpu.memref_slice %arg3[%add3A, %dma_start3A_23, %dma_start3A_24] : memref<32x40x256xi32, #tpu.memory_space<hbm>> -> memref<1x40x256xi32, #tpu.memory_space<hbm>>
      %dma_start3A_26 = tpu.memref_squeeze %dma_start3A_25 : memref<1x40x256xi32, #tpu.memory_space<hbm>> -> memref<40x256xi32, #tpu.memory_space<hbm>>
      tpu.enqueue_dma source(%dma_start3A_26 : memref<40x256xi32, #tpu.memory_space<hbm>>) target(%arg8 : memref<40x256xi32, #tpu.memory_space<vmem>>) target_semaphore(%run_scoped3A : memref<!tpu.dma_semaphore, #tpu.memory_space<semaphore_mem>>)
      %dma_wait3A = arith.constant 0 : i32
      %dma_wait3A_27 = arith.constant 0 : i32
      %dma_wait3A_28 = tpu.memref_slice %arg3[%add3A, %dma_wait3A, %dma_wait3A_27] : memref<32x40x256xi32, #tpu.memory_space<hbm>> -> memref<1x40x256xi32, #tpu.memory_space<hbm>>
      %dma_wait3A_29 = tpu.memref_squeeze %dma_wait3A_28 : memref<1x40x256xi32, #tpu.memory_space<hbm>> -> memref<40x256xi32, #tpu.memory_space<hbm>>
      %dma_wait3A_30 = arith.constant 0 : i32
      %dma_wait3A_31 = arith.constant 0 : i32
      %dma_wait3A_32 = tpu.memref_slice %arg3[%add3A, %dma_wait3A_30, %dma_wait3A_31] : memref<32x40x256xi32, #tpu.memory_space<hbm>> -> memref<1x40x256xi32, #tpu.memory_space<hbm>>
      %dma_wait3A_33 = tpu.memref_squeeze %dma_wait3A_32 : memref<1x40x256xi32, #tpu.memory_space<hbm>> -> memref<40x256xi32, #tpu.memory_space<hbm>>
      tpu.wait_dma2 semaphore(%run_scoped3A : memref<!tpu.dma_semaphore, #tpu.memory_space<semaphore_mem>>) src(%dma_wait3A_33 : memref<40x256xi32, #tpu.memory_space<hbm>>) dst(%arg8 : memref<40x256xi32, #tpu.memory_space<vmem>>)
      tpu.yield
    }) : () -> ()
    "tpu.region"() ({
      %run_scoped3A = tpu.sem_alloc : memref<!tpu.dma_semaphore, #tpu.memory_space<semaphore_mem>>
      tpu.enqueue_dma source(%arg4 : memref<256xf32, #tpu.memory_space<hbm>>) target(%arg9 : memref<256xf32, #tpu.memory_space<vmem>>) target_semaphore(%run_scoped3A : memref<!tpu.dma_semaphore, #tpu.memory_space<semaphore_mem>>)
      tpu.wait_dma2 semaphore(%run_scoped3A : memref<!tpu.dma_semaphore, #tpu.memory_space<semaphore_mem>>) src(%arg4 : memref<256xf32, #tpu.memory_space<hbm>>) dst(%arg9 : memref<256xf32, #tpu.memory_space<vmem>>)
      tpu.yield
    }) : () -> ()
    %barrier3A = arith.constant 0 : index
    tpu.barrier barrier_id(%barrier3A)
    %scan3A = arith.constant 0 : i32
    %scan3A_5 = arith.constant 10 : i32
    %scan3A_6 = arith.addi %scan3A, %scan3A_5 : i32
    %scan3A_7 = arith.constant 1 : i32
    scf.for %scan3A_20 = %scan3A to %scan3A_6 step %scan3A_7  : i32 {
      %mul3A_21 = arith.constant 1 : i32
      %mul3A_22 = arith.muli %scan3A_20, %mul3A_21 : i32
      %add3A_23 = arith.constant 0 : i32
      %add3A_24 = arith.addi %add3A_23, %mul3A_22 : i32
      %mul3A_25 = arith.constant 4 : i32
      %mul3A_26 = arith.muli %mul3A_25, %add3A_24 : i32
      %add3A_27 = arith.constant 0 : i32
      %add3A_28 = arith.addi %mul3A_26, %add3A_27 : i32
      %dma_start3A = arith.constant 0 : i32
      %dma_start3A_29 = tpu.memref_slice %arg7[%add3A_28, %dma_start3A] : memref<40x256xi32, #tpu.memory_space<vmem>> -> memref<1x256xi32, #tpu.memory_space<vmem>>
      %dma_start3A_30 = tpu.memref_squeeze %dma_start3A_29 : memref<1x256xi32, #tpu.memory_space<vmem>> -> memref<256xi32, #tpu.memory_space<vmem>>
      %dma_start3A_31 = arith.constant 0 : i32
      %dma_start3A_32 = tpu.memref_slice %arg10[%dma_start3A_31] : memref<10240xf32, #tpu.memory_space<vmem_shared>> -> memref<10240xf32, #tpu.memory_space<vmem_shared>>
      tpu.enqueue_indirect_dma source(%arg9 : memref<256xf32, #tpu.memory_space<vmem>>) target(%dma_start3A_32 : memref<10240xf32, #tpu.memory_space<vmem_shared>>) offsets(%dma_start3A_30 : memref<256xi32, #tpu.memory_space<vmem>>) semaphore(%arg12 : memref<!tpu.dma_semaphore, #tpu.memory_space<semaphore_mem>>) {add = true}
      %add3A_33 = arith.constant 0 : i32
      %add3A_34 = arith.addi %mul3A_26, %add3A_33 : i32
      %dma_start3A_35 = arith.constant 0 : i32
      %dma_start3A_36 = tpu.memref_slice %arg8[%add3A_34, %dma_start3A_35] : memref<40x256xi32, #tpu.memory_space<vmem>> -> memref<1x256xi32, #tpu.memory_space<vmem>>
      %dma_start3A_37 = tpu.memref_squeeze %dma_start3A_36 : memref<1x256xi32, #tpu.memory_space<vmem>> -> memref<256xi32, #tpu.memory_space<vmem>>
      %dma_start3A_38 = arith.constant 0 : i32
      %dma_start3A_39 = tpu.memref_slice %arg11[%dma_start3A_38] : memref<10240xf32, #tpu.memory_space<vmem_shared>> -> memref<10240xf32, #tpu.memory_space<vmem_shared>>
      tpu.enqueue_indirect_dma source(%arg9 : memref<256xf32, #tpu.memory_space<vmem>>) target(%dma_start3A_39 : memref<10240xf32, #tpu.memory_space<vmem_shared>>) offsets(%dma_start3A_37 : memref<256xi32, #tpu.memory_space<vmem>>) semaphore(%arg12 : memref<!tpu.dma_semaphore, #tpu.memory_space<semaphore_mem>>) {add = true}
      %add3A_40 = arith.constant 1 : i32
      %add3A_41 = arith.addi %mul3A_26, %add3A_40 : i32
      %dma_start3A_42 = arith.constant 0 : i32
      %dma_start3A_43 = tpu.memref_slice %arg7[%add3A_41, %dma_start3A_42] : memref<40x256xi32, #tpu.memory_space<vmem>> -> memref<1x256xi32, #tpu.memory_space<vmem>>
      %dma_start3A_44 = tpu.memref_squeeze %dma_start3A_43 : memref<1x256xi32, #tpu.memory_space<vmem>> -> memref<256xi32, #tpu.memory_space<vmem>>
      %dma_start3A_45 = arith.constant 0 : i32
      %dma_start3A_46 = tpu.memref_slice %arg10[%dma_start3A_45] : memref<10240xf32, #tpu.memory_space<vmem_shared>> -> memref<10240xf32, #tpu.memory_space<vmem_shared>>
      tpu.enqueue_indirect_dma source(%arg9 : memref<256xf32, #tpu.memory_space<vmem>>) target(%dma_start3A_46 : memref<10240xf32, #tpu.memory_space<vmem_shared>>) offsets(%dma_start3A_44 : memref<256xi32, #tpu.memory_space<vmem>>) semaphore(%arg12 : memref<!tpu.dma_semaphore, #tpu.memory_space<semaphore_mem>>) {add = true}
      %add3A_47 = arith.constant 1 : i32
      %add3A_48 = arith.addi %mul3A_26, %add3A_47 : i32
      %dma_start3A_49 = arith.constant 0 : i32
      %dma_start3A_50 = tpu.memref_slice %arg8[%add3A_48, %dma_start3A_49] : memref<40x256xi32, #tpu.memory_space<vmem>> -> memref<1x256xi32, #tpu.memory_space<vmem>>
      %dma_start3A_51 = tpu.memref_squeeze %dma_start3A_50 : memref<1x256xi32, #tpu.memory_space<vmem>> -> memref<256xi32, #tpu.memory_space<vmem>>
      %dma_start3A_52 = arith.constant 0 : i32
      %dma_start3A_53 = tpu.memref_slice %arg11[%dma_start3A_52] : memref<10240xf32, #tpu.memory_space<vmem_shared>> -> memref<10240xf32, #tpu.memory_space<vmem_shared>>
      tpu.enqueue_indirect_dma source(%arg9 : memref<256xf32, #tpu.memory_space<vmem>>) target(%dma_start3A_53 : memref<10240xf32, #tpu.memory_space<vmem_shared>>) offsets(%dma_start3A_51 : memref<256xi32, #tpu.memory_space<vmem>>) semaphore(%arg12 : memref<!tpu.dma_semaphore, #tpu.memory_space<semaphore_mem>>) {add = true}
      %add3A_54 = arith.constant 2 : i32
      %add3A_55 = arith.addi %mul3A_26, %add3A_54 : i32
      %dma_start3A_56 = arith.constant 0 : i32
      %dma_start3A_57 = tpu.memref_slice %arg7[%add3A_55, %dma_start3A_56] : memref<40x256xi32, #tpu.memory_space<vmem>> -> memref<1x256xi32, #tpu.memory_space<vmem>>
      %dma_start3A_58 = tpu.memref_squeeze %dma_start3A_57 : memref<1x256xi32, #tpu.memory_space<vmem>> -> memref<256xi32, #tpu.memory_space<vmem>>
      %dma_start3A_59 = arith.constant 0 : i32
      %dma_start3A_60 = tpu.memref_slice %arg10[%dma_start3A_59] : memref<10240xf32, #tpu.memory_space<vmem_shared>> -> memref<10240xf32, #tpu.memory_space<vmem_shared>>
      tpu.enqueue_indirect_dma source(%arg9 : memref<256xf32, #tpu.memory_space<vmem>>) target(%dma_start3A_60 : memref<10240xf32, #tpu.memory_space<vmem_shared>>) offsets(%dma_start3A_58 : memref<256xi32, #tpu.memory_space<vmem>>) semaphore(%arg12 : memref<!tpu.dma_semaphore, #tpu.memory_space<semaphore_mem>>) {add = true}
      %add3A_61 = arith.constant 2 : i32
      %add3A_62 = arith.addi %mul3A_26, %add3A_61 : i32
      %dma_start3A_63 = arith.constant 0 : i32
      %dma_start3A_64 = tpu.memref_slice %arg8[%add3A_62, %dma_start3A_63] : memref<40x256xi32, #tpu.memory_space<vmem>> -> memref<1x256xi32, #tpu.memory_space<vmem>>
      %dma_start3A_65 = tpu.memref_squeeze %dma_start3A_64 : memref<1x256xi32, #tpu.memory_space<vmem>> -> memref<256xi32, #tpu.memory_space<vmem>>
      %dma_start3A_66 = arith.constant 0 : i32
      %dma_start3A_67 = tpu.memref_slice %arg11[%dma_start3A_66] : memref<10240xf32, #tpu.memory_space<vmem_shared>> -> memref<10240xf32, #tpu.memory_space<vmem_shared>>
      tpu.enqueue_indirect_dma source(%arg9 : memref<256xf32, #tpu.memory_space<vmem>>) target(%dma_start3A_67 : memref<10240xf32, #tpu.memory_space<vmem_shared>>) offsets(%dma_start3A_65 : memref<256xi32, #tpu.memory_space<vmem>>) semaphore(%arg12 : memref<!tpu.dma_semaphore, #tpu.memory_space<semaphore_mem>>) {add = true}
      %add3A_68 = arith.constant 3 : i32
      %add3A_69 = arith.addi %mul3A_26, %add3A_68 : i32
      %dma_start3A_70 = arith.constant 0 : i32
      %dma_start3A_71 = tpu.memref_slice %arg7[%add3A_69, %dma_start3A_70] : memref<40x256xi32, #tpu.memory_space<vmem>> -> memref<1x256xi32, #tpu.memory_space<vmem>>
      %dma_start3A_72 = tpu.memref_squeeze %dma_start3A_71 : memref<1x256xi32, #tpu.memory_space<vmem>> -> memref<256xi32, #tpu.memory_space<vmem>>
      %dma_start3A_73 = arith.constant 0 : i32
      %dma_start3A_74 = tpu.memref_slice %arg10[%dma_start3A_73] : memref<10240xf32, #tpu.memory_space<vmem_shared>> -> memref<10240xf32, #tpu.memory_space<vmem_shared>>
      tpu.enqueue_indirect_dma source(%arg9 : memref<256xf32, #tpu.memory_space<vmem>>) target(%dma_start3A_74 : memref<10240xf32, #tpu.memory_space<vmem_shared>>) offsets(%dma_start3A_72 : memref<256xi32, #tpu.memory_space<vmem>>) semaphore(%arg12 : memref<!tpu.dma_semaphore, #tpu.memory_space<semaphore_mem>>) {add = true}
      %add3A_75 = arith.constant 3 : i32
      %add3A_76 = arith.addi %mul3A_26, %add3A_75 : i32
      %dma_start3A_77 = arith.constant 0 : i32
      %dma_start3A_78 = tpu.memref_slice %arg8[%add3A_76, %dma_start3A_77] : memref<40x256xi32, #tpu.memory_space<vmem>> -> memref<1x256xi32, #tpu.memory_space<vmem>>
      %dma_start3A_79 = tpu.memref_squeeze %dma_start3A_78 : memref<1x256xi32, #tpu.memory_space<vmem>> -> memref<256xi32, #tpu.memory_space<vmem>>
      %dma_start3A_80 = arith.constant 0 : i32
      %dma_start3A_81 = tpu.memref_slice %arg11[%dma_start3A_80] : memref<10240xf32, #tpu.memory_space<vmem_shared>> -> memref<10240xf32, #tpu.memory_space<vmem_shared>>
      tpu.enqueue_indirect_dma source(%arg9 : memref<256xf32, #tpu.memory_space<vmem>>) target(%dma_start3A_81 : memref<10240xf32, #tpu.memory_space<vmem_shared>>) offsets(%dma_start3A_79 : memref<256xi32, #tpu.memory_space<vmem>>) semaphore(%arg12 : memref<!tpu.dma_semaphore, #tpu.memory_space<semaphore_mem>>) {add = true}
      %add3A_82 = arith.constant 0 : i32
      %add3A_83 = arith.addi %mul3A_26, %add3A_82 : i32
      %dma_wait3A = arith.constant 0 : i32
      %dma_wait3A_84 = tpu.memref_slice %arg7[%add3A_83, %dma_wait3A] : memref<40x256xi32, #tpu.memory_space<vmem>> -> memref<1x256xi32, #tpu.memory_space<vmem>>
      %dma_wait3A_85 = tpu.memref_squeeze %dma_wait3A_84 : memref<1x256xi32, #tpu.memory_space<vmem>> -> memref<256xi32, #tpu.memory_space<vmem>>
      %dma_wait3A_86 = arith.constant 0 : i32
      %dma_wait3A_87 = tpu.memref_slice %arg10[%dma_wait3A_86] : memref<10240xf32, #tpu.memory_space<vmem_shared>> -> memref<10240xf32, #tpu.memory_space<vmem_shared>>
      tpu.wait_indirect_dma semaphore(%arg12 : memref<!tpu.dma_semaphore, #tpu.memory_space<semaphore_mem>>) src(%arg9 : memref<256xf32, #tpu.memory_space<vmem>>) dst(%dma_wait3A_87 : memref<10240xf32, #tpu.memory_space<vmem_shared>>)
      %add3A_88 = arith.constant 0 : i32
      %add3A_89 = arith.addi %mul3A_26, %add3A_88 : i32
      %dma_wait3A_90 = arith.constant 0 : i32
      %dma_wait3A_91 = tpu.memref_slice %arg8[%add3A_89, %dma_wait3A_90] : memref<40x256xi32, #tpu.memory_space<vmem>> -> memref<1x256xi32, #tpu.memory_space<vmem>>
      %dma_wait3A_92 = tpu.memref_squeeze %dma_wait3A_91 : memref<1x256xi32, #tpu.memory_space<vmem>> -> memref<256xi32, #tpu.memory_space<vmem>>
      %dma_wait3A_93 = arith.constant 0 : i32
      %dma_wait3A_94 = tpu.memref_slice %arg11[%dma_wait3A_93] : memref<10240xf32, #tpu.memory_space<vmem_shared>> -> memref<10240xf32, #tpu.memory_space<vmem_shared>>
      tpu.wait_indirect_dma semaphore(%arg12 : memref<!tpu.dma_semaphore, #tpu.memory_space<semaphore_mem>>) src(%arg9 : memref<256xf32, #tpu.memory_space<vmem>>) dst(%dma_wait3A_94 : memref<10240xf32, #tpu.memory_space<vmem_shared>>)
      %add3A_95 = arith.constant 1 : i32
      %add3A_96 = arith.addi %mul3A_26, %add3A_95 : i32
      %dma_wait3A_97 = arith.constant 0 : i32
      %dma_wait3A_98 = tpu.memref_slice %arg7[%add3A_96, %dma_wait3A_97] : memref<40x256xi32, #tpu.memory_space<vmem>> -> memref<1x256xi32, #tpu.memory_space<vmem>>
      %dma_wait3A_99 = tpu.memref_squeeze %dma_wait3A_98 : memref<1x256xi32, #tpu.memory_space<vmem>> -> memref<256xi32, #tpu.memory_space<vmem>>
      %dma_wait3A_100 = arith.constant 0 : i32
      %dma_wait3A_101 = tpu.memref_slice %arg10[%dma_wait3A_100] : memref<10240xf32, #tpu.memory_space<vmem_shared>> -> memref<10240xf32, #tpu.memory_space<vmem_shared>>
      tpu.wait_indirect_dma semaphore(%arg12 : memref<!tpu.dma_semaphore, #tpu.memory_space<semaphore_mem>>) src(%arg9 : memref<256xf32, #tpu.memory_space<vmem>>) dst(%dma_wait3A_101 : memref<10240xf32, #tpu.memory_space<vmem_shared>>)
      %add3A_102 = arith.constant 1 : i32
      %add3A_103 = arith.addi %mul3A_26, %add3A_102 : i32
      %dma_wait3A_104 = arith.constant 0 : i32
      %dma_wait3A_105 = tpu.memref_slice %arg8[%add3A_103, %dma_wait3A_104] : memref<40x256xi32, #tpu.memory_space<vmem>> -> memref<1x256xi32, #tpu.memory_space<vmem>>
      %dma_wait3A_106 = tpu.memref_squeeze %dma_wait3A_105 : memref<1x256xi32, #tpu.memory_space<vmem>> -> memref<256xi32, #tpu.memory_space<vmem>>
      %dma_wait3A_107 = arith.constant 0 : i32
      %dma_wait3A_108 = tpu.memref_slice %arg11[%dma_wait3A_107] : memref<10240xf32, #tpu.memory_space<vmem_shared>> -> memref<10240xf32, #tpu.memory_space<vmem_shared>>
      tpu.wait_indirect_dma semaphore(%arg12 : memref<!tpu.dma_semaphore, #tpu.memory_space<semaphore_mem>>) src(%arg9 : memref<256xf32, #tpu.memory_space<vmem>>) dst(%dma_wait3A_108 : memref<10240xf32, #tpu.memory_space<vmem_shared>>)
      %add3A_109 = arith.constant 2 : i32
      %add3A_110 = arith.addi %mul3A_26, %add3A_109 : i32
      %dma_wait3A_111 = arith.constant 0 : i32
      %dma_wait3A_112 = tpu.memref_slice %arg7[%add3A_110, %dma_wait3A_111] : memref<40x256xi32, #tpu.memory_space<vmem>> -> memref<1x256xi32, #tpu.memory_space<vmem>>
      %dma_wait3A_113 = tpu.memref_squeeze %dma_wait3A_112 : memref<1x256xi32, #tpu.memory_space<vmem>> -> memref<256xi32, #tpu.memory_space<vmem>>
      %dma_wait3A_114 = arith.constant 0 : i32
      %dma_wait3A_115 = tpu.memref_slice %arg10[%dma_wait3A_114] : memref<10240xf32, #tpu.memory_space<vmem_shared>> -> memref<10240xf32, #tpu.memory_space<vmem_shared>>
      tpu.wait_indirect_dma semaphore(%arg12 : memref<!tpu.dma_semaphore, #tpu.memory_space<semaphore_mem>>) src(%arg9 : memref<256xf32, #tpu.memory_space<vmem>>) dst(%dma_wait3A_115 : memref<10240xf32, #tpu.memory_space<vmem_shared>>)
      %add3A_116 = arith.constant 2 : i32
      %add3A_117 = arith.addi %mul3A_26, %add3A_116 : i32
      %dma_wait3A_118 = arith.constant 0 : i32
      %dma_wait3A_119 = tpu.memref_slice %arg8[%add3A_117, %dma_wait3A_118] : memref<40x256xi32, #tpu.memory_space<vmem>> -> memref<1x256xi32, #tpu.memory_space<vmem>>
      %dma_wait3A_120 = tpu.memref_squeeze %dma_wait3A_119 : memref<1x256xi32, #tpu.memory_space<vmem>> -> memref<256xi32, #tpu.memory_space<vmem>>
      %dma_wait3A_121 = arith.constant 0 : i32
      %dma_wait3A_122 = tpu.memref_slice %arg11[%dma_wait3A_121] : memref<10240xf32, #tpu.memory_space<vmem_shared>> -> memref<10240xf32, #tpu.memory_space<vmem_shared>>
      tpu.wait_indirect_dma semaphore(%arg12 : memref<!tpu.dma_semaphore, #tpu.memory_space<semaphore_mem>>) src(%arg9 : memref<256xf32, #tpu.memory_space<vmem>>) dst(%dma_wait3A_122 : memref<10240xf32, #tpu.memory_space<vmem_shared>>)
      %add3A_123 = arith.constant 3 : i32
      %add3A_124 = arith.addi %mul3A_26, %add3A_123 : i32
      %dma_wait3A_125 = arith.constant 0 : i32
      %dma_wait3A_126 = tpu.memref_slice %arg7[%add3A_124, %dma_wait3A_125] : memref<40x256xi32, #tpu.memory_space<vmem>> -> memref<1x256xi32, #tpu.memory_space<vmem>>
      %dma_wait3A_127 = tpu.memref_squeeze %dma_wait3A_126 : memref<1x256xi32, #tpu.memory_space<vmem>> -> memref<256xi32, #tpu.memory_space<vmem>>
      %dma_wait3A_128 = arith.constant 0 : i32
      %dma_wait3A_129 = tpu.memref_slice %arg10[%dma_wait3A_128] : memref<10240xf32, #tpu.memory_space<vmem_shared>> -> memref<10240xf32, #tpu.memory_space<vmem_shared>>
      tpu.wait_indirect_dma semaphore(%arg12 : memref<!tpu.dma_semaphore, #tpu.memory_space<semaphore_mem>>) src(%arg9 : memref<256xf32, #tpu.memory_space<vmem>>) dst(%dma_wait3A_129 : memref<10240xf32, #tpu.memory_space<vmem_shared>>)
      %add3A_130 = arith.constant 3 : i32
      %add3A_131 = arith.addi %mul3A_26, %add3A_130 : i32
      %dma_wait3A_132 = arith.constant 0 : i32
      %dma_wait3A_133 = tpu.memref_slice %arg8[%add3A_131, %dma_wait3A_132] : memref<40x256xi32, #tpu.memory_space<vmem>> -> memref<1x256xi32, #tpu.memory_space<vmem>>
      %dma_wait3A_134 = tpu.memref_squeeze %dma_wait3A_133 : memref<1x256xi32, #tpu.memory_space<vmem>> -> memref<256xi32, #tpu.memory_space<vmem>>
      %dma_wait3A_135 = arith.constant 0 : i32
      %dma_wait3A_136 = tpu.memref_slice %arg11[%dma_wait3A_135] : memref<10240xf32, #tpu.memory_space<vmem_shared>> -> memref<10240xf32, #tpu.memory_space<vmem_shared>>
      tpu.wait_indirect_dma semaphore(%arg12 : memref<!tpu.dma_semaphore, #tpu.memory_space<semaphore_mem>>) src(%arg9 : memref<256xf32, #tpu.memory_space<vmem>>) dst(%dma_wait3A_136 : memref<10240xf32, #tpu.memory_space<vmem_shared>>)
    }
    %scan3A_8 = arith.constant 10 : i32
    %barrier3A_9 = arith.constant 0 : index
    tpu.barrier barrier_id(%barrier3A_9)
    %mul3A_10 = arith.constant 640 : i32
    %mul3A_11 = arith.muli %arg1, %mul3A_10 : i32
    %mul3A_12 = arith.constant 640 : i32
    %mul3A_13 = arith.muli %arg1, %mul3A_12 : i32
    "tpu.region"() ({
      %run_scoped3A = tpu.sem_alloc : memref<!tpu.dma_semaphore, #tpu.memory_space<semaphore_mem>>
      %dma_start3A = tpu.memref_slice %arg6[%arg0, %mul3A_13] : memref<2x20480xf32, #tpu.memory_space<hbm>> -> memref<1x640xf32, #tpu.memory_space<hbm>>
      %dma_start3A_20 = tpu.memref_squeeze %dma_start3A : memref<1x640xf32, #tpu.memory_space<hbm>> -> memref<640xf32, #tpu.memory_space<hbm>>
      %dma_start3A_21 = tpu.memref_slice %arg10[%mul3A_11] : memref<10240xf32, #tpu.memory_space<vmem_shared>> -> memref<640xf32, #tpu.memory_space<vmem_shared>>
      tpu.enqueue_dma source(%dma_start3A_21 : memref<640xf32, #tpu.memory_space<vmem_shared>>) target(%dma_start3A_20 : memref<640xf32, #tpu.memory_space<hbm>>) target_semaphore(%run_scoped3A : memref<!tpu.dma_semaphore, #tpu.memory_space<semaphore_mem>>)
      %dma_wait3A = tpu.memref_slice %arg6[%arg0, %mul3A_13] : memref<2x20480xf32, #tpu.memory_space<hbm>> -> memref<1x640xf32, #tpu.memory_space<hbm>>
      %dma_wait3A_22 = tpu.memref_squeeze %dma_wait3A : memref<1x640xf32, #tpu.memory_space<hbm>> -> memref<640xf32, #tpu.memory_space<hbm>>
      %dma_wait3A_23 = tpu.memref_slice %arg10[%mul3A_11] : memref<10240xf32, #tpu.memory_space<vmem_shared>> -> memref<640xf32, #tpu.memory_space<vmem_shared>>
      tpu.wait_dma2 semaphore(%run_scoped3A : memref<!tpu.dma_semaphore, #tpu.memory_space<semaphore_mem>>) src(%dma_wait3A_23 : memref<640xf32, #tpu.memory_space<vmem_shared>>) dst(%dma_wait3A_22 : memref<640xf32, #tpu.memory_space<hbm>>)
      tpu.yield
    }) : () -> ()
    %mul3A_14 = arith.constant 640 : i32
    %mul3A_15 = arith.muli %arg1, %mul3A_14 : i32
    %mul3A_16 = arith.constant 640 : i32
    %mul3A_17 = arith.muli %arg1, %mul3A_16 : i32
    %add3A_18 = arith.constant 10240 : i32
    %add3A_19 = arith.addi %add3A_18, %mul3A_17 : i32
    "tpu.region"() ({
      %run_scoped3A = tpu.sem_alloc : memref<!tpu.dma_semaphore, #tpu.memory_space<semaphore_mem>>
      %dma_start3A = tpu.memref_slice %arg6[%arg0, %add3A_19] : memref<2x20480xf32, #tpu.memory_space<hbm>> -> memref<1x640xf32, #tpu.memory_space<hbm>>
      %dma_start3A_20 = tpu.memref_squeeze %dma_start3A : memref<1x640xf32, #tpu.memory_space<hbm>> -> memref<640xf32, #tpu.memory_space<hbm>>
      %dma_start3A_21 = tpu.memref_slice %arg11[%mul3A_15] : memref<10240xf32, #tpu.memory_space<vmem_shared>> -> memref<640xf32, #tpu.memory_space<vmem_shared>>
      tpu.enqueue_dma source(%dma_start3A_21 : memref<640xf32, #tpu.memory_space<vmem_shared>>) target(%dma_start3A_20 : memref<640xf32, #tpu.memory_space<hbm>>) target_semaphore(%run_scoped3A : memref<!tpu.dma_semaphore, #tpu.memory_space<semaphore_mem>>)
      %dma_wait3A = tpu.memref_slice %arg6[%arg0, %add3A_19] : memref<2x20480xf32, #tpu.memory_space<hbm>> -> memref<1x640xf32, #tpu.memory_space<hbm>>
      %dma_wait3A_22 = tpu.memref_squeeze %dma_wait3A : memref<1x640xf32, #tpu.memory_space<hbm>> -> memref<640xf32, #tpu.memory_space<hbm>>
      %dma_wait3A_23 = tpu.memref_slice %arg11[%mul3A_15] : memref<10240xf32, #tpu.memory_space<vmem_shared>> -> memref<640xf32, #tpu.memory_space<vmem_shared>>
      tpu.wait_dma2 semaphore(%run_scoped3A : memref<!tpu.dma_semaphore, #tpu.memory_space<semaphore_mem>>) src(%dma_wait3A_23 : memref<640xf32, #tpu.memory_space<vmem_shared>>) dst(%dma_wait3A_22 : memref<640xf32, #tpu.memory_space<hbm>>)
      tpu.yield
    }) : () -> ()
    return
  }
}

#map = affine_map<(d0, d1) -> (0, 0)>
#map1 = affine_map<(d0, d1) -> (0, 0, 0)>
module attributes {stable_mosaic.version = 14 : i64} {
  func.func @agg(%arg0: i32, %arg1: i32, %arg2: memref<10240x64xf32, #tpu.memory_space<hbm>>, %arg3: memref<32x40x256xi32, #tpu.memory_space<hbm>>, %arg4: memref<32x40x256xi32, #tpu.memory_space<hbm>>, %arg5: memref<640x64xf32, #tpu.memory_space<hbm>>, %arg6: memref<2x10240x128xf32, #tpu.memory_space<hbm>>, %arg7: memref<40x256xi32, #tpu.memory_space<vmem>>, %arg8: memref<40x256xi32, #tpu.memory_space<vmem>>, %arg9: memref<256x64xf32, #tpu.memory_space<vmem>>, %arg10: memref<256x64xf32, #tpu.memory_space<vmem>>, %arg11: memref<256x64xf32, #tpu.memory_space<vmem>>, %arg12: memref<256x64xf32, #tpu.memory_space<vmem>>, %arg13: memref<10240x64xf32, #tpu.memory_space<vmem_shared>>, %arg14: memref<!tpu.dma_semaphore, #tpu.memory_space<semaphore_mem>>, %arg15: memref<!tpu.dma_semaphore, #tpu.memory_space<semaphore_mem>>, %arg16: memref<!tpu.dma_semaphore, #tpu.memory_space<semaphore_mem>>, %arg17: memref<!tpu.dma_semaphore, #tpu.memory_space<semaphore_mem>>, %arg18: memref<!tpu.dma_semaphore, #tpu.memory_space<semaphore_mem>>, %arg19: memref<!tpu.dma_semaphore, #tpu.memory_space<semaphore_mem>>, %arg20: memref<!tpu.dma_semaphore, #tpu.memory_space<semaphore_mem>>, %arg21: memref<!tpu.dma_semaphore, #tpu.memory_space<semaphore_mem>>) attributes {dimension_semantics = [#tpu.dimension_semantics<core_parallel>, #tpu.dimension_semantics<subcore_parallel>], iteration_bounds = array<i64: 2, 16>, scalar_prefetch = 0 : i64, scratch_operands = 15 : i64, tpu.core_type = #tpu.core_type<sc_vector_subcore>, window_params = [{transform_indices = #map}, {transform_indices = #map1}, {transform_indices = #map1}, {transform_indices = #map}, {transform_indices = #map1}]} {
    %mul3A = arith.constant 16 : i32
    %mul3A_0 = arith.muli %arg0, %mul3A : i32
    %add3A = arith.addi %mul3A_0, %arg1 : i32
    "tpu.region"() ({
      %run_scoped3A = tpu.sem_alloc : memref<!tpu.dma_semaphore, #tpu.memory_space<semaphore_mem>>
      %dma_start3A_38 = arith.constant 0 : i32
      %dma_start3A_39 = arith.constant 0 : i32
      %dma_start3A_40 = tpu.memref_slice %arg3[%add3A, %dma_start3A_38, %dma_start3A_39] : memref<32x40x256xi32, #tpu.memory_space<hbm>> -> memref<1x40x256xi32, #tpu.memory_space<hbm>>
      %dma_start3A_41 = tpu.memref_squeeze %dma_start3A_40 : memref<1x40x256xi32, #tpu.memory_space<hbm>> -> memref<40x256xi32, #tpu.memory_space<hbm>>
      %dma_start3A_42 = arith.constant 0 : i32
      %dma_start3A_43 = arith.constant 0 : i32
      %dma_start3A_44 = tpu.memref_slice %arg3[%add3A, %dma_start3A_42, %dma_start3A_43] : memref<32x40x256xi32, #tpu.memory_space<hbm>> -> memref<1x40x256xi32, #tpu.memory_space<hbm>>
      %dma_start3A_45 = tpu.memref_squeeze %dma_start3A_44 : memref<1x40x256xi32, #tpu.memory_space<hbm>> -> memref<40x256xi32, #tpu.memory_space<hbm>>
      tpu.enqueue_dma source(%dma_start3A_45 : memref<40x256xi32, #tpu.memory_space<hbm>>) target(%arg7 : memref<40x256xi32, #tpu.memory_space<vmem>>) target_semaphore(%run_scoped3A : memref<!tpu.dma_semaphore, #tpu.memory_space<semaphore_mem>>)
      %dma_wait3A_46 = arith.constant 0 : i32
      %dma_wait3A_47 = arith.constant 0 : i32
      %dma_wait3A_48 = tpu.memref_slice %arg3[%add3A, %dma_wait3A_46, %dma_wait3A_47] : memref<32x40x256xi32, #tpu.memory_space<hbm>> -> memref<1x40x256xi32, #tpu.memory_space<hbm>>
      %dma_wait3A_49 = tpu.memref_squeeze %dma_wait3A_48 : memref<1x40x256xi32, #tpu.memory_space<hbm>> -> memref<40x256xi32, #tpu.memory_space<hbm>>
      %dma_wait3A_50 = arith.constant 0 : i32
      %dma_wait3A_51 = arith.constant 0 : i32
      %dma_wait3A_52 = tpu.memref_slice %arg3[%add3A, %dma_wait3A_50, %dma_wait3A_51] : memref<32x40x256xi32, #tpu.memory_space<hbm>> -> memref<1x40x256xi32, #tpu.memory_space<hbm>>
      %dma_wait3A_53 = tpu.memref_squeeze %dma_wait3A_52 : memref<1x40x256xi32, #tpu.memory_space<hbm>> -> memref<40x256xi32, #tpu.memory_space<hbm>>
      tpu.wait_dma2 semaphore(%run_scoped3A : memref<!tpu.dma_semaphore, #tpu.memory_space<semaphore_mem>>) src(%dma_wait3A_53 : memref<40x256xi32, #tpu.memory_space<hbm>>) dst(%arg7 : memref<40x256xi32, #tpu.memory_space<vmem>>)
      tpu.yield
    }) : () -> ()
    "tpu.region"() ({
      %run_scoped3A = tpu.sem_alloc : memref<!tpu.dma_semaphore, #tpu.memory_space<semaphore_mem>>
      %dma_start3A_38 = arith.constant 0 : i32
      %dma_start3A_39 = arith.constant 0 : i32
      %dma_start3A_40 = tpu.memref_slice %arg4[%add3A, %dma_start3A_38, %dma_start3A_39] : memref<32x40x256xi32, #tpu.memory_space<hbm>> -> memref<1x40x256xi32, #tpu.memory_space<hbm>>
      %dma_start3A_41 = tpu.memref_squeeze %dma_start3A_40 : memref<1x40x256xi32, #tpu.memory_space<hbm>> -> memref<40x256xi32, #tpu.memory_space<hbm>>
      %dma_start3A_42 = arith.constant 0 : i32
      %dma_start3A_43 = arith.constant 0 : i32
      %dma_start3A_44 = tpu.memref_slice %arg4[%add3A, %dma_start3A_42, %dma_start3A_43] : memref<32x40x256xi32, #tpu.memory_space<hbm>> -> memref<1x40x256xi32, #tpu.memory_space<hbm>>
      %dma_start3A_45 = tpu.memref_squeeze %dma_start3A_44 : memref<1x40x256xi32, #tpu.memory_space<hbm>> -> memref<40x256xi32, #tpu.memory_space<hbm>>
      tpu.enqueue_dma source(%dma_start3A_45 : memref<40x256xi32, #tpu.memory_space<hbm>>) target(%arg8 : memref<40x256xi32, #tpu.memory_space<vmem>>) target_semaphore(%run_scoped3A : memref<!tpu.dma_semaphore, #tpu.memory_space<semaphore_mem>>)
      %dma_wait3A_46 = arith.constant 0 : i32
      %dma_wait3A_47 = arith.constant 0 : i32
      %dma_wait3A_48 = tpu.memref_slice %arg4[%add3A, %dma_wait3A_46, %dma_wait3A_47] : memref<32x40x256xi32, #tpu.memory_space<hbm>> -> memref<1x40x256xi32, #tpu.memory_space<hbm>>
      %dma_wait3A_49 = tpu.memref_squeeze %dma_wait3A_48 : memref<1x40x256xi32, #tpu.memory_space<hbm>> -> memref<40x256xi32, #tpu.memory_space<hbm>>
      %dma_wait3A_50 = arith.constant 0 : i32
      %dma_wait3A_51 = arith.constant 0 : i32
      %dma_wait3A_52 = tpu.memref_slice %arg4[%add3A, %dma_wait3A_50, %dma_wait3A_51] : memref<32x40x256xi32, #tpu.memory_space<hbm>> -> memref<1x40x256xi32, #tpu.memory_space<hbm>>
      %dma_wait3A_53 = tpu.memref_squeeze %dma_wait3A_52 : memref<1x40x256xi32, #tpu.memory_space<hbm>> -> memref<40x256xi32, #tpu.memory_space<hbm>>
      tpu.wait_dma2 semaphore(%run_scoped3A : memref<!tpu.dma_semaphore, #tpu.memory_space<semaphore_mem>>) src(%dma_wait3A_53 : memref<40x256xi32, #tpu.memory_space<hbm>>) dst(%arg8 : memref<40x256xi32, #tpu.memory_space<vmem>>)
      tpu.yield
    }) : () -> ()
    %mul3A_1 = arith.constant 640 : i32
    %mul3A_2 = arith.muli %arg1, %mul3A_1 : i32
    "tpu.region"() ({
      %run_scoped3A = tpu.sem_alloc : memref<!tpu.dma_semaphore, #tpu.memory_space<semaphore_mem>>
      %dma_start3A_38 = arith.constant 0 : i32
      %dma_start3A_39 = tpu.memref_slice %arg13[%mul3A_2, %dma_start3A_38] : memref<10240x64xf32, #tpu.memory_space<vmem_shared>> -> memref<640x64xf32, #tpu.memory_space<vmem_shared>>
      tpu.enqueue_dma source(%arg5 : memref<640x64xf32, #tpu.memory_space<hbm>>) target(%dma_start3A_39 : memref<640x64xf32, #tpu.memory_space<vmem_shared>>) target_semaphore(%run_scoped3A : memref<!tpu.dma_semaphore, #tpu.memory_space<semaphore_mem>>)
      %dma_wait3A_40 = arith.constant 0 : i32
      %dma_wait3A_41 = tpu.memref_slice %arg13[%mul3A_2, %dma_wait3A_40] : memref<10240x64xf32, #tpu.memory_space<vmem_shared>> -> memref<640x64xf32, #tpu.memory_space<vmem_shared>>
      tpu.wait_dma2 semaphore(%run_scoped3A : memref<!tpu.dma_semaphore, #tpu.memory_space<semaphore_mem>>) src(%arg5 : memref<640x64xf32, #tpu.memory_space<hbm>>) dst(%dma_wait3A_41 : memref<640x64xf32, #tpu.memory_space<vmem_shared>>)
      tpu.yield
    }) : () -> ()
    %barrier3A = arith.constant 0 : index
    tpu.barrier barrier_id(%barrier3A)
    %dma_start3A = arith.constant 0 : i32
    %dma_start3A_3 = arith.constant 0 : i32
    %dma_start3A_4 = tpu.memref_slice %arg7[%dma_start3A, %dma_start3A_3] : memref<40x256xi32, #tpu.memory_space<vmem>> -> memref<1x256xi32, #tpu.memory_space<vmem>>
    %dma_start3A_5 = tpu.memref_squeeze %dma_start3A_4 : memref<1x256xi32, #tpu.memory_space<vmem>> -> memref<256xi32, #tpu.memory_space<vmem>>
    %dma_start3A_6 = arith.constant 0 : i32
    %dma_start3A_7 = arith.constant 0 : i32
    %dma_start3A_8 = tpu.memref_slice %arg2[%dma_start3A_6, %dma_start3A_7] : memref<10240x64xf32, #tpu.memory_space<hbm>> -> memref<10240x64xf32, #tpu.memory_space<hbm>>
    tpu.enqueue_indirect_dma source(%dma_start3A_8 : memref<10240x64xf32, #tpu.memory_space<hbm>>) target(%arg9 : memref<256x64xf32, #tpu.memory_space<vmem>>) offsets(%dma_start3A_5 : memref<256xi32, #tpu.memory_space<vmem>>) semaphore(%arg14 : memref<!tpu.dma_semaphore, #tpu.memory_space<semaphore_mem>>)
    %dma_start3A_9 = arith.constant 1 : i32
    %dma_start3A_10 = arith.constant 0 : i32
    %dma_start3A_11 = tpu.memref_slice %arg7[%dma_start3A_9, %dma_start3A_10] : memref<40x256xi32, #tpu.memory_space<vmem>> -> memref<1x256xi32, #tpu.memory_space<vmem>>
    %dma_start3A_12 = tpu.memref_squeeze %dma_start3A_11 : memref<1x256xi32, #tpu.memory_space<vmem>> -> memref<256xi32, #tpu.memory_space<vmem>>
    %dma_start3A_13 = arith.constant 0 : i32
    %dma_start3A_14 = arith.constant 0 : i32
    %dma_start3A_15 = tpu.memref_slice %arg2[%dma_start3A_13, %dma_start3A_14] : memref<10240x64xf32, #tpu.memory_space<hbm>> -> memref<10240x64xf32, #tpu.memory_space<hbm>>
    tpu.enqueue_indirect_dma source(%dma_start3A_15 : memref<10240x64xf32, #tpu.memory_space<hbm>>) target(%arg10 : memref<256x64xf32, #tpu.memory_space<vmem>>) offsets(%dma_start3A_12 : memref<256xi32, #tpu.memory_space<vmem>>) semaphore(%arg15 : memref<!tpu.dma_semaphore, #tpu.memory_space<semaphore_mem>>)
    %scan3A = arith.constant 0 : i32
    %scan3A_16 = arith.constant 10 : i32
    %scan3A_17 = arith.addi %scan3A, %scan3A_16 : i32
    %scan3A_18 = arith.constant 1 : i32
    scf.for %scan3A_38 = %scan3A to %scan3A_17 step %scan3A_18  : i32 {
      %mul3A_39 = arith.constant 1 : i32
      %mul3A_40 = arith.muli %scan3A_38, %mul3A_39 : i32
      %add3A_41 = arith.constant 0 : i32
      %add3A_42 = arith.addi %add3A_41, %mul3A_40 : i32
      %mul3A_43 = arith.constant 4 : i32
      %mul3A_44 = arith.muli %mul3A_43, %add3A_42 : i32
      %add3A_45 = arith.constant 0 : i32
      %add3A_46 = arith.addi %mul3A_44, %add3A_45 : i32
      %dma_wait3A_47 = arith.constant 0 : i32
      %dma_wait3A_48 = tpu.memref_slice %arg7[%add3A_46, %dma_wait3A_47] : memref<40x256xi32, #tpu.memory_space<vmem>> -> memref<1x256xi32, #tpu.memory_space<vmem>>
      %dma_wait3A_49 = tpu.memref_squeeze %dma_wait3A_48 : memref<1x256xi32, #tpu.memory_space<vmem>> -> memref<256xi32, #tpu.memory_space<vmem>>
      %dma_wait3A_50 = arith.constant 0 : i32
      %dma_wait3A_51 = arith.constant 0 : i32
      %dma_wait3A_52 = tpu.memref_slice %arg2[%dma_wait3A_50, %dma_wait3A_51] : memref<10240x64xf32, #tpu.memory_space<hbm>> -> memref<10240x64xf32, #tpu.memory_space<hbm>>
      tpu.wait_indirect_dma semaphore(%arg14 : memref<!tpu.dma_semaphore, #tpu.memory_space<semaphore_mem>>) src(%dma_wait3A_52 : memref<10240x64xf32, #tpu.memory_space<hbm>>) dst(%arg9 : memref<256x64xf32, #tpu.memory_space<vmem>>)
      %dma_start3A_53 = arith.constant 0 : i32
      %dma_start3A_54 = tpu.memref_slice %arg8[%add3A_46, %dma_start3A_53] : memref<40x256xi32, #tpu.memory_space<vmem>> -> memref<1x256xi32, #tpu.memory_space<vmem>>
      %dma_start3A_55 = tpu.memref_squeeze %dma_start3A_54 : memref<1x256xi32, #tpu.memory_space<vmem>> -> memref<256xi32, #tpu.memory_space<vmem>>
      %dma_start3A_56 = arith.constant 0 : i32
      %dma_start3A_57 = arith.constant 0 : i32
      %dma_start3A_58 = tpu.memref_slice %arg13[%dma_start3A_56, %dma_start3A_57] : memref<10240x64xf32, #tpu.memory_space<vmem_shared>> -> memref<10240x64xf32, #tpu.memory_space<vmem_shared>>
      tpu.enqueue_indirect_dma source(%arg9 : memref<256x64xf32, #tpu.memory_space<vmem>>) target(%dma_start3A_58 : memref<10240x64xf32, #tpu.memory_space<vmem_shared>>) offsets(%dma_start3A_55 : memref<256xi32, #tpu.memory_space<vmem>>) semaphore(%arg18 : memref<!tpu.dma_semaphore, #tpu.memory_space<semaphore_mem>>) {add = true}
      %gt3A = arith.constant 0 : i32
      %gt3A_59 = arith.cmpi sgt, %add3A_42, %gt3A : i32
      %convert_element_type3A = arith.extui %gt3A_59 : i1 to i32
      %cond3A = arith.constant 0 : i32
      %cond3A_60 = arith.cmpi ne, %convert_element_type3A, %cond3A : i32
      scf.if %cond3A_60 {
        %sub3A_148 = arith.constant 2 : i32
        %sub3A_149 = arith.subi %add3A_46, %sub3A_148 : i32
        %dma_wait3A_150 = arith.constant 0 : i32
        %dma_wait3A_151 = tpu.memref_slice %arg8[%sub3A_149, %dma_wait3A_150] : memref<40x256xi32, #tpu.memory_space<vmem>> -> memref<1x256xi32, #tpu.memory_space<vmem>>
        %dma_wait3A_152 = tpu.memref_squeeze %dma_wait3A_151 : memref<1x256xi32, #tpu.memory_space<vmem>> -> memref<256xi32, #tpu.memory_space<vmem>>
        %dma_wait3A_153 = arith.constant 0 : i32
        %dma_wait3A_154 = arith.constant 0 : i32
        %dma_wait3A_155 = tpu.memref_slice %arg13[%dma_wait3A_153, %dma_wait3A_154] : memref<10240x64xf32, #tpu.memory_space<vmem_shared>> -> memref<10240x64xf32, #tpu.memory_space<vmem_shared>>
        tpu.wait_indirect_dma semaphore(%arg20 : memref<!tpu.dma_semaphore, #tpu.memory_space<semaphore_mem>>) src(%arg11 : memref<256x64xf32, #tpu.memory_space<vmem>>) dst(%dma_wait3A_155 : memref<10240x64xf32, #tpu.memory_space<vmem_shared>>)
      } else {
      }
      %add3A_61 = arith.constant 2 : i32
      %add3A_62 = arith.addi %add3A_46, %add3A_61 : i32
      %dma_start3A_63 = arith.constant 0 : i32
      %dma_start3A_64 = tpu.memref_slice %arg7[%add3A_62, %dma_start3A_63] : memref<40x256xi32, #tpu.memory_space<vmem>> -> memref<1x256xi32, #tpu.memory_space<vmem>>
      %dma_start3A_65 = tpu.memref_squeeze %dma_start3A_64 : memref<1x256xi32, #tpu.memory_space<vmem>> -> memref<256xi32, #tpu.memory_space<vmem>>
      %dma_start3A_66 = arith.constant 0 : i32
      %dma_start3A_67 = arith.constant 0 : i32
      %dma_start3A_68 = tpu.memref_slice %arg2[%dma_start3A_66, %dma_start3A_67] : memref<10240x64xf32, #tpu.memory_space<hbm>> -> memref<10240x64xf32, #tpu.memory_space<hbm>>
      tpu.enqueue_indirect_dma source(%dma_start3A_68 : memref<10240x64xf32, #tpu.memory_space<hbm>>) target(%arg11 : memref<256x64xf32, #tpu.memory_space<vmem>>) offsets(%dma_start3A_65 : memref<256xi32, #tpu.memory_space<vmem>>) semaphore(%arg16 : memref<!tpu.dma_semaphore, #tpu.memory_space<semaphore_mem>>)
      %add3A_69 = arith.constant 1 : i32
      %add3A_70 = arith.addi %mul3A_44, %add3A_69 : i32
      %dma_wait3A_71 = arith.constant 0 : i32
      %dma_wait3A_72 = tpu.memref_slice %arg7[%add3A_70, %dma_wait3A_71] : memref<40x256xi32, #tpu.memory_space<vmem>> -> memref<1x256xi32, #tpu.memory_space<vmem>>
      %dma_wait3A_73 = tpu.memref_squeeze %dma_wait3A_72 : memref<1x256xi32, #tpu.memory_space<vmem>> -> memref<256xi32, #tpu.memory_space<vmem>>
      %dma_wait3A_74 = arith.constant 0 : i32
      %dma_wait3A_75 = arith.constant 0 : i32
      %dma_wait3A_76 = tpu.memref_slice %arg2[%dma_wait3A_74, %dma_wait3A_75] : memref<10240x64xf32, #tpu.memory_space<hbm>> -> memref<10240x64xf32, #tpu.memory_space<hbm>>
      tpu.wait_indirect_dma semaphore(%arg15 : memref<!tpu.dma_semaphore, #tpu.memory_space<semaphore_mem>>) src(%dma_wait3A_76 : memref<10240x64xf32, #tpu.memory_space<hbm>>) dst(%arg10 : memref<256x64xf32, #tpu.memory_space<vmem>>)
      %dma_start3A_77 = arith.constant 0 : i32
      %dma_start3A_78 = tpu.memref_slice %arg8[%add3A_70, %dma_start3A_77] : memref<40x256xi32, #tpu.memory_space<vmem>> -> memref<1x256xi32, #tpu.memory_space<vmem>>
      %dma_start3A_79 = tpu.memref_squeeze %dma_start3A_78 : memref<1x256xi32, #tpu.memory_space<vmem>> -> memref<256xi32, #tpu.memory_space<vmem>>
      %dma_start3A_80 = arith.constant 0 : i32
      %dma_start3A_81 = arith.constant 0 : i32
      %dma_start3A_82 = tpu.memref_slice %arg13[%dma_start3A_80, %dma_start3A_81] : memref<10240x64xf32, #tpu.memory_space<vmem_shared>> -> memref<10240x64xf32, #tpu.memory_space<vmem_shared>>
      tpu.enqueue_indirect_dma source(%arg10 : memref<256x64xf32, #tpu.memory_space<vmem>>) target(%dma_start3A_82 : memref<10240x64xf32, #tpu.memory_space<vmem_shared>>) offsets(%dma_start3A_79 : memref<256xi32, #tpu.memory_space<vmem>>) semaphore(%arg19 : memref<!tpu.dma_semaphore, #tpu.memory_space<semaphore_mem>>) {add = true}
      %gt3A_83 = arith.constant 0 : i32
      %gt3A_84 = arith.cmpi sgt, %add3A_42, %gt3A_83 : i32
      %convert_element_type3A_85 = arith.extui %gt3A_84 : i1 to i32
      %cond3A_86 = arith.constant 0 : i32
      %cond3A_87 = arith.cmpi ne, %convert_element_type3A_85, %cond3A_86 : i32
      scf.if %cond3A_87 {
        %sub3A_148 = arith.constant 2 : i32
        %sub3A_149 = arith.subi %add3A_70, %sub3A_148 : i32
        %dma_wait3A_150 = arith.constant 0 : i32
        %dma_wait3A_151 = tpu.memref_slice %arg8[%sub3A_149, %dma_wait3A_150] : memref<40x256xi32, #tpu.memory_space<vmem>> -> memref<1x256xi32, #tpu.memory_space<vmem>>
        %dma_wait3A_152 = tpu.memref_squeeze %dma_wait3A_151 : memref<1x256xi32, #tpu.memory_space<vmem>> -> memref<256xi32, #tpu.memory_space<vmem>>
        %dma_wait3A_153 = arith.constant 0 : i32
        %dma_wait3A_154 = arith.constant 0 : i32
        %dma_wait3A_155 = tpu.memref_slice %arg13[%dma_wait3A_153, %dma_wait3A_154] : memref<10240x64xf32, #tpu.memory_space<vmem_shared>> -> memref<10240x64xf32, #tpu.memory_space<vmem_shared>>
        tpu.wait_indirect_dma semaphore(%arg21 : memref<!tpu.dma_semaphore, #tpu.memory_space<semaphore_mem>>) src(%arg12 : memref<256x64xf32, #tpu.memory_space<vmem>>) dst(%dma_wait3A_155 : memref<10240x64xf32, #tpu.memory_space<vmem_shared>>)
      } else {
      }
      %add3A_88 = arith.constant 2 : i32
      %add3A_89 = arith.addi %add3A_70, %add3A_88 : i32
      %dma_start3A_90 = arith.constant 0 : i32
      %dma_start3A_91 = tpu.memref_slice %arg7[%add3A_89, %dma_start3A_90] : memref<40x256xi32, #tpu.memory_space<vmem>> -> memref<1x256xi32, #tpu.memory_space<vmem>>
      %dma_start3A_92 = tpu.memref_squeeze %dma_start3A_91 : memref<1x256xi32, #tpu.memory_space<vmem>> -> memref<256xi32, #tpu.memory_space<vmem>>
      %dma_start3A_93 = arith.constant 0 : i32
      %dma_start3A_94 = arith.constant 0 : i32
      %dma_start3A_95 = tpu.memref_slice %arg2[%dma_start3A_93, %dma_start3A_94] : memref<10240x64xf32, #tpu.memory_space<hbm>> -> memref<10240x64xf32, #tpu.memory_space<hbm>>
      tpu.enqueue_indirect_dma source(%dma_start3A_95 : memref<10240x64xf32, #tpu.memory_space<hbm>>) target(%arg12 : memref<256x64xf32, #tpu.memory_space<vmem>>) offsets(%dma_start3A_92 : memref<256xi32, #tpu.memory_space<vmem>>) semaphore(%arg17 : memref<!tpu.dma_semaphore, #tpu.memory_space<semaphore_mem>>)
      %add3A_96 = arith.constant 2 : i32
      %add3A_97 = arith.addi %mul3A_44, %add3A_96 : i32
      %dma_wait3A_98 = arith.constant 0 : i32
      %dma_wait3A_99 = tpu.memref_slice %arg7[%add3A_97, %dma_wait3A_98] : memref<40x256xi32, #tpu.memory_space<vmem>> -> memref<1x256xi32, #tpu.memory_space<vmem>>
      %dma_wait3A_100 = tpu.memref_squeeze %dma_wait3A_99 : memref<1x256xi32, #tpu.memory_space<vmem>> -> memref<256xi32, #tpu.memory_space<vmem>>
      %dma_wait3A_101 = arith.constant 0 : i32
      %dma_wait3A_102 = arith.constant 0 : i32
      %dma_wait3A_103 = tpu.memref_slice %arg2[%dma_wait3A_101, %dma_wait3A_102] : memref<10240x64xf32, #tpu.memory_space<hbm>> -> memref<10240x64xf32, #tpu.memory_space<hbm>>
      tpu.wait_indirect_dma semaphore(%arg16 : memref<!tpu.dma_semaphore, #tpu.memory_space<semaphore_mem>>) src(%dma_wait3A_103 : memref<10240x64xf32, #tpu.memory_space<hbm>>) dst(%arg11 : memref<256x64xf32, #tpu.memory_space<vmem>>)
      %dma_start3A_104 = arith.constant 0 : i32
      %dma_start3A_105 = tpu.memref_slice %arg8[%add3A_97, %dma_start3A_104] : memref<40x256xi32, #tpu.memory_space<vmem>> -> memref<1x256xi32, #tpu.memory_space<vmem>>
      %dma_start3A_106 = tpu.memref_squeeze %dma_start3A_105 : memref<1x256xi32, #tpu.memory_space<vmem>> -> memref<256xi32, #tpu.memory_space<vmem>>
      %dma_start3A_107 = arith.constant 0 : i32
      %dma_start3A_108 = arith.constant 0 : i32
      %dma_start3A_109 = tpu.memref_slice %arg13[%dma_start3A_107, %dma_start3A_108] : memref<10240x64xf32, #tpu.memory_space<vmem_shared>> -> memref<10240x64xf32, #tpu.memory_space<vmem_shared>>
      tpu.enqueue_indirect_dma source(%arg11 : memref<256x64xf32, #tpu.memory_space<vmem>>) target(%dma_start3A_109 : memref<10240x64xf32, #tpu.memory_space<vmem_shared>>) offsets(%dma_start3A_106 : memref<256xi32, #tpu.memory_space<vmem>>) semaphore(%arg20 : memref<!tpu.dma_semaphore, #tpu.memory_space<semaphore_mem>>) {add = true}
      %sub3A = arith.constant 2 : i32
      %sub3A_110 = arith.subi %add3A_97, %sub3A : i32
      %dma_wait3A_111 = arith.constant 0 : i32
      %dma_wait3A_112 = tpu.memref_slice %arg8[%sub3A_110, %dma_wait3A_111] : memref<40x256xi32, #tpu.memory_space<vmem>> -> memref<1x256xi32, #tpu.memory_space<vmem>>
      %dma_wait3A_113 = tpu.memref_squeeze %dma_wait3A_112 : memref<1x256xi32, #tpu.memory_space<vmem>> -> memref<256xi32, #tpu.memory_space<vmem>>
      %dma_wait3A_114 = arith.constant 0 : i32
      %dma_wait3A_115 = arith.constant 0 : i32
      %dma_wait3A_116 = tpu.memref_slice %arg13[%dma_wait3A_114, %dma_wait3A_115] : memref<10240x64xf32, #tpu.memory_space<vmem_shared>> -> memref<10240x64xf32, #tpu.memory_space<vmem_shared>>
      tpu.wait_indirect_dma semaphore(%arg18 : memref<!tpu.dma_semaphore, #tpu.memory_space<semaphore_mem>>) src(%arg9 : memref<256x64xf32, #tpu.memory_space<vmem>>) dst(%dma_wait3A_116 : memref<10240x64xf32, #tpu.memory_space<vmem_shared>>)
      %lt3A = arith.constant 9 : i32
      %lt3A_117 = arith.cmpi slt, %add3A_42, %lt3A : i32
      %convert_element_type3A_118 = arith.extui %lt3A_117 : i1 to i32
      %cond3A_119 = arith.constant 0 : i32
      %cond3A_120 = arith.cmpi ne, %convert_element_type3A_118, %cond3A_119 : i32
      scf.if %cond3A_120 {
        %add3A_148 = arith.constant 2 : i32
        %add3A_149 = arith.addi %add3A_97, %add3A_148 : i32
        %dma_start3A_150 = arith.constant 0 : i32
        %dma_start3A_151 = tpu.memref_slice %arg7[%add3A_149, %dma_start3A_150] : memref<40x256xi32, #tpu.memory_space<vmem>> -> memref<1x256xi32, #tpu.memory_space<vmem>>
        %dma_start3A_152 = tpu.memref_squeeze %dma_start3A_151 : memref<1x256xi32, #tpu.memory_space<vmem>> -> memref<256xi32, #tpu.memory_space<vmem>>
        %dma_start3A_153 = arith.constant 0 : i32
        %dma_start3A_154 = arith.constant 0 : i32
        %dma_start3A_155 = tpu.memref_slice %arg2[%dma_start3A_153, %dma_start3A_154] : memref<10240x64xf32, #tpu.memory_space<hbm>> -> memref<10240x64xf32, #tpu.memory_space<hbm>>
        tpu.enqueue_indirect_dma source(%dma_start3A_155 : memref<10240x64xf32, #tpu.memory_space<hbm>>) target(%arg9 : memref<256x64xf32, #tpu.memory_space<vmem>>) offsets(%dma_start3A_152 : memref<256xi32, #tpu.memory_space<vmem>>) semaphore(%arg14 : memref<!tpu.dma_semaphore, #tpu.memory_space<semaphore_mem>>)
      } else {
      }
      %add3A_121 = arith.constant 3 : i32
      %add3A_122 = arith.addi %mul3A_44, %add3A_121 : i32
      %dma_wait3A_123 = arith.constant 0 : i32
      %dma_wait3A_124 = tpu.memref_slice %arg7[%add3A_122, %dma_wait3A_123] : memref<40x256xi32, #tpu.memory_space<vmem>> -> memref<1x256xi32, #tpu.memory_space<vmem>>
      %dma_wait3A_125 = tpu.memref_squeeze %dma_wait3A_124 : memref<1x256xi32, #tpu.memory_space<vmem>> -> memref<256xi32, #tpu.memory_space<vmem>>
      %dma_wait3A_126 = arith.constant 0 : i32
      %dma_wait3A_127 = arith.constant 0 : i32
      %dma_wait3A_128 = tpu.memref_slice %arg2[%dma_wait3A_126, %dma_wait3A_127] : memref<10240x64xf32, #tpu.memory_space<hbm>> -> memref<10240x64xf32, #tpu.memory_space<hbm>>
      tpu.wait_indirect_dma semaphore(%arg17 : memref<!tpu.dma_semaphore, #tpu.memory_space<semaphore_mem>>) src(%dma_wait3A_128 : memref<10240x64xf32, #tpu.memory_space<hbm>>) dst(%arg12 : memref<256x64xf32, #tpu.memory_space<vmem>>)
      %dma_start3A_129 = arith.constant 0 : i32
      %dma_start3A_130 = tpu.memref_slice %arg8[%add3A_122, %dma_start3A_129] : memref<40x256xi32, #tpu.memory_space<vmem>> -> memref<1x256xi32, #tpu.memory_space<vmem>>
      %dma_start3A_131 = tpu.memref_squeeze %dma_start3A_130 : memref<1x256xi32, #tpu.memory_space<vmem>> -> memref<256xi32, #tpu.memory_space<vmem>>
      %dma_start3A_132 = arith.constant 0 : i32
      %dma_start3A_133 = arith.constant 0 : i32
      %dma_start3A_134 = tpu.memref_slice %arg13[%dma_start3A_132, %dma_start3A_133] : memref<10240x64xf32, #tpu.memory_space<vmem_shared>> -> memref<10240x64xf32, #tpu.memory_space<vmem_shared>>
      tpu.enqueue_indirect_dma source(%arg12 : memref<256x64xf32, #tpu.memory_space<vmem>>) target(%dma_start3A_134 : memref<10240x64xf32, #tpu.memory_space<vmem_shared>>) offsets(%dma_start3A_131 : memref<256xi32, #tpu.memory_space<vmem>>) semaphore(%arg21 : memref<!tpu.dma_semaphore, #tpu.memory_space<semaphore_mem>>) {add = true}
      %sub3A_135 = arith.constant 2 : i32
      %sub3A_136 = arith.subi %add3A_122, %sub3A_135 : i32
      %dma_wait3A_137 = arith.constant 0 : i32
      %dma_wait3A_138 = tpu.memref_slice %arg8[%sub3A_136, %dma_wait3A_137] : memref<40x256xi32, #tpu.memory_space<vmem>> -> memref<1x256xi32, #tpu.memory_space<vmem>>
      %dma_wait3A_139 = tpu.memref_squeeze %dma_wait3A_138 : memref<1x256xi32, #tpu.memory_space<vmem>> -> memref<256xi32, #tpu.memory_space<vmem>>
      %dma_wait3A_140 = arith.constant 0 : i32
      %dma_wait3A_141 = arith.constant 0 : i32
      %dma_wait3A_142 = tpu.memref_slice %arg13[%dma_wait3A_140, %dma_wait3A_141] : memref<10240x64xf32, #tpu.memory_space<vmem_shared>> -> memref<10240x64xf32, #tpu.memory_space<vmem_shared>>
      tpu.wait_indirect_dma semaphore(%arg19 : memref<!tpu.dma_semaphore, #tpu.memory_space<semaphore_mem>>) src(%arg10 : memref<256x64xf32, #tpu.memory_space<vmem>>) dst(%dma_wait3A_142 : memref<10240x64xf32, #tpu.memory_space<vmem_shared>>)
      %lt3A_143 = arith.constant 9 : i32
      %lt3A_144 = arith.cmpi slt, %add3A_42, %lt3A_143 : i32
      %convert_element_type3A_145 = arith.extui %lt3A_144 : i1 to i32
      %cond3A_146 = arith.constant 0 : i32
      %cond3A_147 = arith.cmpi ne, %convert_element_type3A_145, %cond3A_146 : i32
      scf.if %cond3A_147 {
        %add3A_148 = arith.constant 2 : i32
        %add3A_149 = arith.addi %add3A_122, %add3A_148 : i32
        %dma_start3A_150 = arith.constant 0 : i32
        %dma_start3A_151 = tpu.memref_slice %arg7[%add3A_149, %dma_start3A_150] : memref<40x256xi32, #tpu.memory_space<vmem>> -> memref<1x256xi32, #tpu.memory_space<vmem>>
        %dma_start3A_152 = tpu.memref_squeeze %dma_start3A_151 : memref<1x256xi32, #tpu.memory_space<vmem>> -> memref<256xi32, #tpu.memory_space<vmem>>
        %dma_start3A_153 = arith.constant 0 : i32
        %dma_start3A_154 = arith.constant 0 : i32
        %dma_start3A_155 = tpu.memref_slice %arg2[%dma_start3A_153, %dma_start3A_154] : memref<10240x64xf32, #tpu.memory_space<hbm>> -> memref<10240x64xf32, #tpu.memory_space<hbm>>
        tpu.enqueue_indirect_dma source(%dma_start3A_155 : memref<10240x64xf32, #tpu.memory_space<hbm>>) target(%arg10 : memref<256x64xf32, #tpu.memory_space<vmem>>) offsets(%dma_start3A_152 : memref<256xi32, #tpu.memory_space<vmem>>) semaphore(%arg15 : memref<!tpu.dma_semaphore, #tpu.memory_space<semaphore_mem>>)
      } else {
      }
    }
    %scan3A_19 = arith.constant 10 : i32
    %dma_wait3A = arith.constant 38 : i32
    %dma_wait3A_20 = arith.constant 0 : i32
    %dma_wait3A_21 = tpu.memref_slice %arg8[%dma_wait3A, %dma_wait3A_20] : memref<40x256xi32, #tpu.memory_space<vmem>> -> memref<1x256xi32, #tpu.memory_space<vmem>>
    %dma_wait3A_22 = tpu.memref_squeeze %dma_wait3A_21 : memref<1x256xi32, #tpu.memory_space<vmem>> -> memref<256xi32, #tpu.memory_space<vmem>>
    %dma_wait3A_23 = arith.constant 0 : i32
    %dma_wait3A_24 = arith.constant 0 : i32
    %dma_wait3A_25 = tpu.memref_slice %arg13[%dma_wait3A_23, %dma_wait3A_24] : memref<10240x64xf32, #tpu.memory_space<vmem_shared>> -> memref<10240x64xf32, #tpu.memory_space<vmem_shared>>
    tpu.wait_indirect_dma semaphore(%arg20 : memref<!tpu.dma_semaphore, #tpu.memory_space<semaphore_mem>>) src(%arg11 : memref<256x64xf32, #tpu.memory_space<vmem>>) dst(%dma_wait3A_25 : memref<10240x64xf32, #tpu.memory_space<vmem_shared>>)
    %dma_wait3A_26 = arith.constant 39 : i32
    %dma_wait3A_27 = arith.constant 0 : i32
    %dma_wait3A_28 = tpu.memref_slice %arg8[%dma_wait3A_26, %dma_wait3A_27] : memref<40x256xi32, #tpu.memory_space<vmem>> -> memref<1x256xi32, #tpu.memory_space<vmem>>
    %dma_wait3A_29 = tpu.memref_squeeze %dma_wait3A_28 : memref<1x256xi32, #tpu.memory_space<vmem>> -> memref<256xi32, #tpu.memory_space<vmem>>
    %dma_wait3A_30 = arith.constant 0 : i32
    %dma_wait3A_31 = arith.constant 0 : i32
    %dma_wait3A_32 = tpu.memref_slice %arg13[%dma_wait3A_30, %dma_wait3A_31] : memref<10240x64xf32, #tpu.memory_space<vmem_shared>> -> memref<10240x64xf32, #tpu.memory_space<vmem_shared>>
    tpu.wait_indirect_dma semaphore(%arg21 : memref<!tpu.dma_semaphore, #tpu.memory_space<semaphore_mem>>) src(%arg12 : memref<256x64xf32, #tpu.memory_space<vmem>>) dst(%dma_wait3A_32 : memref<10240x64xf32, #tpu.memory_space<vmem_shared>>)
    %barrier3A_33 = arith.constant 0 : index
    tpu.barrier barrier_id(%barrier3A_33)
    %mul3A_34 = arith.constant 640 : i32
    %mul3A_35 = arith.muli %arg1, %mul3A_34 : i32
    %mul3A_36 = arith.constant 640 : i32
    %mul3A_37 = arith.muli %arg1, %mul3A_36 : i32
    "tpu.region"() ({
      %run_scoped3A = tpu.sem_alloc : memref<!tpu.dma_semaphore, #tpu.memory_space<semaphore_mem>>
      %dma_start3A_38 = arith.constant 0 : i32
      %dma_start3A_39 = tpu.memref_slice %arg6[%arg0, %mul3A_37, %dma_start3A_38] : memref<2x10240x128xf32, #tpu.memory_space<hbm>> -> memref<1x640x64xf32, #tpu.memory_space<hbm>>
      %dma_start3A_40 = tpu.memref_squeeze %dma_start3A_39 : memref<1x640x64xf32, #tpu.memory_space<hbm>> -> memref<640x64xf32, #tpu.memory_space<hbm>>
      %dma_start3A_41 = arith.constant 0 : i32
      %dma_start3A_42 = tpu.memref_slice %arg13[%mul3A_35, %dma_start3A_41] : memref<10240x64xf32, #tpu.memory_space<vmem_shared>> -> memref<640x64xf32, #tpu.memory_space<vmem_shared>>
      tpu.enqueue_dma source(%dma_start3A_42 : memref<640x64xf32, #tpu.memory_space<vmem_shared>>) target(%dma_start3A_40 : memref<640x64xf32, #tpu.memory_space<hbm>>) target_semaphore(%run_scoped3A : memref<!tpu.dma_semaphore, #tpu.memory_space<semaphore_mem>>)
      %dma_wait3A_43 = arith.constant 0 : i32
      %dma_wait3A_44 = tpu.memref_slice %arg6[%arg0, %mul3A_37, %dma_wait3A_43] : memref<2x10240x128xf32, #tpu.memory_space<hbm>> -> memref<1x640x64xf32, #tpu.memory_space<hbm>>
      %dma_wait3A_45 = tpu.memref_squeeze %dma_wait3A_44 : memref<1x640x64xf32, #tpu.memory_space<hbm>> -> memref<640x64xf32, #tpu.memory_space<hbm>>
      %dma_wait3A_46 = arith.constant 0 : i32
      %dma_wait3A_47 = tpu.memref_slice %arg13[%mul3A_35, %dma_wait3A_46] : memref<10240x64xf32, #tpu.memory_space<vmem_shared>> -> memref<640x64xf32, #tpu.memory_space<vmem_shared>>
      tpu.wait_dma2 semaphore(%run_scoped3A : memref<!tpu.dma_semaphore, #tpu.memory_space<semaphore_mem>>) src(%dma_wait3A_47 : memref<640x64xf32, #tpu.memory_space<vmem_shared>>) dst(%dma_wait3A_45 : memref<640x64xf32, #tpu.memory_space<hbm>>)
      tpu.yield
    }) : () -> ()
    return
  }
}

module attributes {stable_mosaic.version = 14 : i64} {
  func.func @_scale_body(%arg0: i32, %arg1: memref<2048x128xf32, #tpu.memory_space<vmem>>, %arg2: memref<1x16x128xf32, #tpu.memory_space<vmem>>, %arg3: memref<2048x64xf32, #tpu.memory_space<vmem>>, %arg4: memref<2048x64xf32, #tpu.memory_space<vmem>>) attributes {dimension_semantics = [#tpu.dimension_semantics<arbitrary>], iteration_bounds = array<i64: 5>, scalar_prefetch = 0 : i64, scratch_operands = 0 : i64, tpu.core_type = #tpu.core_type<tc>, window_params = [{transform_indices = @transform_0, window_bounds = array<i64: 2048, 128>}, {transform_indices = @transform_1, window_bounds = array<i64: 1, 16, 128>}, {transform_indices = @transform_2, window_bounds = array<i64: 2048, 64>}, {transform_indices = @transform_3, window_bounds = array<i64: 2048, 64>}]} {
    %get3A = arith.constant 0 : index
    %get3A_0 = arith.constant 0 : index
    %get3A_1 = arith.constant 0 : index
    %get3A_2 = vector.load %arg2[%get3A, %get3A_0, %get3A_1] : memref<1x16x128xf32, #tpu.memory_space<vmem>>, vector<1x16x128xf32>
    %get3A_3 = vector.shape_cast %get3A_2 : vector<1x16x128xf32> to vector<16x128xf32>
    %transpose3A = tpu.transpose %get3A_3, [1, 0] : vector<16x128xf32> -> vector<128x16xf32>
    %slice3A = vector.extract_strided_slice %transpose3A {offsets = [0, 0], sizes = [128, 1], strides = [1, 1]} : vector<128x16xf32> to vector<128x1xf32>
    %slice3A_4 = vector.extract_strided_slice %transpose3A {offsets = [0, 1], sizes = [128, 1], strides = [1, 1]} : vector<128x16xf32> to vector<128x1xf32>
    %slice3A_5 = vector.extract_strided_slice %transpose3A {offsets = [0, 2], sizes = [128, 1], strides = [1, 1]} : vector<128x16xf32> to vector<128x1xf32>
    %slice3A_6 = vector.extract_strided_slice %transpose3A {offsets = [0, 3], sizes = [128, 1], strides = [1, 1]} : vector<128x16xf32> to vector<128x1xf32>
    %slice3A_7 = vector.extract_strided_slice %transpose3A {offsets = [0, 4], sizes = [128, 1], strides = [1, 1]} : vector<128x16xf32> to vector<128x1xf32>
    %slice3A_8 = vector.extract_strided_slice %transpose3A {offsets = [0, 5], sizes = [128, 1], strides = [1, 1]} : vector<128x16xf32> to vector<128x1xf32>
    %slice3A_9 = vector.extract_strided_slice %transpose3A {offsets = [0, 6], sizes = [128, 1], strides = [1, 1]} : vector<128x16xf32> to vector<128x1xf32>
    %slice3A_10 = vector.extract_strided_slice %transpose3A {offsets = [0, 7], sizes = [128, 1], strides = [1, 1]} : vector<128x16xf32> to vector<128x1xf32>
    %slice3A_11 = vector.extract_strided_slice %transpose3A {offsets = [0, 8], sizes = [128, 1], strides = [1, 1]} : vector<128x16xf32> to vector<128x1xf32>
    %slice3A_12 = vector.extract_strided_slice %transpose3A {offsets = [0, 9], sizes = [128, 1], strides = [1, 1]} : vector<128x16xf32> to vector<128x1xf32>
    %slice3A_13 = vector.extract_strided_slice %transpose3A {offsets = [0, 10], sizes = [128, 1], strides = [1, 1]} : vector<128x16xf32> to vector<128x1xf32>
    %slice3A_14 = vector.extract_strided_slice %transpose3A {offsets = [0, 11], sizes = [128, 1], strides = [1, 1]} : vector<128x16xf32> to vector<128x1xf32>
    %slice3A_15 = vector.extract_strided_slice %transpose3A {offsets = [0, 12], sizes = [128, 1], strides = [1, 1]} : vector<128x16xf32> to vector<128x1xf32>
    %slice3A_16 = vector.extract_strided_slice %transpose3A {offsets = [0, 13], sizes = [128, 1], strides = [1, 1]} : vector<128x16xf32> to vector<128x1xf32>
    %slice3A_17 = vector.extract_strided_slice %transpose3A {offsets = [0, 14], sizes = [128, 1], strides = [1, 1]} : vector<128x16xf32> to vector<128x1xf32>
    %slice3A_18 = vector.extract_strided_slice %transpose3A {offsets = [0, 15], sizes = [128, 1], strides = [1, 1]} : vector<128x16xf32> to vector<128x1xf32>
    %concatenate3A = tpu.concatenate %slice3A, %slice3A_4, %slice3A_5, %slice3A_6, %slice3A_7, %slice3A_8, %slice3A_9, %slice3A_10, %slice3A_11, %slice3A_12, %slice3A_13, %slice3A_14, %slice3A_15, %slice3A_16, %slice3A_17, %slice3A_18 in 0 : vector<128x1xf32>, vector<128x1xf32>, vector<128x1xf32>, vector<128x1xf32>, vector<128x1xf32>, vector<128x1xf32>, vector<128x1xf32>, vector<128x1xf32>, vector<128x1xf32>, vector<128x1xf32>, vector<128x1xf32>, vector<128x1xf32>, vector<128x1xf32>, vector<128x1xf32>, vector<128x1xf32>, vector<128x1xf32> -> vector<2048x1xf32>
    %max3A = arith.constant 1.000000e+00 : f32
    %max3A_19 = vector.broadcast %max3A : f32 to vector<2048x1xf32>
    %max3A_20 = arith.maximumf %concatenate3A, %max3A_19 : vector<2048x1xf32>
    %rsqrt3A = math.rsqrt %max3A_20 : vector<2048x1xf32>
    %get3A_21 = arith.constant 0 : index
    %get3A_22 = arith.constant 0 : index
    %get3A_23 = vector.load %arg1[%get3A_21, %get3A_22] : memref<2048x128xf32, #tpu.memory_space<vmem>>, vector<2048x128xf32>
    %mul3A = vector.broadcast %rsqrt3A : vector<2048x1xf32> to vector<2048x128xf32>
    %mul3A_24 = arith.mulf %get3A_23, %mul3A : vector<2048x128xf32>
    %slice3A_25 = vector.extract_strided_slice %mul3A_24 {offsets = [0, 0], sizes = [2048, 64], strides = [1, 1]} : vector<2048x128xf32> to vector<2048x64xf32>
    %swap3A = arith.constant 0 : index
    %swap3A_26 = arith.constant 0 : index
    %swap3A_27 = vector.load %arg3[%swap3A, %swap3A_26] : memref<2048x64xf32, #tpu.memory_space<vmem>>, vector<2048x64xf32>
    tpu.vector_store %arg3[%swap3A, %swap3A_26], %slice3A_25 {strides = array<i32>} : memref<2048x64xf32, #tpu.memory_space<vmem>>, vector<2048x64xf32>,
    %slice3A_28 = vector.extract_strided_slice %mul3A_24 {offsets = [0, 64], sizes = [2048, 64], strides = [1, 1]} : vector<2048x128xf32> to vector<2048x64xf32>
    %swap3A_29 = arith.constant 0 : index
    %swap3A_30 = arith.constant 0 : index
    %swap3A_31 = vector.load %arg4[%swap3A_29, %swap3A_30] : memref<2048x64xf32, #tpu.memory_space<vmem>>, vector<2048x64xf32>
    tpu.vector_store %arg4[%swap3A_29, %swap3A_30], %slice3A_28 {strides = array<i32>} : memref<2048x64xf32, #tpu.memory_space<vmem>>, vector<2048x64xf32>,
    return
  }
  func.func @transform_0(%arg0: i32) -> (i32, i32) {
    %c0_i32 = arith.constant 0 : i32
    %c0_i32_0 = arith.constant 0 : i32
    return %arg0, %c0_i32 : i32, i32
  }
  func.func @transform_1(%arg0: i32) -> (i32, i32, i32) {
    %c0_i32 = arith.constant 0 : i32
    %c0_i32_0 = arith.constant 0 : i32
    %c0_i32_1 = arith.constant 0 : i32
    return %c0_i32, %arg0, %c0_i32_0 : i32, i32, i32
  }
  func.func @transform_2(%arg0: i32) -> (i32, i32) {
    %c0_i32 = arith.constant 0 : i32
    %c0_i32_0 = arith.constant 0 : i32
    return %arg0, %c0_i32 : i32, i32
  }
  func.func @transform_3(%arg0: i32) -> (i32, i32) {
    %c0_i32 = arith.constant 0 : i32
    %c0_i32_0 = arith.constant 0 : i32
    return %arg0, %c0_i32 : i32, i32
  }
}

module attributes {stable_mosaic.version = 14 : i64} {
  func.func @_mid_body(%arg0: i32, %arg1: memref<2x2048x128xf32, #tpu.memory_space<vmem>>, %arg2: memref<2x2048x128xf32, #tpu.memory_space<vmem>>, %arg3: memref<2x16x128xf32, #tpu.memory_space<vmem>>, %arg4: memref<64x128xf32, #tpu.memory_space<vmem>>, %arg5: memref<64x128xf32, #tpu.memory_space<vmem>>, %arg6: memref<1x128xf32, #tpu.memory_space<vmem>>, %arg7: memref<128x64xf32, #tpu.memory_space<vmem>>, %arg8: memref<2048x64xf32, #tpu.memory_space<vmem>>) attributes {dimension_semantics = [#tpu.dimension_semantics<arbitrary>], iteration_bounds = array<i64: 5>, scalar_prefetch = 0 : i64, scratch_operands = 0 : i64, tpu.core_type = #tpu.core_type<tc>, window_params = [{transform_indices = @transform_0, window_bounds = array<i64: 2, 2048, 128>}, {transform_indices = @transform_1, window_bounds = array<i64: 2, 2048, 128>}, {transform_indices = @transform_2, window_bounds = array<i64: 2, 16, 128>}, {pipeline_mode = #tpu.pipeline_mode<synchronous>, transform_indices = @transform_3, window_bounds = array<i64: 64, 128>}, {pipeline_mode = #tpu.pipeline_mode<synchronous>, transform_indices = @transform_4, window_bounds = array<i64: 64, 128>}, {pipeline_mode = #tpu.pipeline_mode<synchronous>, transform_indices = @transform_5, window_bounds = array<i64: 1, 128>}, {pipeline_mode = #tpu.pipeline_mode<synchronous>, transform_indices = @transform_6, window_bounds = array<i64: 128, 64>}, {transform_indices = @transform_7, window_bounds = array<i64: 2048, 64>}]} {
    %get3A = arith.constant 0 : index
    %get3A_0 = arith.constant 0 : index
    %get3A_1 = arith.constant 0 : index
    %get3A_2 = vector.load %arg3[%get3A, %get3A_0, %get3A_1] : memref<2x16x128xf32, #tpu.memory_space<vmem>>, vector<1x16x128xf32>
    %get3A_3 = vector.shape_cast %get3A_2 : vector<1x16x128xf32> to vector<16x128xf32>
    %transpose3A = tpu.transpose %get3A_3, [1, 0] : vector<16x128xf32> -> vector<128x16xf32>
    %slice3A = vector.extract_strided_slice %transpose3A {offsets = [0, 0], sizes = [128, 1], strides = [1, 1]} : vector<128x16xf32> to vector<128x1xf32>
    %slice3A_4 = vector.extract_strided_slice %transpose3A {offsets = [0, 1], sizes = [128, 1], strides = [1, 1]} : vector<128x16xf32> to vector<128x1xf32>
    %slice3A_5 = vector.extract_strided_slice %transpose3A {offsets = [0, 2], sizes = [128, 1], strides = [1, 1]} : vector<128x16xf32> to vector<128x1xf32>
    %slice3A_6 = vector.extract_strided_slice %transpose3A {offsets = [0, 3], sizes = [128, 1], strides = [1, 1]} : vector<128x16xf32> to vector<128x1xf32>
    %slice3A_7 = vector.extract_strided_slice %transpose3A {offsets = [0, 4], sizes = [128, 1], strides = [1, 1]} : vector<128x16xf32> to vector<128x1xf32>
    %slice3A_8 = vector.extract_strided_slice %transpose3A {offsets = [0, 5], sizes = [128, 1], strides = [1, 1]} : vector<128x16xf32> to vector<128x1xf32>
    %slice3A_9 = vector.extract_strided_slice %transpose3A {offsets = [0, 6], sizes = [128, 1], strides = [1, 1]} : vector<128x16xf32> to vector<128x1xf32>
    %slice3A_10 = vector.extract_strided_slice %transpose3A {offsets = [0, 7], sizes = [128, 1], strides = [1, 1]} : vector<128x16xf32> to vector<128x1xf32>
    %slice3A_11 = vector.extract_strided_slice %transpose3A {offsets = [0, 8], sizes = [128, 1], strides = [1, 1]} : vector<128x16xf32> to vector<128x1xf32>
    %slice3A_12 = vector.extract_strided_slice %transpose3A {offsets = [0, 9], sizes = [128, 1], strides = [1, 1]} : vector<128x16xf32> to vector<128x1xf32>
    %slice3A_13 = vector.extract_strided_slice %transpose3A {offsets = [0, 10], sizes = [128, 1], strides = [1, 1]} : vector<128x16xf32> to vector<128x1xf32>
    %slice3A_14 = vector.extract_strided_slice %transpose3A {offsets = [0, 11], sizes = [128, 1], strides = [1, 1]} : vector<128x16xf32> to vector<128x1xf32>
    %slice3A_15 = vector.extract_strided_slice %transpose3A {offsets = [0, 12], sizes = [128, 1], strides = [1, 1]} : vector<128x16xf32> to vector<128x1xf32>
    %slice3A_16 = vector.extract_strided_slice %transpose3A {offsets = [0, 13], sizes = [128, 1], strides = [1, 1]} : vector<128x16xf32> to vector<128x1xf32>
    %slice3A_17 = vector.extract_strided_slice %transpose3A {offsets = [0, 14], sizes = [128, 1], strides = [1, 1]} : vector<128x16xf32> to vector<128x1xf32>
    %slice3A_18 = vector.extract_strided_slice %transpose3A {offsets = [0, 15], sizes = [128, 1], strides = [1, 1]} : vector<128x16xf32> to vector<128x1xf32>
    %concatenate3A = tpu.concatenate %slice3A, %slice3A_4, %slice3A_5, %slice3A_6, %slice3A_7, %slice3A_8, %slice3A_9, %slice3A_10, %slice3A_11, %slice3A_12, %slice3A_13, %slice3A_14, %slice3A_15, %slice3A_16, %slice3A_17, %slice3A_18 in 0 : vector<128x1xf32>, vector<128x1xf32>, vector<128x1xf32>, vector<128x1xf32>, vector<128x1xf32>, vector<128x1xf32>, vector<128x1xf32>, vector<128x1xf32>, vector<128x1xf32>, vector<128x1xf32>, vector<128x1xf32>, vector<128x1xf32>, vector<128x1xf32>, vector<128x1xf32>, vector<128x1xf32>, vector<128x1xf32> -> vector<2048x1xf32>
    %max3A = arith.constant 1.000000e+00 : f32
    %max3A_19 = vector.broadcast %max3A : f32 to vector<2048x1xf32>
    %max3A_20 = arith.maximumf %concatenate3A, %max3A_19 : vector<2048x1xf32>
    %rsqrt3A = math.rsqrt %max3A_20 : vector<2048x1xf32>
    %get3A_21 = arith.constant 1 : index
    %get3A_22 = arith.constant 0 : index
    %get3A_23 = arith.constant 0 : index
    %get3A_24 = vector.load %arg3[%get3A_21, %get3A_22, %get3A_23] : memref<2x16x128xf32, #tpu.memory_space<vmem>>, vector<1x16x128xf32>
    %get3A_25 = vector.shape_cast %get3A_24 : vector<1x16x128xf32> to vector<16x128xf32>
    %transpose3A_26 = tpu.transpose %get3A_25, [1, 0] : vector<16x128xf32> -> vector<128x16xf32>
    %slice3A_27 = vector.extract_strided_slice %transpose3A_26 {offsets = [0, 0], sizes = [128, 1], strides = [1, 1]} : vector<128x16xf32> to vector<128x1xf32>
    %slice3A_28 = vector.extract_strided_slice %transpose3A_26 {offsets = [0, 1], sizes = [128, 1], strides = [1, 1]} : vector<128x16xf32> to vector<128x1xf32>
    %slice3A_29 = vector.extract_strided_slice %transpose3A_26 {offsets = [0, 2], sizes = [128, 1], strides = [1, 1]} : vector<128x16xf32> to vector<128x1xf32>
    %slice3A_30 = vector.extract_strided_slice %transpose3A_26 {offsets = [0, 3], sizes = [128, 1], strides = [1, 1]} : vector<128x16xf32> to vector<128x1xf32>
    %slice3A_31 = vector.extract_strided_slice %transpose3A_26 {offsets = [0, 4], sizes = [128, 1], strides = [1, 1]} : vector<128x16xf32> to vector<128x1xf32>
    %slice3A_32 = vector.extract_strided_slice %transpose3A_26 {offsets = [0, 5], sizes = [128, 1], strides = [1, 1]} : vector<128x16xf32> to vector<128x1xf32>
    %slice3A_33 = vector.extract_strided_slice %transpose3A_26 {offsets = [0, 6], sizes = [128, 1], strides = [1, 1]} : vector<128x16xf32> to vector<128x1xf32>
    %slice3A_34 = vector.extract_strided_slice %transpose3A_26 {offsets = [0, 7], sizes = [128, 1], strides = [1, 1]} : vector<128x16xf32> to vector<128x1xf32>
    %slice3A_35 = vector.extract_strided_slice %transpose3A_26 {offsets = [0, 8], sizes = [128, 1], strides = [1, 1]} : vector<128x16xf32> to vector<128x1xf32>
    %slice3A_36 = vector.extract_strided_slice %transpose3A_26 {offsets = [0, 9], sizes = [128, 1], strides = [1, 1]} : vector<128x16xf32> to vector<128x1xf32>
    %slice3A_37 = vector.extract_strided_slice %transpose3A_26 {offsets = [0, 10], sizes = [128, 1], strides = [1, 1]} : vector<128x16xf32> to vector<128x1xf32>
    %slice3A_38 = vector.extract_strided_slice %transpose3A_26 {offsets = [0, 11], sizes = [128, 1], strides = [1, 1]} : vector<128x16xf32> to vector<128x1xf32>
    %slice3A_39 = vector.extract_strided_slice %transpose3A_26 {offsets = [0, 12], sizes = [128, 1], strides = [1, 1]} : vector<128x16xf32> to vector<128x1xf32>
    %slice3A_40 = vector.extract_strided_slice %transpose3A_26 {offsets = [0, 13], sizes = [128, 1], strides = [1, 1]} : vector<128x16xf32> to vector<128x1xf32>
    %slice3A_41 = vector.extract_strided_slice %transpose3A_26 {offsets = [0, 14], sizes = [128, 1], strides = [1, 1]} : vector<128x16xf32> to vector<128x1xf32>
    %slice3A_42 = vector.extract_strided_slice %transpose3A_26 {offsets = [0, 15], sizes = [128, 1], strides = [1, 1]} : vector<128x16xf32> to vector<128x1xf32>
    %concatenate3A_43 = tpu.concatenate %slice3A_27, %slice3A_28, %slice3A_29, %slice3A_30, %slice3A_31, %slice3A_32, %slice3A_33, %slice3A_34, %slice3A_35, %slice3A_36, %slice3A_37, %slice3A_38, %slice3A_39, %slice3A_40, %slice3A_41, %slice3A_42 in 0 : vector<128x1xf32>, vector<128x1xf32>, vector<128x1xf32>, vector<128x1xf32>, vector<128x1xf32>, vector<128x1xf32>, vector<128x1xf32>, vector<128x1xf32>, vector<128x1xf32>, vector<128x1xf32>, vector<128x1xf32>, vector<128x1xf32>, vector<128x1xf32>, vector<128x1xf32>, vector<128x1xf32>, vector<128x1xf32> -> vector<2048x1xf32>
    %max3A_44 = arith.constant 1.000000e+00 : f32
    %max3A_45 = vector.broadcast %max3A_44 : f32 to vector<2048x1xf32>
    %max3A_46 = arith.maximumf %concatenate3A_43, %max3A_45 : vector<2048x1xf32>
    %rsqrt3A_47 = math.rsqrt %max3A_46 : vector<2048x1xf32>
    %get3A_48 = arith.constant 0 : index
    %get3A_49 = arith.constant 0 : index
    %get3A_50 = arith.constant 0 : index
    %get3A_51 = vector.load %arg1[%get3A_48, %get3A_49, %get3A_50] : memref<2x2048x128xf32, #tpu.memory_space<vmem>>, vector<1x2048x64xf32>
    %get3A_52 = vector.shape_cast %get3A_51 : vector<1x2048x64xf32> to vector<2048x64xf32>
    %get3A_53 = arith.constant 1 : index
    %get3A_54 = arith.constant 0 : index
    %get3A_55 = arith.constant 0 : index
    %get3A_56 = vector.load %arg1[%get3A_53, %get3A_54, %get3A_55] : memref<2x2048x128xf32, #tpu.memory_space<vmem>>, vector<1x2048x64xf32>
    %get3A_57 = vector.shape_cast %get3A_56 : vector<1x2048x64xf32> to vector<2048x64xf32>
    %add3A = arith.addf %get3A_52, %get3A_57 : vector<2048x64xf32>
    %mul3A = vector.broadcast %rsqrt3A_47 : vector<2048x1xf32> to vector<2048x64xf32>
    %mul3A_58 = arith.mulf %add3A, %mul3A : vector<2048x64xf32>
    %get3A_59 = arith.constant 0 : index
    %get3A_60 = arith.constant 0 : index
    %get3A_61 = arith.constant 0 : index
    %get3A_62 = vector.load %arg2[%get3A_59, %get3A_60, %get3A_61] : memref<2x2048x128xf32, #tpu.memory_space<vmem>>, vector<1x2048x64xf32>
    %get3A_63 = vector.shape_cast %get3A_62 : vector<1x2048x64xf32> to vector<2048x64xf32>
    %get3A_64 = arith.constant 1 : index
    %get3A_65 = arith.constant 0 : index
    %get3A_66 = arith.constant 0 : index
    %get3A_67 = vector.load %arg2[%get3A_64, %get3A_65, %get3A_66] : memref<2x2048x128xf32, #tpu.memory_space<vmem>>, vector<1x2048x64xf32>
    %get3A_68 = vector.shape_cast %get3A_67 : vector<1x2048x64xf32> to vector<2048x64xf32>
    %add3A_69 = arith.addf %get3A_63, %get3A_68 : vector<2048x64xf32>
    %mul3A_70 = vector.broadcast %rsqrt3A_47 : vector<2048x1xf32> to vector<2048x64xf32>
    %mul3A_71 = arith.mulf %add3A_69, %mul3A_70 : vector<2048x64xf32>
    %get3A_72 = arith.constant 0 : index
    %get3A_73 = arith.constant 0 : index
    %get3A_74 = vector.load %arg4[%get3A_72, %get3A_73] : memref<64x128xf32, #tpu.memory_space<vmem>>, vector<64x128xf32>
    %dot_general3A = arith.constant dense<0.000000e+00> : vector<2048x128xf32>
    %dot_general3A_75 = tpu.matmul %mul3A_58, %get3A_74, %dot_general3A {dimension_numbers = #tpu.dot_dimension_numbers<[1], [0], [0], [1], [0, 0, 1, 1], [], []>, transpose_lhs_hint = false} : vector<2048x64xf32>, vector<64x128xf32>, vector<2048x128xf32> -> vector<2048x128xf32>
    %get3A_76 = arith.constant 0 : index
    %get3A_77 = arith.constant 0 : index
    %get3A_78 = vector.load %arg5[%get3A_76, %get3A_77] : memref<64x128xf32, #tpu.memory_space<vmem>>, vector<64x128xf32>
    %dot_general3A_79 = arith.constant dense<0.000000e+00> : vector<2048x128xf32>
    %dot_general3A_80 = tpu.matmul %mul3A_71, %get3A_78, %dot_general3A_79 {dimension_numbers = #tpu.dot_dimension_numbers<[1], [0], [0], [1], [0, 0, 1, 1], [], []>, transpose_lhs_hint = false} : vector<2048x64xf32>, vector<64x128xf32>, vector<2048x128xf32> -> vector<2048x128xf32>
    %add3A_81 = arith.addf %dot_general3A_75, %dot_general3A_80 : vector<2048x128xf32>
    %get3A_82 = arith.constant 0 : index
    %get3A_83 = arith.constant 0 : index
    %get3A_84 = vector.load %arg6[%get3A_82, %get3A_83] : memref<1x128xf32, #tpu.memory_space<vmem>>, vector<1x128xf32>
    %add3A_85 = vector.broadcast %get3A_84 : vector<1x128xf32> to vector<2048x128xf32>
    %add3A_86 = arith.addf %add3A_81, %add3A_85 : vector<2048x128xf32>
    %mul3A_87 = vector.broadcast %rsqrt3A : vector<2048x1xf32> to vector<2048x128xf32>
    %mul3A_88 = arith.mulf %add3A_86, %mul3A_87 : vector<2048x128xf32>
    %get3A_89 = arith.constant 0 : index
    %get3A_90 = arith.constant 0 : index
    %get3A_91 = vector.load %arg7[%get3A_89, %get3A_90] : memref<128x64xf32, #tpu.memory_space<vmem>>, vector<128x64xf32>
    %dot_general3A_92 = arith.constant dense<0.000000e+00> : vector<2048x64xf32>
    %dot_general3A_93 = tpu.matmul %mul3A_88, %get3A_91, %dot_general3A_92 {dimension_numbers = #tpu.dot_dimension_numbers<[1], [0], [0], [1], [0, 0, 1, 1], [], []>, transpose_lhs_hint = false} : vector<2048x128xf32>, vector<128x64xf32>, vector<2048x64xf32> -> vector<2048x64xf32>
    %swap3A = arith.constant 0 : index
    %swap3A_94 = arith.constant 0 : index
    %swap3A_95 = vector.load %arg8[%swap3A, %swap3A_94] : memref<2048x64xf32, #tpu.memory_space<vmem>>, vector<2048x64xf32>
    tpu.vector_store %arg8[%swap3A, %swap3A_94], %dot_general3A_93 {strides = array<i32>} : memref<2048x64xf32, #tpu.memory_space<vmem>>, vector<2048x64xf32>,
    return
  }
  func.func @transform_0(%arg0: i32) -> (i32, i32, i32) {
    %c0_i32 = arith.constant 0 : i32
    %c0_i32_0 = arith.constant 0 : i32
    %c0_i32_1 = arith.constant 0 : i32
    return %c0_i32, %arg0, %c0_i32_0 : i32, i32, i32
  }
  func.func @transform_1(%arg0: i32) -> (i32, i32, i32) {
    %c0_i32 = arith.constant 0 : i32
    %c0_i32_0 = arith.constant 0 : i32
    %c0_i32_1 = arith.constant 0 : i32
    return %c0_i32, %arg0, %c0_i32_0 : i32, i32, i32
  }
  func.func @transform_2(%arg0: i32) -> (i32, i32, i32) {
    %c0_i32 = arith.constant 0 : i32
    %c0_i32_0 = arith.constant 0 : i32
    %c0_i32_1 = arith.constant 0 : i32
    return %c0_i32, %arg0, %c0_i32_0 : i32, i32, i32
  }
  func.func @transform_3(%arg0: i32) -> (i32, i32) {
    %c0_i32 = arith.constant 0 : i32
    %c0_i32_0 = arith.constant 0 : i32
    %c0_i32_1 = arith.constant 0 : i32
    return %c0_i32, %c0_i32_0 : i32, i32
  }
  func.func @transform_4(%arg0: i32) -> (i32, i32) {
    %c0_i32 = arith.constant 0 : i32
    %c0_i32_0 = arith.constant 0 : i32
    %c0_i32_1 = arith.constant 0 : i32
    return %c0_i32, %c0_i32_0 : i32, i32
  }
  func.func @transform_5(%arg0: i32) -> (i32, i32) {
    %c0_i32 = arith.constant 0 : i32
    %c0_i32_0 = arith.constant 0 : i32
    %c0_i32_1 = arith.constant 0 : i32
    return %c0_i32, %c0_i32_0 : i32, i32
  }
  func.func @transform_6(%arg0: i32) -> (i32, i32) {
    %c0_i32 = arith.constant 0 : i32
    %c0_i32_0 = arith.constant 0 : i32
    %c0_i32_1 = arith.constant 0 : i32
    return %c0_i32, %c0_i32_0 : i32, i32
  }
  func.func @transform_7(%arg0: i32) -> (i32, i32) {
    %c0_i32 = arith.constant 0 : i32
    %c0_i32_0 = arith.constant 0 : i32
    return %arg0, %c0_i32 : i32, i32
  }
}

module attributes {stable_mosaic.version = 14 : i64} {
  func.func @_fin_body(%arg0: i32, %arg1: memref<2x2048x128xf32, #tpu.memory_space<vmem>>, %arg2: memref<1x16x128xf32, #tpu.memory_space<vmem>>, %arg3: memref<1x64xf32, #tpu.memory_space<vmem>>, %arg4: memref<2048x64xf32, #tpu.memory_space<vmem>>) attributes {dimension_semantics = [#tpu.dimension_semantics<arbitrary>], iteration_bounds = array<i64: 5>, scalar_prefetch = 0 : i64, scratch_operands = 0 : i64, tpu.core_type = #tpu.core_type<tc>, window_params = [{transform_indices = @transform_0, window_bounds = array<i64: 2, 2048, 128>}, {transform_indices = @transform_1, window_bounds = array<i64: 1, 16, 128>}, {pipeline_mode = #tpu.pipeline_mode<synchronous>, transform_indices = @transform_2, window_bounds = array<i64: 1, 64>}, {transform_indices = @transform_3, window_bounds = array<i64: 2048, 64>}]} {
    %get3A = arith.constant 0 : index
    %get3A_0 = arith.constant 0 : index
    %get3A_1 = arith.constant 0 : index
    %get3A_2 = vector.load %arg2[%get3A, %get3A_0, %get3A_1] : memref<1x16x128xf32, #tpu.memory_space<vmem>>, vector<1x16x128xf32>
    %get3A_3 = vector.shape_cast %get3A_2 : vector<1x16x128xf32> to vector<16x128xf32>
    %transpose3A = tpu.transpose %get3A_3, [1, 0] : vector<16x128xf32> -> vector<128x16xf32>
    %slice3A = vector.extract_strided_slice %transpose3A {offsets = [0, 0], sizes = [128, 1], strides = [1, 1]} : vector<128x16xf32> to vector<128x1xf32>
    %slice3A_4 = vector.extract_strided_slice %transpose3A {offsets = [0, 1], sizes = [128, 1], strides = [1, 1]} : vector<128x16xf32> to vector<128x1xf32>
    %slice3A_5 = vector.extract_strided_slice %transpose3A {offsets = [0, 2], sizes = [128, 1], strides = [1, 1]} : vector<128x16xf32> to vector<128x1xf32>
    %slice3A_6 = vector.extract_strided_slice %transpose3A {offsets = [0, 3], sizes = [128, 1], strides = [1, 1]} : vector<128x16xf32> to vector<128x1xf32>
    %slice3A_7 = vector.extract_strided_slice %transpose3A {offsets = [0, 4], sizes = [128, 1], strides = [1, 1]} : vector<128x16xf32> to vector<128x1xf32>
    %slice3A_8 = vector.extract_strided_slice %transpose3A {offsets = [0, 5], sizes = [128, 1], strides = [1, 1]} : vector<128x16xf32> to vector<128x1xf32>
    %slice3A_9 = vector.extract_strided_slice %transpose3A {offsets = [0, 6], sizes = [128, 1], strides = [1, 1]} : vector<128x16xf32> to vector<128x1xf32>
    %slice3A_10 = vector.extract_strided_slice %transpose3A {offsets = [0, 7], sizes = [128, 1], strides = [1, 1]} : vector<128x16xf32> to vector<128x1xf32>
    %slice3A_11 = vector.extract_strided_slice %transpose3A {offsets = [0, 8], sizes = [128, 1], strides = [1, 1]} : vector<128x16xf32> to vector<128x1xf32>
    %slice3A_12 = vector.extract_strided_slice %transpose3A {offsets = [0, 9], sizes = [128, 1], strides = [1, 1]} : vector<128x16xf32> to vector<128x1xf32>
    %slice3A_13 = vector.extract_strided_slice %transpose3A {offsets = [0, 10], sizes = [128, 1], strides = [1, 1]} : vector<128x16xf32> to vector<128x1xf32>
    %slice3A_14 = vector.extract_strided_slice %transpose3A {offsets = [0, 11], sizes = [128, 1], strides = [1, 1]} : vector<128x16xf32> to vector<128x1xf32>
    %slice3A_15 = vector.extract_strided_slice %transpose3A {offsets = [0, 12], sizes = [128, 1], strides = [1, 1]} : vector<128x16xf32> to vector<128x1xf32>
    %slice3A_16 = vector.extract_strided_slice %transpose3A {offsets = [0, 13], sizes = [128, 1], strides = [1, 1]} : vector<128x16xf32> to vector<128x1xf32>
    %slice3A_17 = vector.extract_strided_slice %transpose3A {offsets = [0, 14], sizes = [128, 1], strides = [1, 1]} : vector<128x16xf32> to vector<128x1xf32>
    %slice3A_18 = vector.extract_strided_slice %transpose3A {offsets = [0, 15], sizes = [128, 1], strides = [1, 1]} : vector<128x16xf32> to vector<128x1xf32>
    %concatenate3A = tpu.concatenate %slice3A, %slice3A_4, %slice3A_5, %slice3A_6, %slice3A_7, %slice3A_8, %slice3A_9, %slice3A_10, %slice3A_11, %slice3A_12, %slice3A_13, %slice3A_14, %slice3A_15, %slice3A_16, %slice3A_17, %slice3A_18 in 0 : vector<128x1xf32>, vector<128x1xf32>, vector<128x1xf32>, vector<128x1xf32>, vector<128x1xf32>, vector<128x1xf32>, vector<128x1xf32>, vector<128x1xf32>, vector<128x1xf32>, vector<128x1xf32>, vector<128x1xf32>, vector<128x1xf32>, vector<128x1xf32>, vector<128x1xf32>, vector<128x1xf32>, vector<128x1xf32> -> vector<2048x1xf32>
    %max3A = arith.constant 1.000000e+00 : f32
    %max3A_19 = vector.broadcast %max3A : f32 to vector<2048x1xf32>
    %max3A_20 = arith.maximumf %concatenate3A, %max3A_19 : vector<2048x1xf32>
    %rsqrt3A = math.rsqrt %max3A_20 : vector<2048x1xf32>
    %get3A_21 = arith.constant 0 : index
    %get3A_22 = arith.constant 0 : index
    %get3A_23 = arith.constant 0 : index
    %get3A_24 = vector.load %arg1[%get3A_21, %get3A_22, %get3A_23] : memref<2x2048x128xf32, #tpu.memory_space<vmem>>, vector<1x2048x64xf32>
    %get3A_25 = vector.shape_cast %get3A_24 : vector<1x2048x64xf32> to vector<2048x64xf32>
    %get3A_26 = arith.constant 1 : index
    %get3A_27 = arith.constant 0 : index
    %get3A_28 = arith.constant 0 : index
    %get3A_29 = vector.load %arg1[%get3A_26, %get3A_27, %get3A_28] : memref<2x2048x128xf32, #tpu.memory_space<vmem>>, vector<1x2048x64xf32>
    %get3A_30 = vector.shape_cast %get3A_29 : vector<1x2048x64xf32> to vector<2048x64xf32>
    %add3A = arith.addf %get3A_25, %get3A_30 : vector<2048x64xf32>
    %mul3A = vector.broadcast %rsqrt3A : vector<2048x1xf32> to vector<2048x64xf32>
    %mul3A_31 = arith.mulf %add3A, %mul3A : vector<2048x64xf32>
    %get3A_32 = arith.constant 0 : index
    %get3A_33 = arith.constant 0 : index
    %get3A_34 = vector.load %arg3[%get3A_32, %get3A_33] : memref<1x64xf32, #tpu.memory_space<vmem>>, vector<1x64xf32>
    %add3A_35 = vector.broadcast %get3A_34 : vector<1x64xf32> to vector<2048x64xf32>
    %add3A_36 = arith.addf %mul3A_31, %add3A_35 : vector<2048x64xf32>
    %swap3A = arith.constant 0 : index
    %swap3A_37 = arith.constant 0 : index
    %swap3A_38 = vector.load %arg4[%swap3A, %swap3A_37] : memref<2048x64xf32, #tpu.memory_space<vmem>>, vector<2048x64xf32>
    tpu.vector_store %arg4[%swap3A, %swap3A_37], %add3A_36 {strides = array<i32>} : memref<2048x64xf32, #tpu.memory_space<vmem>>, vector<2048x64xf32>,
    return
  }
  func.func @transform_0(%arg0: i32) -> (i32, i32, i32) {
    %c0_i32 = arith.constant 0 : i32
    %c0_i32_0 = arith.constant 0 : i32
    %c0_i32_1 = arith.constant 0 : i32
    return %c0_i32, %arg0, %c0_i32_0 : i32, i32, i32
  }
  func.func @transform_1(%arg0: i32) -> (i32, i32, i32) {
    %c1_i32 = arith.constant 1 : i32
    %c0_i32 = arith.constant 0 : i32
    %c0_i32_0 = arith.constant 0 : i32
    return %c1_i32, %arg0, %c0_i32 : i32, i32, i32
  }
  func.func @transform_2(%arg0: i32) -> (i32, i32) {
    %c0_i32 = arith.constant 0 : i32
    %c0_i32_0 = arith.constant 0 : i32
    %c0_i32_1 = arith.constant 0 : i32
    return %c0_i32, %c0_i32_0 : i32, i32
  }
  func.func @transform_3(%arg0: i32) -> (i32, i32) {
    %c0_i32 = arith.constant 0 : i32
    %c0_i32_0 = arith.constant 0 : i32
    return %arg0, %c0_i32 : i32, i32
  }
}

</mosaic_0001>

<sc_bundles>
// kernel: kernel.11.cloned.1.call-start
scs
__scs_entry_jumppad:
0x0: {  	(pc) =	sbr.rel $0x88, $3  }
0x1: {  	(tag) =	ssettag $0x0;
	lr =	simm.s32 $0x1  }
0x2: {  	[smem:$0x3F9B] =	sst lr;
	_ =	strace $0xD0000000  }
0x3: {  	_ = 	snop  }
0x4: {  	_ = 	snop  }
0x5: {  	_ = 	snop  }
0x6: {  	_ = 	snop  }
0x7: {  	_ = 	snop  }
__scs_overlays_trampoline_lowered:
0x8: {  	[smem:$0x3FAA] =	sst s0  }
0x9: {  	[smem:$0x3FAB] =	sst s1  }
0xa: {  	[smem:$0x3FAC] =	sst s2  }
0xb: {  	[smem:$0x3FAD] =	sst s3  }
0xc: {  	[smem:$0x3FAE] =	sst s4  }
0xd: {  	[smem:$0x3FAF] =	sst s5  }
0xe: {  	[smem:$0x3FB0] =	sst s6  }
0xf: {  	[smem:$0x3FB1] =	sst s7  }
0x10: {  	[smem:$0x3FB2] =	sst s8  }
0x11: {  	[smem:$0x3FB3] =	sst s9;
	s0 =	simm.s32 @!p0 $0x0  }
0x12: {  	s1 =	sld [smem:$0x3F99];
	s0 =	simm.s32 @p0 $0x1  }
0x13: {  	[smem:$0x3FB4] =	sst s0;
	s0 =	simm.s32 @!p1 $0x0  }
0x14: {  	s2 =	sld [smem:$0x3F98];
	s0 =	simm.s32 @p1 $0x1  }
0x15: {  	[smem:$0x3FB5] =	sst s0;
	s0 =	simm.s32 @!p2 $0x0  }
0x16: {  	s3 =	sld [smem:$0x3FDB];
	s0 =	simm.s32 @p2 $0x1  }
0x17: {  	s4 =	simm.s32 $0x1BF5;
	[smem:$0x3FB7] =	sst s0  }
0x18: {  	s0 =	sld [smem:$0x3F9A];
	_ =	swait.ge [sflag:s4], $0x0  }
0x19: {  	s7 =	sld [smem:$0x3F9B]  }
0x1a: {  	s8 =	sadd.s32 $0xFFFFE003, lr  }
0x1b: {  	s9 =	sadd.s32 $0xFFFFFEF7, lr;
	s5 =	simm.s32 $0xFFFFFFFF;
	p2 =	slt.u32 s8, $0xFFFFF086  }
0x1c: {  	p1 =	slt.u32 s9, $0xF7A;
	s5 =	simm.s32 @!p2 $0x0  }
0x1d: {  	s5 =	simm.s32 @p1 $0x1;
	p0 =	seq.s32 s7, s2  }
0x1e: {  	s7 =	smul.u32 @!p0 $0xF7A, s2;
	p2 =	seq.s32 @!p0 s5, $0x0  }
0x1f: {  	s9 =	smul.u32 $0xF7A, s1;
	s8 =	simm.s32 @!p0 $0x1BF5;
	p2 =	por !p2, p0  }
0x20: {  	[sflag:s8] =	ssyncset.s32 @!p0 $0xFFFFF086;
	s6 =	sadd.s32 @!p0 s3, s7;
	s7 =	simm.s32 @!p0 $0x108  }
0x21: {  	s3 =	sadd.s32 s3, s9;
	s6 =	sadd.s32 @!p0 $0x88, s6;
	s7 =	simm.s32 @p2 $0x1082  }
0x22: {  	[simem:s7], [sflag:s8] =	dma.local @!p0 [hbm:s6], $0xF7A  }
0x23: {  	s9 =	sor.u32 $0xD0000000, s2;
	s6 =	simm.s32 $0x108;
	_ =	swait.ge @!p0 [sflag:s8], $0x0  }
0x24: {  	s3 =	sadd.s32 $0x88, s3;
	s6 =	simm.s32 @!p1 $0x1082;
	[sflag:s4] =	ssyncset.s32 $0xFFFFF086  }
0x25: {  	[simem:s6], [sflag:s4] =	dma.local [hbm:s3], $0xF7A  }
0x26: {  	[smem:$0x3F9B] =	sst s1;
	(tag) =	ssettag s2;
	_ =	strace s9  }
0x27: {  	s1 =	sld [smem:$0x3FAB]  }
0x28: {  	s2 =	sld [smem:$0x3FAC]  }
0x29: {  	s4 =	sld [smem:$0x3FAE]  }
0x2a: {  	p0 =	seq.s32 s5, $0x0;
	s5 =	sld [smem:$0x3FAF]  }
0x2b: {  	s6 =	sld [smem:$0x3FB0]  }
0x2c: {  	s7 =	sld [smem:$0x3FB1]  }
0x2d: {  	s3 =	simm.s32 $0x108;
	s8 =	sld [smem:$0x3FB2]  }
0x2e: {  	s3 =	simm.s32 @!p0 $0x1082;
	s9 =	sld [smem:$0x3FB3]  }
0x2f: {  	lr =	sadd.s32 s0, s3;
	s0 =	sld [smem:$0x3FAA]  }
0x30: {  	s3 =	sld [smem:$0x3FAD]  }
0x31: {  	[smem:$0x3FB6] =	sst s10  }
0x32: {  	s10 =	sld [smem:$0x3FB4];
	_ =	sdelay $0x3  }
0x33: {  	p0 =	seq.s32 s10, $0x1;
	s10 =	sld [smem:$0x3FB6];
	_ =	sdelay $0x3  }
0x34: {  	[smem:$0x3FB6] =	sst s10  }
0x35: {  	s10 =	sld [smem:$0x3FB5];
	_ =	sdelay $0x3  }
0x36: {  	p1 =	seq.s32 s10, $0x1;
	s10 =	sld [smem:$0x3FB6];
	_ =	sdelay $0x3  }
0x37: {  	[smem:$0x3FB6] =	sst s10  }
0x38: {  	s10 =	sld [smem:$0x3FB7]  }
0x39: {  	_ = 	snop;
	(pc) =	sbr.ind lr, $3  }
0x3a: {  	_ = 	snop  }
0x3b: {  	_ = 	snop  }
0x3c: {  	p2 =	seq.s32 s10, $0x1;
	s10 =	sld [smem:$0x3FB6]  }
0x3d: {  	_ =	shalt  }
0x3e: {  	_ =	shalt  }
0x3f: {  	_ =	shalt  }
0x40: {  	_ =	shalt  }
0x41: {  	_ =	shalt  }
0x42: {  	_ =	shalt  }
0x43: {  	_ =	shalt  }
0x44: {  	_ =	shalt  }
0x45: {  	_ =	shalt  }
0x46: {  	_ =	shalt  }
0x47: {  	_ =	shalt  }
0x48: {  	_ =	shalt  }
0x49: {  	_ =	shalt  }
0x4a: {  	_ =	shalt  }
0x4b: {  	_ =	shalt  }
0x4c: {  	_ =	shalt  }
0x4d: {  	_ =	shalt  }
0x4e: {  	_ =	shalt  }
0x4f: {  	_ =	shalt  }
0x50: {  	_ =	shalt  }
0x51: {  	_ =	shalt  }
0x52: {  	_ =	shalt  }
0x53: {  	_ =	shalt  }
0x54: {  	_ =	shalt  }
0x55: {  	_ =	shalt  }
0x56: {  	_ =	shalt  }
0x57: {  	_ =	shalt  }
0x58: {  	_ =	shalt  }
0x59: {  	_ =	shalt  }
0x5a: {  	_ =	shalt  }
0x5b: {  	_ =	shalt  }
0x5c: {  	_ =	shalt  }
0x5d: {  	_ =	shalt  }
0x5e: {  	_ =	shalt  }
0x5f: {  	_ =	shalt  }
0x60: {  	_ =	shalt  }
0x61: {  	_ =	shalt  }
0x62: {  	_ =	shalt  }
0x63: {  	_ =	shalt  }
0x64: {  	_ =	shalt  }
0x65: {  	_ =	shalt  }
0x66: {  	_ =	shalt  }
0x67: {  	_ =	shalt  }
0x68: {  	_ =	shalt  }
0x69: {  	_ =	shalt  }
0x6a: {  	_ =	shalt  }
0x6b: {  	_ =	shalt  }
0x6c: {  	_ =	shalt  }
0x6d: {  	_ =	shalt  }
0x6e: {  	_ =	shalt  }
0x6f: {  	_ =	shalt  }
0x70: {  	_ =	shalt  }
0x71: {  	_ =	shalt  }
0x72: {  	_ =	shalt  }
0x73: {  	_ =	shalt  }
0x74: {  	_ =	shalt  }
0x75: {  	_ =	shalt  }
0x76: {  	_ =	shalt  }
0x77: {  	_ =	shalt  }
0x78: {  	_ =	shalt  }
0x79: {  	_ =	shalt  }
0x7a: {  	_ =	shalt  }
0x7b: {  	_ =	shalt  }
0x7c: {  	_ =	shalt  }
0x7d: {  	_ =	shalt  }
0x7e: {  	_ =	shalt  }
0x7f: {  	_ =	shalt  }
0x80: {  	_ =	shalt  }
0x81: {  	_ =	shalt  }
0x82: {  	_ =	shalt  }
0x83: {  	_ =	shalt  }
0x84: {  	_ =	shalt  }
0x85: {  	_ =	shalt  }
0x86: {  	_ =	shalt  }
0x87: {  	_ =	shalt  }
.Lfunc_end0:
.L_simem_size_0:
called_computation.1_lowered:
.L_overlay_start_0:
0x88: {  	s2 =	sld [smem:$0x3FD9]  }
0x89: {  	s3 =	sld [smem:$0x3FFE];
	_ =	sdelay $0x1  }
0x8a: {  	s1 =	srdreg.scid  }
0x8b: {  	s0 =	sand.u32 $0x1, s1  }
0x8c: {  	s17 =	sshll.u32 s0, $0xA;
	s2 =	sadd.s32 s3, s2  }
0x8d: {  	s2 =	sadd.s32 s2, s17  }
0x8e: {  	[smem:$0x3FC2] =	sst s2  }
0x8f: {  	_ = 	snop  }
0x90: {  	s2 =	sld [smem:$0x3FD0];
	(tm) =	ssettm $0x1  }
0x91: {  	s18 =	sld [smem:$0x3FFB];
	_ =	sdelay $0x3  }
0x92: {  	_ =	strace s18  }
0x93: {  	s3 =	sld [smem:$0x3FFC];
	_ =	sdelay $0x3  }
0x94: {  	_ =	strace s3  }
0x95: {  	s3 =	sld [smem:$0x3FFD];
	_ =	sdelay $0x3  }
0x96: {  	_ =	strace s3  }
0x97: {  	_ =	strace $0x8FFFFFFF  }
0x98: {  	s19 =	sld [smem:$0x3FDB];
	_ =	sdelay $0x1  }
0x99: {  	s4 =	simm.s32 $_scs_section_size  }
0x9a: {  	s5 =	simm.s32 $_size__tile_overlayer_lowered;
	s6 =	simm.s32 $_tile_overlayer_lowered  }
0x9b: {  	s22 =	simm.s32 $0x1BFF;
	s21 =	sshll.u32 s6, $0x1;
	s3 =	sadd.s32 s4, s19  }
0x9c: {  	s7 =	simm.s32 $0x0;
	s20 =	sshll.u32 s5, $0x1;
	s5 =	sadd.s32 s21, s3  }
0x9d: {  	[timem:s7], [sflag:s22] =	dma.local [hbm:s5], s20  }
0x9e: {  	_ =	swait.ge [sflag:s22], s20  }
0x9f: {  	s4 =	ssub.s32 $0x0, s20;
	[sflag:s22] =	ssyncset.done $0x0  }
0xa0: {  	[sflag:s22] =	ssyncadd.s32 s4;
	_ =	sdelay $0x1  }
0xa1: {  	s23 =	simm.s32 $0x1B8B  }
0xa2: {  	_ =	swait.ge [sflag:s23], $0x1  }
0xa3: {  	[sflag:s23] =	ssyncset.done $0x0  }
0xa4: {  	s25 =	simm.s32 $0x1B8E;
	s24 =	sld [smem:$0x3FFE];
	[sflag:s23] =	ssyncadd.s32 $0xFFFFFFFF  }
0xa5: {  	s26 =	simm.s32 $execute0_lowered;
	[smem:$0x3FD2] =	sst s25  }
0xa6: {  	s5 =	sshll.u32 s26, $0x1;
	_ =	strace $0x80000049;
	[dreg:$0x1] =	wrdreg $0xFFFFFFFF  }
0xa7: {  	s28 =	simm.s32 $_size_execute0_lowered;
	s3 =	sadd.s32 s3, s5;
	[dreg:$0x0] =	wrdreg $0x0  }
0xa8: {  	s5 =	sshll.u32 s28, $0x1;
	[dreg:$0x2] =	wrdreg s3  }
0xa9: {  	[dreg:$0x3] =	wrdreg s5  }
0xaa: {  	[dreg:$0x4] =	wrdreg $0xC0  }
0xab: {  	_ =	task [dreg:s7], $0x5FFFF  }
0xac: {  	[dreg:$0x1] =	wrdreg $0xFFFFFFFF  }
0xad: {  	[dreg:$0x0] =	wrdreg $0x60  }
0xae: {  	[dreg:$0x2] =	wrdreg s24  }
0xaf: {  	[dreg:$0x3] =	wrdreg s2  }
0xb0: {  	[dreg:$0x4] =	wrdreg $0x150000  }
0xb1: {  	[dreg:$0x5] =	wrdreg $0x9  }
0xb2: {  	_ =	task.clear_ibuf [dreg:s7], $0x6FFFF;
	_ =	strace $0x90000049  }
0xb3: {  	s29 =	simm.s32 $0x9;
	_ =	strace $0x8000004B  }
0xb4: {  	_ =	swait.ge [sflag:s29], $0x1  }
0xb5: {  	[sflag:s29] =	ssyncadd.s32 $0xFFFFFFFF  }
0xb6: {  	_ =	strace $0x9000004B  }
0xb7: {  	_ =	sfence  }
0xb8: {  	s30 =	sld [smem:$0x0];
	_ =	sdelay $0x2  }
0xb9: {  	s31 =	sshll.u32 s1, $0xD;
	s1 =	sshrl.u32 s1, $0x2  }
0xba: {  	s3 =	sand.u32 $0x4000, s31;
	s1 =	sadd.s32 s1, s30  }
0xbb: {  	s0 =	sor.u32 s3, s0;
	s1 =	sshll.u32 s1, $0x11  }
0xbc: {  	s0 =	sor.u32 s1, s0  }
0xbd: {  	s0 =	sadd.s32 $0x8F2B, s0  }
0xbe: {  	[sflag:s0] =	ssyncadd.remote.s32 $0x1  }
0xbf: {  	_ =	sfence.sel $0xFFFF  }
0xc0: {  	[dreg:$0x0] =	wrdreg $0xFFFFFFFF;
	(pc) =	sbr.abs _section_cstart, $3  }
0xc1: {  	[dreg:$0x1] =	wrdreg $0xFFFFFFFF  }
0xc2: {  	_ =	task.clear_ibuf [dreg:s7], $0x2FFFF;
	_ =	strace $0x9FFFFFFF  }
0xc3: {  	(tm) =	ssettm $0x7FFFFFFF  }
tec
execute0_lowered:
.L_overlay_start_1:
0x0: {  	(tag) =	ssettag $0x1  }
0x1: {  	s0 =	srdreg.scid;
	s1 =	rddreg [dreg:$0x0]  }
0x2: {  	s7 =	rddreg [dreg:$0x1];
	s14 =	stileid.u32  }
0x3: {  	s2 =	rddreg [dreg:$0x2];
	s13 =	simm.s32 $0x2800;
	s16 =	simm.s32 $0x100  }
0x4: {  	s17 =	simm.s32 $0x5000;
	s18 =	simm.s32 $0x9000;
	s19 =	simm.s32 $0x1  }
0x5: {  	s21 =	simm.s32 $0xD000;
	s22 =	simm.s32 $0x2;
	s29 =	simm.s32 $0x5  }
0x6: {  	s30 =	simm.s32 $0x400;
	s31 =	simm.s32 $0x4;
	s9 =	smul.u32 $0x14000, s14  }
0x7: {  	s0 =	sand.u32 $0x1, s0;
	s5 =	sadd.s32 $0xC200, s1;
	s11 =	smul.u32 $0x28000, s14  }
0x8: {  	s28 =	sshll.u32 s14, $0x6;
	s3 =	sshll.u32 s0, $0x4;
	s6 =	smul.u32 $0x140000, s0  }
0x9: {  	s0 =	ssub.s32 $0x2, s0;
	s4 =	sor.u32 s14, s3;
	s3 =	simm.s32 $0x0  }
0xa: {  	s12 =	sshrl.u32 s0, $0x1;
	s24 =	sshrl.u32 s11, $0x2;
	s14 =	sor.u32 $0x1C09, s28  }
0xb: {  	s11 =	simm.s32 $0x0;
	s8 =	smul.u32 $0x500, s4;
	[smem:$0x7FF] =	sst s3  }
0xc: {  	s4 =	sadd.s32 $0x20200, s1;
	s9 =	sadd.s32 s9, s6;
	s6 =	sadd.s32 $0x34200, s1  }
0xd: {  	s0 =	ssub.s32 s0, s12;
	s25 =	sadd.s32 s24, s2;
	s12 =	simm.s32 $0x9  }
0xe: {  	_ =	strace $0x8000004A;
	s9 =	sshrl.u32 s9, $0x3;
	s0 =	smax.u32 s0, $0x1  }
0xf: {  	s15 =	sshrl.u32 s25, $0x3;
	s25 =	simm.s32 $0x11000;
	s10 =	sadd.s32 s8, s1  }
0x10: {  	s1 =	sadd.s32 s9, s1;
	s7 =	sadd.s32 s7, s8;
	[dreg:$0x8] =	wrdreg s0  }
.Ltmp0:
0x11: {  	s10 =	sadd.s32 $0x2200, s10;
	[dreg:$0x5] =	wrdreg s7;
	(pc) =	sbr.rel .LBB2_1-.Ltmp0, $4  }
0x12: {  	s0 =	simm.s32 $0x6;
	s26 =	sadd.s32 $0x35600, s1;
	[dreg:$0x4] =	wrdreg s10  }
0x13: {  	s8 =	simm.s32 $0x7;
	s1 =	sadd.s32 $0x85600, s1;
	[dreg:$0x6] =	wrdreg s26  }
0x14: {  	s9 =	simm.s32 $0x8;
	s7 =	simm.s32 $0x500;
	[dreg:$0x7] =	wrdreg s1  }
0x15: {  	s26 =	simm.s32 $0x3;
	s1 =	simm.s32 $0x2B00;
	s10 =	simm.s32 $0x10  }
.LBB2_7:
0x16: {  	_ =	swait.ge [sflag:s31], $0x4000  }
0x17: {  	[sflag:s31] =	ssyncset.done $0x0  }
0x18: {  	[sflag:s31] =	ssyncadd.s32 $0xFFFFC000  }
0x19: {  	[spmem:s2] =	stream.indirect.scatter.add.f32 [tilespmem:s25], [sflag:$0x8], $0x40, s24, s16, $0xb8;
	[tilespmem:$0x1F000] =	vst v63  }
0x1a: {  	_ =	swait.ge [sflag:s0], $0x4000  }
0x1b: {  	[sflag:s0] =	ssyncset.done $0x0  }
0x1c: {  	[sflag:s0] =	ssyncadd.s32 $0xFFFFC000  }
0x1d: {  	_ =	swait.ge [sflag:s8], $0x4000  }
0x1e: {  	[sflag:s8] =	ssyncset.done $0x0  }
0x1f: {  	[sflag:s8] =	ssyncadd.s32 $0xFFFFC000  }
0x20: {  	_ =	swait.ge [sflag:s9], $0x4000  }
0x21: {  	[sflag:s9] =	ssyncset.done $0x0  }
0x22: {  	[sflag:s9] =	ssyncadd.s32 $0xFFFFC000  }
0x23: {  	[bflag:$0x0] =	sbarrier.arrive $0xFFFF  }
0x24: {  	s20 =	rddreg [dreg:$0x7]  }
0x25: {  	[hbm:s20@s10], [sflag:s14] =	dma.strided [spmem:s15@s9], $0x1400, s19, $0x8   }
0x26: {  	_ =	swait.ge [sflag:s12], $0x1400  }
0x27: {  	s11 =	sadd.s32 $0x1, s11;
	s28 =	rddreg [dreg:$0x8]  }
0x28: {  	p0 =	sne.s32 s11, s28  }
.Ltmp1:
0x29: {  	_ = 	snop;
	(pc) =	sbr.rel @!p0 .LBB2_8-.Ltmp1, $3  }
0x2a: {  	_ =	sdelay $0x1  }
0x2b: {  	[sflag:s12] =	ssyncset.done $0x0  }
0x2c: {  	[sflag:s12] =	ssyncadd.s32 $0xFFFFEC00  }
.LBB2_1:
0x2d: {  	s20 =	rddreg [dreg:$0x4]  }
0x2e: {  	[tilespmem:s3], [sflag:$0x9] =	stream.linear.gather [hbm4b:s20+s3], $0x2800, $0x38;
	[tilespmem:$0x1F000] =	vst v63  }
0x2f: {  	_ =	swait.ge [sflag:s12], $0x2800  }
0x30: {  	[sflag:s12] =	ssyncset.done $0x0  }
0x31: {  	s24 =	rddreg [dreg:$0x5];
	[sflag:s12] =	ssyncadd.s32 $0xFFFFD800  }
0x32: {  	[tilespmem:s13], [sflag:$0x9] =	stream.linear.gather [hbm4b:s24+s3], $0x2800, $0x38;
	[tilespmem:$0x1F000] =	vst v63  }
0x33: {  	_ =	swait.ge [sflag:s12], $0x2800  }
0x34: {  	[sflag:s12] =	ssyncset.done $0x0  }
0x35: {  	[sflag:s12] =	ssyncadd.s32 $0xFFFFD800  }
0x36: {  	[spmem:s15], [sflag:s14] =	dma.local [hbm:s6], $0x1400  }
0x37: {  	_ =	swait.ge [sflag:s12], $0x1400  }
0x38: {  	[sflag:s12] =	ssyncset.done $0x0  }
0x39: {  	[sflag:s12] =	ssyncadd.s32 $0xFFFFEC00  }
0x3a: {  	[bflag:$0x0] =	sbarrier.arrive $0xFFFF  }
0x3b: {  	[tilespmem:s17], [sflag:$0x1] =	stream.indirect.gather [hbm4b:s4+s16], $0x40, s3, s16, $0xb8;
	[tilespmem:$0x1F000] =	vst v63  }
0x3c: {  	_ = 	snop  }
0x3d: {  	[tilespmem:s18], [sflag:$0x2] =	stream.indirect.gather [hbm4b:s4+s16], $0x40, s16, s16, $0xb8;
	[tilespmem:$0x1F000] =	vst v63  }
0x3e: {  	_ =	swait.ge [sflag:s19], $0x4000  }
0x3f: {  	[sflag:s19] =	ssyncset.done $0x0  }
0x40: {  	[sflag:s19] =	ssyncadd.s32 $0xFFFFC000  }
0x41: {  	[spmem:s2] =	stream.indirect.scatter.add.f32 [tilespmem:s17], [sflag:$0x5], $0x40, s13, s16, $0xb8;
	[tilespmem:$0x1F000] =	vst v63  }
0x42: {  	s28 =	simm.s32 $0x200  }
0x43: {  	[tilespmem:s21], [sflag:$0x3] =	stream.indirect.gather [hbm4b:s4+s16], $0x40, s28, s16, $0xb8;
	[tilespmem:$0x1F000] =	vst v63  }
0x44: {  	_ =	swait.ge [sflag:s22], $0x4000  }
0x45: {  	[sflag:s22] =	ssyncset.done $0x0  }
0x46: {  	s23 =	simm.s32 $0x2900;
	[sflag:s22] =	ssyncadd.s32 $0xFFFFC000  }
0x47: {  	[spmem:s2] =	stream.indirect.scatter.add.f32 [tilespmem:s18], [sflag:$0x6], $0x40, s23, s16, $0xb8;
	[tilespmem:$0x1F000] =	vst v63  }
0x48: {  	s24 =	simm.s32 $0x300  }
0x49: {  	[tilespmem:s25], [sflag:$0x4] =	stream.indirect.gather [hbm4b:s4+s16], $0x40, s24, s16, $0xb8;
	[tilespmem:$0x1F000] =	vst v63  }
0x4a: {  	_ =	swait.ge [sflag:s26], $0x4000  }
0x4b: {  	[sflag:s26] =	ssyncset.done $0x0  }
0x4c: {  	s28 =	simm.s32 $0x2A00;
	[sflag:s26] =	ssyncadd.s32 $0xFFFFC000  }
0x4d: {  	[spmem:s2] =	stream.indirect.scatter.add.f32 [tilespmem:s21], [sflag:$0x7], $0x40, s28, s16, $0xb8;
	[tilespmem:$0x1F000] =	vst v63  }
0x4e: {  	_ =	swait.ge [sflag:s29], $0x4000  }
0x4f: {  	[sflag:s29] =	ssyncset.done $0x0  }
0x50: {  	[sflag:s29] =	ssyncadd.s32 $0xFFFFC000  }
0x51: {  	[tilespmem:s17], [sflag:$0x1] =	stream.indirect.gather [hbm4b:s4+s16], $0x40, s30, s16, $0xb8;
	[tilespmem:$0x1F000] =	vst v63  }
0x52: {  	_ =	swait.ge [sflag:s31], $0x4000  }
0x53: {  	[sflag:s31] =	ssyncset.done $0x0  }
0x54: {  	[sflag:s31] =	ssyncadd.s32 $0xFFFFC000  }
0x55: {  	[spmem:s2] =	stream.indirect.scatter.add.f32 [tilespmem:s25], [sflag:$0x8], $0x40, s1, s16, $0xb8;
	[tilespmem:$0x1F000] =	vst v63  }
0x56: {  	_ =	swait.ge [sflag:s0], $0x4000  }
0x57: {  	[sflag:s0] =	ssyncset.done $0x0  }
0x58: {  	s20 =	simm.s32 $0x0;
	[sflag:s0] =	ssyncadd.s32 $0xFFFFC000  }
0x59: {  	[tilespmem:s18], [sflag:$0x2] =	stream.indirect.gather [hbm4b:s4+s16], $0x40, s7, s16, $0xb8;
	[tilespmem:$0x1F000] =	vst v63  }
.LBB2_2:
0x5a: {  	_ =	swait.ge [sflag:s19], $0x4000  }
0x5b: {  	s23 =	sshra.s32 s20, $0x2;
	[sflag:s19] =	ssyncset.done $0x0  }
0x5c: {  	s24 =	sadd.s32 $0x2C00, s23;
	[sflag:s19] =	ssyncadd.s32 $0xFFFFC000  }
0x5d: {  	[spmem:s2] =	stream.indirect.scatter.add.f32 [tilespmem:s17], [sflag:$0x5], $0x40, s24, s16, $0xb8;
	[tilespmem:$0x1F000] =	vst v63  }
0x5e: {  	_ =	swait.ge [sflag:s8], $0x4000  }
0x5f: {  	[sflag:s8] =	ssyncset.done $0x0  }
0x60: {  	s28 =	sadd.s32 $0x600, s23;
	[sflag:s8] =	ssyncadd.s32 $0xFFFFC000  }
0x61: {  	[tilespmem:s21], [sflag:$0x3] =	stream.indirect.gather [hbm4b:s4+s16], $0x40, s28, s16, $0xb8;
	[tilespmem:$0x1F000] =	vst v63  }
0x62: {  	_ =	swait.ge [sflag:s22], $0x4000  }
0x63: {  	[sflag:s22] =	ssyncset.done $0x0  }
0x64: {  	s28 =	sadd.s32 $0x2D00, s23;
	[sflag:s22] =	ssyncadd.s32 $0xFFFFC000  }
0x65: {  	[spmem:s2] =	stream.indirect.scatter.add.f32 [tilespmem:s18], [sflag:$0x6], $0x40, s28, s16, $0xb8;
	[tilespmem:$0x1F000] =	vst v63  }
0x66: {  	_ =	swait.ge [sflag:s9], $0x4000  }
0x67: {  	[sflag:s9] =	ssyncset.done $0x0  }
0x68: {  	s28 =	sadd.s32 $0x700, s23;
	[sflag:s9] =	ssyncadd.s32 $0xFFFFC000  }
0x69: {  	[tilespmem:s25], [sflag:$0x4] =	stream.indirect.gather [hbm4b:s4+s16], $0x40, s28, s16, $0xb8;
	[tilespmem:$0x1F000] =	vst v63  }
0x6a: {  	_ =	swait.ge [sflag:s26], $0x4000  }
0x6b: {  	p0 =	seq.s32 s20, $0x8000;
	[sflag:s26] =	ssyncset.done $0x0  }
.Ltmp2:
0x6c: {  	s28 =	sadd.s32 $0x2E00, s23;
	[sflag:s26] =	ssyncadd.s32 $0xFFFFC000;
	(pc) =	sbr.rel @p0 .LBB2_4-.Ltmp2, $4  }
0x6d: {  	[spmem:s2] =	stream.indirect.scatter.add.f32 [tilespmem:s21], [sflag:$0x7], $0x40, s28, s16, $0xb8;
	[tilespmem:$0x1F000] =	vst v63  }
0x6e: {  	_ =	swait.ge [sflag:s29], $0x4000  }
0x6f: {  	[sflag:s29] =	ssyncset.done $0x0  }
0x70: {  	s24 =	sadd.s32 $0x2F00, s23;
	[sflag:s29] =	ssyncadd.s32 $0xFFFFC000  }
0x71: {  	s28 =	sadd.s32 $0x800, s23  }
0x72: {  	[tilespmem:s17], [sflag:$0x1] =	stream.indirect.gather [hbm4b:s4+s16], $0x40, s28, s16, $0xb8;
	[tilespmem:$0x1F000] =	vst v63  }
0x73: {  	_ =	swait.ge [sflag:s31], $0x4000  }
0x74: {  	[sflag:s31] =	ssyncset.done $0x0  }
0x75: {  	[sflag:s31] =	ssyncadd.s32 $0xFFFFC000  }
0x76: {  	[spmem:s2] =	stream.indirect.scatter.add.f32 [tilespmem:s25], [sflag:$0x8], $0x40, s24, s16, $0xb8;
	[tilespmem:$0x1F000] =	vst v63  }
.Ltmp3:
0x77: {  	_ = 	snop;
	(pc) =	sbr.rel .LBB2_2-.Ltmp3, $4  }
0x78: {  	_ =	swait.ge [sflag:s0], $0x4000  }
0x79: {  	[sflag:s0] =	ssyncset.done $0x0  }
0x7a: {  	s20 =	sadd.s32 $0x1000, s20;
	s28 =	sadd.s32 $0x900, s23;
	[sflag:s0] =	ssyncadd.s32 $0xFFFFC000  }
0x7b: {  	[tilespmem:s18], [sflag:$0x2] =	stream.indirect.gather [hbm4b:s4+s16], $0x40, s28, s16, $0xb8;
	[tilespmem:$0x1F000] =	vst v63  }
.LBB2_4:
0x7c: {  	_ =	swait.ge [sflag:s31], $0x4000  }
0x7d: {  	[sflag:s31] =	ssyncset.done $0x0  }
0x7e: {  	[sflag:s31] =	ssyncadd.s32 $0xFFFFC000  }
0x7f: {  	[spmem:s2] =	stream.indirect.scatter.add.f32 [tilespmem:s25], [sflag:$0x8], $0x40, s24, s16, $0xb8;
	[tilespmem:$0x1F000] =	vst v63  }
0x80: {  	_ =	swait.ge [sflag:s0], $0x4000  }
0x81: {  	[sflag:s0] =	ssyncset.done $0x0  }
0x82: {  	[sflag:s0] =	ssyncadd.s32 $0xFFFFC000  }
0x83: {  	_ =	swait.ge [sflag:s8], $0x4000  }
0x84: {  	[sflag:s8] =	ssyncset.done $0x0  }
0x85: {  	[sflag:s8] =	ssyncadd.s32 $0xFFFFC000  }
0x86: {  	_ =	swait.ge [sflag:s9], $0x4000  }
0x87: {  	[sflag:s9] =	ssyncset.done $0x0  }
0x88: {  	[sflag:s9] =	ssyncadd.s32 $0xFFFFC000  }
0x89: {  	[bflag:$0x0] =	sbarrier.arrive $0xFFFF  }
0x8a: {  	s20 =	rddreg [dreg:$0x6]  }
0x8b: {  	[hbm:s20@s10], [sflag:s14] =	dma.strided [spmem:s15@s9], $0x1400, s19, $0x8   }
0x8c: {  	_ =	swait.ge [sflag:s12], $0x1400  }
0x8d: {  	[sflag:s12] =	ssyncset.done $0x0  }
0x8e: {  	[sflag:s12] =	ssyncadd.s32 $0xFFFFEC00  }
0x8f: {  	[spmem:s15], [sflag:s14] =	dma.local [hbm:s6], $0x1400  }
0x90: {  	_ =	swait.ge [sflag:s12], $0x1400  }
0x91: {  	[sflag:s12] =	ssyncset.done $0x0  }
0x92: {  	[sflag:s12] =	ssyncadd.s32 $0xFFFFEC00  }
0x93: {  	s20 =	simm.s32 $0x0;
	[bflag:$0x0] =	sbarrier.arrive $0xFFFF  }
0x94: {  	[tilespmem:s17], [sflag:$0x1] =	stream.indirect.gather [hbm4b:s5+s16], $0x40, s20, s16, $0xb8;
	[tilespmem:$0x1F000] =	vst v63  }
0x95: {  	_ = 	snop  }
0x96: {  	[tilespmem:s18], [sflag:$0x2] =	stream.indirect.gather [hbm4b:s5+s16], $0x40, s16, s16, $0xb8;
	[tilespmem:$0x1F000] =	vst v63  }
0x97: {  	_ =	swait.ge [sflag:s19], $0x4000  }
0x98: {  	[sflag:s19] =	ssyncset.done $0x0  }
0x99: {  	[sflag:s19] =	ssyncadd.s32 $0xFFFFC000  }
0x9a: {  	[spmem:s2] =	stream.indirect.scatter.add.f32 [tilespmem:s17], [sflag:$0x5], $0x40, s13, s16, $0xb8;
	[tilespmem:$0x1F000] =	vst v63  }
0x9b: {  	s23 =	simm.s32 $0x200  }
0x9c: {  	[tilespmem:s21], [sflag:$0x3] =	stream.indirect.gather [hbm4b:s5+s16], $0x40, s23, s16, $0xb8;
	[tilespmem:$0x1F000] =	vst v63  }
0x9d: {  	_ =	swait.ge [sflag:s22], $0x4000  }
0x9e: {  	[sflag:s22] =	ssyncset.done $0x0  }
0x9f: {  	s28 =	simm.s32 $0x2900;
	[sflag:s22] =	ssyncadd.s32 $0xFFFFC000  }
0xa0: {  	[spmem:s2] =	stream.indirect.scatter.add.f32 [tilespmem:s18], [sflag:$0x6], $0x40, s28, s16, $0xb8;
	[tilespmem:$0x1F000] =	vst v63  }
0xa1: {  	s24 =	simm.s32 $0x300  }
0xa2: {  	[tilespmem:s25], [sflag:$0x4] =	stream.indirect.gather [hbm4b:s5+s16], $0x40, s24, s16, $0xb8;
	[tilespmem:$0x1F000] =	vst v63  }
0xa3: {  	_ =	swait.ge [sflag:s26], $0x4000  }
0xa4: {  	[sflag:s26] =	ssyncset.done $0x0  }
0xa5: {  	s28 =	simm.s32 $0x2A00;
	[sflag:s26] =	ssyncadd.s32 $0xFFFFC000  }
0xa6: {  	[spmem:s2] =	stream.indirect.scatter.add.f32 [tilespmem:s21], [sflag:$0x7], $0x40, s28, s16, $0xb8;
	[tilespmem:$0x1F000] =	vst v63  }
0xa7: {  	_ =	swait.ge [sflag:s29], $0x4000  }
0xa8: {  	[sflag:s29] =	ssyncset.done $0x0  }
0xa9: {  	[sflag:s29] =	ssyncadd.s32 $0xFFFFC000  }
0xaa: {  	[tilespmem:s17], [sflag:$0x1] =	stream.indirect.gather [hbm4b:s5+s16], $0x40, s30, s16, $0xb8;
	[tilespmem:$0x1F000] =	vst v63  }
0xab: {  	_ =	swait.ge [sflag:s31], $0x4000  }
0xac: {  	[sflag:s31] =	ssyncset.done $0x0  }
0xad: {  	[sflag:s31] =	ssyncadd.s32 $0xFFFFC000  }
0xae: {  	[spmem:s2] =	stream.indirect.scatter.add.f32 [tilespmem:s25], [sflag:$0x8], $0x40, s1, s16, $0xb8;
	[tilespmem:$0x1F000] =	vst v63  }
0xaf: {  	_ =	swait.ge [sflag:s0], $0x4000  }
0xb0: {  	[sflag:s0] =	ssyncset.done $0x0  }
0xb1: {  	[sflag:s0] =	ssyncadd.s32 $0xFFFFC000  }
0xb2: {  	[tilespmem:s18], [sflag:$0x2] =	stream.indirect.gather [hbm4b:s5+s16], $0x40, s7, s16, $0xb8;
	[tilespmem:$0x1F000] =	vst v63  }
.LBB2_5:
0xb3: {  	_ =	swait.ge [sflag:s19], $0x4000  }
0xb4: {  	s23 =	sshra.s32 s20, $0x2;
	[sflag:s19] =	ssyncset.done $0x0  }
0xb5: {  	s24 =	sadd.s32 $0x2C00, s23;
	[sflag:s19] =	ssyncadd.s32 $0xFFFFC000  }
0xb6: {  	[spmem:s2] =	stream.indirect.scatter.add.f32 [tilespmem:s17], [sflag:$0x5], $0x40, s24, s16, $0xb8;
	[tilespmem:$0x1F000] =	vst v63  }
0xb7: {  	_ =	swait.ge [sflag:s8], $0x4000  }
0xb8: {  	[sflag:s8] =	ssyncset.done $0x0  }
0xb9: {  	s28 =	sadd.s32 $0x600, s23;
	[sflag:s8] =	ssyncadd.s32 $0xFFFFC000  }
0xba: {  	[tilespmem:s21], [sflag:$0x3] =	stream.indirect.gather [hbm4b:s5+s16], $0x40, s28, s16, $0xb8;
	[tilespmem:$0x1F000] =	vst v63  }
0xbb: {  	_ =	swait.ge [sflag:s22], $0x4000  }
0xbc: {  	[sflag:s22] =	ssyncset.done $0x0  }
0xbd: {  	s28 =	sadd.s32 $0x2D00, s23;
	[sflag:s22] =	ssyncadd.s32 $0xFFFFC000  }
0xbe: {  	[spmem:s2] =	stream.indirect.scatter.add.f32 [tilespmem:s18], [sflag:$0x6], $0x40, s28, s16, $0xb8;
	[tilespmem:$0x1F000] =	vst v63  }
0xbf: {  	_ =	swait.ge [sflag:s9], $0x4000  }
0xc0: {  	[sflag:s9] =	ssyncset.done $0x0  }
0xc1: {  	s28 =	sadd.s32 $0x700, s23;
	[sflag:s9] =	ssyncadd.s32 $0xFFFFC000  }
0xc2: {  	[tilespmem:s25], [sflag:$0x4] =	stream.indirect.gather [hbm4b:s5+s16], $0x40, s28, s16, $0xb8;
	[tilespmem:$0x1F000] =	vst v63  }
0xc3: {  	_ =	swait.ge [sflag:s26], $0x4000  }
0xc4: {  	p0 =	seq.s32 s20, $0x8000;
	[sflag:s26] =	ssyncset.done $0x0  }
.Ltmp4:
0xc5: {  	s28 =	sadd.s32 $0x2E00, s23;
	[sflag:s26] =	ssyncadd.s32 $0xFFFFC000;
	(pc) =	sbr.rel @p0 .LBB2_7-.Ltmp4, $4  }
0xc6: {  	[spmem:s2] =	stream.indirect.scatter.add.f32 [tilespmem:s21], [sflag:$0x7], $0x40, s28, s16, $0xb8;
	[tilespmem:$0x1F000] =	vst v63  }
0xc7: {  	_ =	swait.ge [sflag:s29], $0x4000  }
0xc8: {  	[sflag:s29] =	ssyncset.done $0x0  }
0xc9: {  	s24 =	sadd.s32 $0x2F00, s23;
	[sflag:s29] =	ssyncadd.s32 $0xFFFFC000  }
0xca: {  	s28 =	sadd.s32 $0x800, s23  }
0xcb: {  	[tilespmem:s17], [sflag:$0x1] =	stream.indirect.gather [hbm4b:s5+s16], $0x40, s28, s16, $0xb8;
	[tilespmem:$0x1F000] =	vst v63  }
0xcc: {  	_ =	swait.ge [sflag:s31], $0x4000  }
0xcd: {  	[sflag:s31] =	ssyncset.done $0x0  }
0xce: {  	[sflag:s31] =	ssyncadd.s32 $0xFFFFC000  }
0xcf: {  	[spmem:s2] =	stream.indirect.scatter.add.f32 [tilespmem:s25], [sflag:$0x8], $0x40, s24, s16, $0xb8;
	[tilespmem:$0x1F000] =	vst v63  }
.Ltmp5:
0xd0: {  	_ = 	snop;
	(pc) =	sbr.rel .LBB2_5-.Ltmp5, $4  }
0xd1: {  	_ =	swait.ge [sflag:s0], $0x4000  }
0xd2: {  	[sflag:s0] =	ssyncset.done $0x0  }
0xd3: {  	s20 =	sadd.s32 $0x1000, s20;
	s28 =	sadd.s32 $0x900, s23;
	[sflag:s0] =	ssyncadd.s32 $0xFFFFC000  }
0xd4: {  	[tilespmem:s18], [sflag:$0x2] =	stream.indirect.gather [hbm4b:s5+s16], $0x40, s28, s16, $0xb8;
	[tilespmem:$0x1F000] =	vst v63  }
.LBB2_8:
0xd5: {  	_ =	sfence.sel $0x180000  }
0xd6: {  	[bflag:$0x0] =	sbarrier.arrive $0xFFFF  }
0xd7: {  	_ =	strace $0x9000004A  }
0xd8: {  	s0 =	stileid.u32;
	[bflag:$0x2] =	sbarrier.arrive $0xFFFF  }
0xd9: {  	p0 =	sne.s32 s0, $0x0;
	s0 =	rddreg [dreg:$0x3]  }
0xda: {  	s0 =	sadd.s32 @!p0 $0x100000, s0  }
0xdb: {  	[sflag:s0] =	ssyncadd.tile.s32 @!p0 $0x1;
	_ =	shalt  }
.Lfunc_end2:
_tile_overlayer_lowered:
.L_overlay_start_2:
0xdc: {  	(tag) =	ssettag $0x2  }
0xdd: {  	s0 =	rddreg [dreg:$0x0];
	s2 =	stileid.u32  }
0xde: {  	s1 =	rddreg [dreg:$0x1];
	p0 =	sne.s32 s2, $0x0  }
0xdf: {  	s3 =	rddreg [dreg:$0x2];
	[bflag:$0x3] =	sbarrier.arrive $0xFFFF;
	s2 =	simm.s32 @!p0 $0x1C09  }
0xe0: {  	[timem:s3], [sflag:s2] =	dma.local @!p0 [hbm:s0], s1  }
0xe1: {  	s0 =	simm.s32 @!p0 $0x9  }
0xe2: {  	_ =	swait.ge @!p0 [sflag:s0], s1  }
0xe3: {  	s1 =	ssub.s32 @!p0 $0x0, s1;
	[sflag:s0] =	ssyncset.done @!p0 $0x0  }
0xe4: {  	[sflag:s0] =	ssyncadd.s32 @!p0 s1  }
0xe5: {  	[bflag:$0x3] =	sbarrier.arrive $0xFFFF  }
0xe6: {  	_ =	shalt  }

// kernel: kernel.14.cloned.1.call-start
scs
__scs_entry_jumppad:
0x0: {  	(pc) =	sbr.rel $0x88, $3  }
0x1: {  	(tag) =	ssettag $0x0;
	lr =	simm.s32 $0x1  }
0x2: {  	[smem:$0x3F9B] =	sst lr;
	_ =	strace $0xD0000000  }
0x3: {  	_ = 	snop  }
0x4: {  	_ = 	snop  }
0x5: {  	_ = 	snop  }
0x6: {  	_ = 	snop  }
0x7: {  	_ = 	snop  }
__scs_overlays_trampoline_lowered:
0x8: {  	[smem:$0x3FAA] =	sst s0  }
0x9: {  	[smem:$0x3FAB] =	sst s1  }
0xa: {  	[smem:$0x3FAC] =	sst s2  }
0xb: {  	[smem:$0x3FAD] =	sst s3  }
0xc: {  	[smem:$0x3FAE] =	sst s4  }
0xd: {  	[smem:$0x3FAF] =	sst s5  }
0xe: {  	[smem:$0x3FB0] =	sst s6  }
0xf: {  	[smem:$0x3FB1] =	sst s7  }
0x10: {  	[smem:$0x3FB2] =	sst s8  }
0x11: {  	[smem:$0x3FB3] =	sst s9;
	s0 =	simm.s32 @!p0 $0x0  }
0x12: {  	s1 =	sld [smem:$0x3F99];
	s0 =	simm.s32 @p0 $0x1  }
0x13: {  	[smem:$0x3FB4] =	sst s0;
	s0 =	simm.s32 @!p1 $0x0  }
0x14: {  	s2 =	sld [smem:$0x3F98];
	s0 =	simm.s32 @p1 $0x1  }
0x15: {  	[smem:$0x3FB5] =	sst s0;
	s0 =	simm.s32 @!p2 $0x0  }
0x16: {  	s3 =	sld [smem:$0x3FDB];
	s0 =	simm.s32 @p2 $0x1  }
0x17: {  	s4 =	simm.s32 $0x1BF5;
	[smem:$0x3FB7] =	sst s0  }
0x18: {  	s0 =	sld [smem:$0x3F9A];
	_ =	swait.ge [sflag:s4], $0x0  }
0x19: {  	s7 =	sld [smem:$0x3F9B]  }
0x1a: {  	s8 =	sadd.s32 $0xFFFFE003, lr  }
0x1b: {  	s9 =	sadd.s32 $0xFFFFFEF7, lr;
	s5 =	simm.s32 $0xFFFFFFFF;
	p2 =	slt.u32 s8, $0xFFFFF086  }
0x1c: {  	p1 =	slt.u32 s9, $0xF7A;
	s5 =	simm.s32 @!p2 $0x0  }
0x1d: {  	s5 =	simm.s32 @p1 $0x1;
	p0 =	seq.s32 s7, s2  }
0x1e: {  	s7 =	smul.u32 @!p0 $0xF7A, s2;
	p2 =	seq.s32 @!p0 s5, $0x0  }
0x1f: {  	s9 =	smul.u32 $0xF7A, s1;
	s8 =	simm.s32 @!p0 $0x1BF5;
	p2 =	por !p2, p0  }
0x20: {  	[sflag:s8] =	ssyncset.s32 @!p0 $0xFFFFF086;
	s6 =	sadd.s32 @!p0 s3, s7;
	s7 =	simm.s32 @!p0 $0x108  }
0x21: {  	s3 =	sadd.s32 s3, s9;
	s6 =	sadd.s32 @!p0 $0x88, s6;
	s7 =	simm.s32 @p2 $0x1082  }
0x22: {  	[simem:s7], [sflag:s8] =	dma.local @!p0 [hbm:s6], $0xF7A  }
0x23: {  	s9 =	sor.u32 $0xD0000000, s2;
	s6 =	simm.s32 $0x108;
	_ =	swait.ge @!p0 [sflag:s8], $0x0  }
0x24: {  	s3 =	sadd.s32 $0x88, s3;
	s6 =	simm.s32 @!p1 $0x1082;
	[sflag:s4] =	ssyncset.s32 $0xFFFFF086  }
0x25: {  	[simem:s6], [sflag:s4] =	dma.local [hbm:s3], $0xF7A  }
0x26: {  	[smem:$0x3F9B] =	sst s1;
	(tag) =	ssettag s2;
	_ =	strace s9  }
0x27: {  	s1 =	sld [smem:$0x3FAB]  }
0x28: {  	s2 =	sld [smem:$0x3FAC]  }
0x29: {  	s4 =	sld [smem:$0x3FAE]  }
0x2a: {  	p0 =	seq.s32 s5, $0x0;
	s5 =	sld [smem:$0x3FAF]  }
0x2b: {  	s6 =	sld [smem:$0x3FB0]  }
0x2c: {  	s7 =	sld [smem:$0x3FB1]  }
0x2d: {  	s3 =	simm.s32 $0x108;
	s8 =	sld [smem:$0x3FB2]  }
0x2e: {  	s3 =	simm.s32 @!p0 $0x1082;
	s9 =	sld [smem:$0x3FB3]  }
0x2f: {  	lr =	sadd.s32 s0, s3;
	s0 =	sld [smem:$0x3FAA]  }
0x30: {  	s3 =	sld [smem:$0x3FAD]  }
0x31: {  	[smem:$0x3FB6] =	sst s10  }
0x32: {  	s10 =	sld [smem:$0x3FB4];
	_ =	sdelay $0x3  }
0x33: {  	p0 =	seq.s32 s10, $0x1;
	s10 =	sld [smem:$0x3FB6];
	_ =	sdelay $0x3  }
0x34: {  	[smem:$0x3FB6] =	sst s10  }
0x35: {  	s10 =	sld [smem:$0x3FB5];
	_ =	sdelay $0x3  }
0x36: {  	p1 =	seq.s32 s10, $0x1;
	s10 =	sld [smem:$0x3FB6];
	_ =	sdelay $0x3  }
0x37: {  	[smem:$0x3FB6] =	sst s10  }
0x38: {  	s10 =	sld [smem:$0x3FB7]  }
0x39: {  	_ = 	snop;
	(pc) =	sbr.ind lr, $3  }
0x3a: {  	_ = 	snop  }
0x3b: {  	_ = 	snop  }
0x3c: {  	p2 =	seq.s32 s10, $0x1;
	s10 =	sld [smem:$0x3FB6]  }
0x3d: {  	_ =	shalt  }
0x3e: {  	_ =	shalt  }
0x3f: {  	_ =	shalt  }
0x40: {  	_ =	shalt  }
0x41: {  	_ =	shalt  }
0x42: {  	_ =	shalt  }
0x43: {  	_ =	shalt  }
0x44: {  	_ =	shalt  }
0x45: {  	_ =	shalt  }
0x46: {  	_ =	shalt  }
0x47: {  	_ =	shalt  }
0x48: {  	_ =	shalt  }
0x49: {  	_ =	shalt  }
0x4a: {  	_ =	shalt  }
0x4b: {  	_ =	shalt  }
0x4c: {  	_ =	shalt  }
0x4d: {  	_ =	shalt  }
0x4e: {  	_ =	shalt  }
0x4f: {  	_ =	shalt  }
0x50: {  	_ =	shalt  }
0x51: {  	_ =	shalt  }
0x52: {  	_ =	shalt  }
0x53: {  	_ =	shalt  }
0x54: {  	_ =	shalt  }
0x55: {  	_ =	shalt  }
0x56: {  	_ =	shalt  }
0x57: {  	_ =	shalt  }
0x58: {  	_ =	shalt  }
0x59: {  	_ =	shalt  }
0x5a: {  	_ =	shalt  }
0x5b: {  	_ =	shalt  }
0x5c: {  	_ =	shalt  }
0x5d: {  	_ =	shalt  }
0x5e: {  	_ =	shalt  }
0x5f: {  	_ =	shalt  }
0x60: {  	_ =	shalt  }
0x61: {  	_ =	shalt  }
0x62: {  	_ =	shalt  }
0x63: {  	_ =	shalt  }
0x64: {  	_ =	shalt  }
0x65: {  	_ =	shalt  }
0x66: {  	_ =	shalt  }
0x67: {  	_ =	shalt  }
0x68: {  	_ =	shalt  }
0x69: {  	_ =	shalt  }
0x6a: {  	_ =	shalt  }
0x6b: {  	_ =	shalt  }
0x6c: {  	_ =	shalt  }
0x6d: {  	_ =	shalt  }
0x6e: {  	_ =	shalt  }
0x6f: {  	_ =	shalt  }
0x70: {  	_ =	shalt  }
0x71: {  	_ =	shalt  }
0x72: {  	_ =	shalt  }
0x73: {  	_ =	shalt  }
0x74: {  	_ =	shalt  }
0x75: {  	_ =	shalt  }
0x76: {  	_ =	shalt  }
0x77: {  	_ =	shalt  }
0x78: {  	_ =	shalt  }
0x79: {  	_ =	shalt  }
0x7a: {  	_ =	shalt  }
0x7b: {  	_ =	shalt  }
0x7c: {  	_ =	shalt  }
0x7d: {  	_ =	shalt  }
0x7e: {  	_ =	shalt  }
0x7f: {  	_ =	shalt  }
0x80: {  	_ =	shalt  }
0x81: {  	_ =	shalt  }
0x82: {  	_ =	shalt  }
0x83: {  	_ =	shalt  }
0x84: {  	_ =	shalt  }
0x85: {  	_ =	shalt  }
0x86: {  	_ =	shalt  }
0x87: {  	_ =	shalt  }
.Lfunc_end0:
.L_simem_size_0:
called_computation.2_lowered:
.L_overlay_start_0:
0x88: {  	s2 =	sld [smem:$0x3FD9]  }
0x89: {  	s3 =	sld [smem:$0x3FFE];
	_ =	sdelay $0x1  }
0x8a: {  	s1 =	srdreg.scid  }
0x8b: {  	s0 =	sand.u32 $0x1, s1  }
0x8c: {  	s17 =	sshll.u32 s0, $0xA;
	s2 =	sadd.s32 s3, s2  }
0x8d: {  	s2 =	sadd.s32 s2, s17  }
0x8e: {  	[smem:$0x3FC2] =	sst s2  }
0x8f: {  	_ = 	snop  }
0x90: {  	s2 =	sld [smem:$0x3FD0];
	(tm) =	ssettm $0x1  }
0x91: {  	s18 =	sld [smem:$0x3FFB];
	_ =	sdelay $0x3  }
0x92: {  	_ =	strace s18  }
0x93: {  	s3 =	sld [smem:$0x3FFC];
	_ =	sdelay $0x3  }
0x94: {  	_ =	strace s3  }
0x95: {  	s3 =	sld [smem:$0x3FFD];
	_ =	sdelay $0x3  }
0x96: {  	_ =	strace s3  }
0x97: {  	_ =	strace $0x8FFFFFFF  }
0x98: {  	s19 =	sld [smem:$0x3FDB];
	_ =	sdelay $0x1  }
0x99: {  	s4 =	simm.s32 $_scs_section_size  }
0x9a: {  	s5 =	simm.s32 $_size__tile_overlayer_lowered;
	s6 =	simm.s32 $_tile_overlayer_lowered  }
0x9b: {  	s22 =	simm.s32 $0x1BFF;
	s21 =	sshll.u32 s6, $0x1;
	s3 =	sadd.s32 s4, s19  }
0x9c: {  	s7 =	simm.s32 $0x0;
	s20 =	sshll.u32 s5, $0x1;
	s5 =	sadd.s32 s21, s3  }
0x9d: {  	[timem:s7], [sflag:s22] =	dma.local [hbm:s5], s20  }
0x9e: {  	_ =	swait.ge [sflag:s22], s20  }
0x9f: {  	s4 =	ssub.s32 $0x0, s20;
	[sflag:s22] =	ssyncset.done $0x0  }
0xa0: {  	[sflag:s22] =	ssyncadd.s32 s4;
	_ =	sdelay $0x1  }
0xa1: {  	s23 =	simm.s32 $0x1B8B  }
0xa2: {  	_ =	swait.ge [sflag:s23], $0x1  }
0xa3: {  	[sflag:s23] =	ssyncset.done $0x0  }
0xa4: {  	s25 =	simm.s32 $0x1B8E;
	s24 =	sld [smem:$0x3FFE];
	[sflag:s23] =	ssyncadd.s32 $0xFFFFFFFF  }
0xa5: {  	s26 =	simm.s32 $execute0_lowered;
	[smem:$0x3FD2] =	sst s25  }
0xa6: {  	s5 =	sshll.u32 s26, $0x1;
	_ =	strace $0x8000004C;
	[dreg:$0x1] =	wrdreg $0xFFFFFFFF  }
0xa7: {  	s28 =	simm.s32 $_size_execute0_lowered;
	s3 =	sadd.s32 s3, s5;
	[dreg:$0x0] =	wrdreg $0x0  }
0xa8: {  	s5 =	sshll.u32 s28, $0x1;
	[dreg:$0x2] =	wrdreg s3  }
0xa9: {  	[dreg:$0x3] =	wrdreg s5  }
0xaa: {  	[dreg:$0x4] =	wrdreg $0xC0  }
0xab: {  	_ =	task [dreg:s7], $0x5FFFF  }
0xac: {  	[dreg:$0x1] =	wrdreg $0xFFFFFFFF  }
0xad: {  	[dreg:$0x0] =	wrdreg $0x60  }
0xae: {  	[dreg:$0x2] =	wrdreg s24  }
0xaf: {  	[dreg:$0x3] =	wrdreg s2  }
0xb0: {  	[dreg:$0x4] =	wrdreg $0x150000  }
0xb1: {  	[dreg:$0x5] =	wrdreg $0x9  }
0xb2: {  	_ =	task.clear_ibuf [dreg:s7], $0x6FFFF;
	_ =	strace $0x9000004C  }
0xb3: {  	s29 =	simm.s32 $0x9;
	_ =	strace $0x8000004E  }
0xb4: {  	_ =	swait.ge [sflag:s29], $0x1  }
0xb5: {  	[sflag:s29] =	ssyncadd.s32 $0xFFFFFFFF  }
0xb6: {  	_ =	strace $0x9000004E  }
0xb7: {  	_ =	sfence  }
0xb8: {  	s30 =	sld [smem:$0x0];
	_ =	sdelay $0x2  }
0xb9: {  	s31 =	sshll.u32 s1, $0xD;
	s1 =	sshrl.u32 s1, $0x2  }
0xba: {  	s3 =	sand.u32 $0x4000, s31;
	s1 =	sadd.s32 s1, s30  }
0xbb: {  	s0 =	sor.u32 s3, s0;
	s1 =	sshll.u32 s1, $0x11  }
0xbc: {  	s0 =	sor.u32 s1, s0  }
0xbd: {  	s0 =	sadd.s32 $0x8F2B, s0  }
0xbe: {  	[sflag:s0] =	ssyncadd.remote.s32 $0x1  }
0xbf: {  	_ =	sfence.sel $0xFFFF  }
0xc0: {  	[dreg:$0x0] =	wrdreg $0xFFFFFFFF;
	(pc) =	sbr.abs _section_cstart, $3  }
0xc1: {  	[dreg:$0x1] =	wrdreg $0xFFFFFFFF  }
0xc2: {  	_ =	task.clear_ibuf [dreg:s7], $0x2FFFF;
	_ =	strace $0x9FFFFFFF  }
0xc3: {  	(tm) =	ssettm $0x7FFFFFFF  }
tec
execute0_lowered:
.L_overlay_start_1:
0x0: {  	(tag) =	ssettag $0x1  }
0x1: {  	s0 =	srdreg.scid  }
0x2: {  	s1 =	rddreg [dreg:$0x0];
	s12 =	stileid.u32  }
0x3: {  	s7 =	rddreg [dreg:$0x1];
	s14 =	simm.s32 $0x100;
	s15 =	simm.s32 $0x5000  }
0x4: {  	s16 =	simm.s32 $0x9000;
	s17 =	simm.s32 $0x1;
	s19 =	simm.s32 $0xD000  }
0x5: {  	s20 =	simm.s32 $0x2;
	s23 =	simm.s32 $0x11000;
	s24 =	simm.s32 $0x3  }
0x6: {  	s26 =	simm.s32 $0x5;
	s29 =	simm.s32 $0x4;
	s31 =	simm.s32 $0x6  }
0x7: {  	s18 =	simm.s32 $0x8;
	s21 =	simm.s32 $0x10;
	s22 =	simm.s32 $0x0  }
0x8: {  	s0 =	sand.u32 $0x1, s0;
	s6 =	smul.u32 $0x14000, s12;
	s4 =	sadd.s32 $0xC200, s1  }
0x9: {  	s11 =	smul.u32 $0x28000, s12;
	s30 =	sshll.u32 s12, $0x6;
	s2 =	sshll.u32 s0, $0x4  }
0xa: {  	s5 =	smul.u32 $0x140000, s0;
	s0 =	ssub.s32 $0x2, s0;
	s3 =	sor.u32 s12, s2  }
0xb: {  	s2 =	rddreg [dreg:$0x2];
	s10 =	sshrl.u32 s0, $0x1;
	s28 =	sshrl.u32 s11, $0x2  }
0xc: {  	s11 =	simm.s32 $0x2800;
	s12 =	sor.u32 $0x1C09, s30;
	s8 =	smul.u32 $0x500, s3  }
0xd: {  	s3 =	simm.s32 $0x0;
	s5 =	sadd.s32 s6, s5;
	s0 =	ssub.s32 s0, s10  }
.Ltmp0:
0xe: {  	s13 =	sadd.s32 s28, s2;
	s10 =	simm.s32 $0x9;
	(pc) =	sbr.rel .LBB2_1-.Ltmp0, $4  }
0xf: {  	[smem:$0x7FF] =	sst s3;
	s6 =	sshrl.u32 s5, $0x3;
	s5 =	sadd.s32 $0x34200, s1  }
0x10: {  	s13 =	sshrl.u32 s13, $0x3;
	_ =	strace $0x8000004D;
	s9 =	sadd.s32 s8, s1  }
0x11: {  	s1 =	sadd.s32 s6, s1;
	s7 =	sadd.s32 s7, s8;
	s6 =	sadd.s32 $0x2200, s9  }
0x12: {  	s8 =	sadd.s32 $0x35600, s1;
	s9 =	smax.u32 s0, $0x1;
	s0 =	simm.s32 $0x7  }
.LBB2_4:
0x13: {  	_ =	swait.ge [sflag:s29], $0x4000  }
0x14: {  	[sflag:s29] =	ssyncset.done $0x0  }
0x15: {  	[sflag:s29] =	ssyncadd.s32 $0xFFFFC000  }
0x16: {  	[spmem:s2] =	stream.indirect.scatter.add.f32 [tilespmem:s23], [sflag:$0x8], $0x40, s30, s14, $0xb8;
	[tilespmem:$0x1F000] =	vst v63  }
0x17: {  	_ =	swait.ge [sflag:s31], $0x4000  }
0x18: {  	[sflag:s31] =	ssyncset.done $0x0  }
0x19: {  	[sflag:s31] =	ssyncadd.s32 $0xFFFFC000  }
0x1a: {  	_ =	swait.ge [sflag:s0], $0x4000  }
0x1b: {  	[sflag:s0] =	ssyncset.done $0x0  }
0x1c: {  	[sflag:s0] =	ssyncadd.s32 $0xFFFFC000  }
0x1d: {  	_ =	swait.ge [sflag:s18], $0x4000  }
0x1e: {  	s22 =	sadd.s32 $0x1, s22;
	[sflag:s18] =	ssyncset.done $0x0  }
0x1f: {  	p0 =	sne.s32 s22, s9;
	[sflag:s18] =	ssyncadd.s32 $0xFFFFC000  }
.Ltmp1:
0x20: {  	[bflag:$0x0] =	sbarrier.arrive $0xFFFF;
	(pc) =	sbr.rel @!p0 .LBB2_5-.Ltmp1, $4  }
0x21: {  	[hbm:s8@s21], [sflag:s12] =	dma.strided [spmem:s13@s18], $0x1400, s17, $0x8   }
0x22: {  	_ =	swait.ge [sflag:s10], $0x1400  }
0x23: {  	[sflag:s10] =	ssyncset.done $0x0  }
0x24: {  	[sflag:s10] =	ssyncadd.s32 $0xFFFFEC00  }
.LBB2_1:
0x25: {  	[tilespmem:s3], [sflag:$0x9] =	stream.linear.gather [hbm4b:s6+s3], $0x2800, $0x38;
	[tilespmem:$0x1F000] =	vst v63  }
0x26: {  	_ =	swait.ge [sflag:s10], $0x2800  }
0x27: {  	[sflag:s10] =	ssyncset.done $0x0  }
0x28: {  	[sflag:s10] =	ssyncadd.s32 $0xFFFFD800  }
0x29: {  	[tilespmem:s11], [sflag:$0x9] =	stream.linear.gather [hbm4b:s7+s3], $0x2800, $0x38;
	[tilespmem:$0x1F000] =	vst v63  }
0x2a: {  	_ =	swait.ge [sflag:s10], $0x2800  }
0x2b: {  	[sflag:s10] =	ssyncset.done $0x0  }
0x2c: {  	[sflag:s10] =	ssyncadd.s32 $0xFFFFD800  }
0x2d: {  	[spmem:s13], [sflag:s12] =	dma.local [hbm:s5], $0x1400  }
0x2e: {  	_ =	swait.ge [sflag:s10], $0x1400  }
0x2f: {  	[sflag:s10] =	ssyncset.done $0x0  }
0x30: {  	[sflag:s10] =	ssyncadd.s32 $0xFFFFEC00  }
0x31: {  	[bflag:$0x0] =	sbarrier.arrive $0xFFFF  }
0x32: {  	[tilespmem:s15], [sflag:$0x1] =	stream.indirect.gather [hbm4b:s4+s14], $0x40, s3, s14, $0xb8;
	[tilespmem:$0x1F000] =	vst v63  }
0x33: {  	_ = 	snop  }
0x34: {  	[tilespmem:s16], [sflag:$0x2] =	stream.indirect.gather [hbm4b:s4+s14], $0x40, s14, s14, $0xb8;
	[tilespmem:$0x1F000] =	vst v63  }
0x35: {  	_ =	swait.ge [sflag:s17], $0x4000  }
0x36: {  	[sflag:s17] =	ssyncset.done $0x0  }
0x37: {  	[sflag:s17] =	ssyncadd.s32 $0xFFFFC000  }
0x38: {  	[spmem:s2] =	stream.indirect.scatter.add.f32 [tilespmem:s15], [sflag:$0x5], $0x40, s11, s14, $0xb8;
	[tilespmem:$0x1F000] =	vst v63  }
0x39: {  	s1 =	simm.s32 $0x200  }
0x3a: {  	[tilespmem:s19], [sflag:$0x3] =	stream.indirect.gather [hbm4b:s4+s14], $0x40, s1, s14, $0xb8;
	[tilespmem:$0x1F000] =	vst v63  }
0x3b: {  	_ =	swait.ge [sflag:s20], $0x4000  }
0x3c: {  	[sflag:s20] =	ssyncset.done $0x0  }
0x3d: {  	s25 =	simm.s32 $0x2900;
	[sflag:s20] =	ssyncadd.s32 $0xFFFFC000  }
0x3e: {  	[spmem:s2] =	stream.indirect.scatter.add.f32 [tilespmem:s16], [sflag:$0x6], $0x40, s25, s14, $0xb8;
	[tilespmem:$0x1F000] =	vst v63  }
0x3f: {  	s28 =	simm.s32 $0x300  }
0x40: {  	[tilespmem:s23], [sflag:$0x4] =	stream.indirect.gather [hbm4b:s4+s14], $0x40, s28, s14, $0xb8;
	[tilespmem:$0x1F000] =	vst v63  }
0x41: {  	_ =	swait.ge [sflag:s24], $0x4000  }
0x42: {  	[sflag:s24] =	ssyncset.done $0x0  }
0x43: {  	s30 =	simm.s32 $0x2A00;
	[sflag:s24] =	ssyncadd.s32 $0xFFFFC000  }
0x44: {  	[spmem:s2] =	stream.indirect.scatter.add.f32 [tilespmem:s19], [sflag:$0x7], $0x40, s30, s14, $0xb8;
	[tilespmem:$0x1F000] =	vst v63  }
0x45: {  	_ =	swait.ge [sflag:s26], $0x4000  }
0x46: {  	[sflag:s26] =	ssyncset.done $0x0  }
0x47: {  	s25 =	simm.s32 $0x400;
	[sflag:s26] =	ssyncadd.s32 $0xFFFFC000  }
0x48: {  	[tilespmem:s15], [sflag:$0x1] =	stream.indirect.gather [hbm4b:s4+s14], $0x40, s25, s14, $0xb8;
	[tilespmem:$0x1F000] =	vst v63  }
0x49: {  	_ =	swait.ge [sflag:s29], $0x4000  }
0x4a: {  	[sflag:s29] =	ssyncset.done $0x0  }
0x4b: {  	s28 =	simm.s32 $0x2B00;
	[sflag:s29] =	ssyncadd.s32 $0xFFFFC000  }
0x4c: {  	[spmem:s2] =	stream.indirect.scatter.add.f32 [tilespmem:s23], [sflag:$0x8], $0x40, s28, s14, $0xb8;
	[tilespmem:$0x1F000] =	vst v63  }
0x4d: {  	_ =	swait.ge [sflag:s31], $0x4000  }
0x4e: {  	[sflag:s31] =	ssyncset.done $0x0  }
0x4f: {  	s30 =	simm.s32 $0x500;
	s25 =	simm.s32 $0x0;
	[sflag:s31] =	ssyncadd.s32 $0xFFFFC000  }
0x50: {  	[tilespmem:s16], [sflag:$0x2] =	stream.indirect.gather [hbm4b:s4+s14], $0x40, s30, s14, $0xb8;
	[tilespmem:$0x1F000] =	vst v63  }
.LBB2_2:
0x51: {  	_ =	swait.ge [sflag:s17], $0x4000  }
0x52: {  	s28 =	sshra.s32 s25, $0x2;
	[sflag:s17] =	ssyncset.done $0x0  }
0x53: {  	s30 =	sadd.s32 $0x2C00, s28;
	[sflag:s17] =	ssyncadd.s32 $0xFFFFC000  }
0x54: {  	[spmem:s2] =	stream.indirect.scatter.add.f32 [tilespmem:s15], [sflag:$0x5], $0x40, s30, s14, $0xb8;
	[tilespmem:$0x1F000] =	vst v63  }
0x55: {  	_ =	swait.ge [sflag:s0], $0x4000  }
0x56: {  	[sflag:s0] =	ssyncset.done $0x0  }
0x57: {  	s30 =	sadd.s32 $0x600, s28;
	[sflag:s0] =	ssyncadd.s32 $0xFFFFC000  }
0x58: {  	[tilespmem:s19], [sflag:$0x3] =	stream.indirect.gather [hbm4b:s4+s14], $0x40, s30, s14, $0xb8;
	[tilespmem:$0x1F000] =	vst v63  }
0x59: {  	_ =	swait.ge [sflag:s20], $0x4000  }
0x5a: {  	[sflag:s20] =	ssyncset.done $0x0  }
0x5b: {  	s30 =	sadd.s32 $0x2D00, s28;
	[sflag:s20] =	ssyncadd.s32 $0xFFFFC000  }
0x5c: {  	[spmem:s2] =	stream.indirect.scatter.add.f32 [tilespmem:s16], [sflag:$0x6], $0x40, s30, s14, $0xb8;
	[tilespmem:$0x1F000] =	vst v63  }
0x5d: {  	_ =	swait.ge [sflag:s18], $0x4000  }
0x5e: {  	[sflag:s18] =	ssyncset.done $0x0  }
0x5f: {  	s30 =	sadd.s32 $0x700, s28;
	[sflag:s18] =	ssyncadd.s32 $0xFFFFC000  }
0x60: {  	[tilespmem:s23], [sflag:$0x4] =	stream.indirect.gather [hbm4b:s4+s14], $0x40, s30, s14, $0xb8;
	[tilespmem:$0x1F000] =	vst v63  }
0x61: {  	_ =	swait.ge [sflag:s24], $0x4000  }
0x62: {  	p0 =	seq.s32 s25, $0x8000;
	[sflag:s24] =	ssyncset.done $0x0  }
.Ltmp2:
0x63: {  	s30 =	sadd.s32 $0x2E00, s28;
	[sflag:s24] =	ssyncadd.s32 $0xFFFFC000;
	(pc) =	sbr.rel @p0 .LBB2_4-.Ltmp2, $4  }
0x64: {  	[spmem:s2] =	stream.indirect.scatter.add.f32 [tilespmem:s19], [sflag:$0x7], $0x40, s30, s14, $0xb8;
	[tilespmem:$0x1F000] =	vst v63  }
0x65: {  	_ =	swait.ge [sflag:s26], $0x4000  }
0x66: {  	[sflag:s26] =	ssyncset.done $0x0  }
0x67: {  	s30 =	sadd.s32 $0x2F00, s28;
	[sflag:s26] =	ssyncadd.s32 $0xFFFFC000  }
0x68: {  	s1 =	sadd.s32 $0x800, s28  }
0x69: {  	[tilespmem:s15], [sflag:$0x1] =	stream.indirect.gather [hbm4b:s4+s14], $0x40, s1, s14, $0xb8;
	[tilespmem:$0x1F000] =	vst v63  }
0x6a: {  	_ =	swait.ge [sflag:s29], $0x4000  }
0x6b: {  	[sflag:s29] =	ssyncset.done $0x0  }
0x6c: {  	[sflag:s29] =	ssyncadd.s32 $0xFFFFC000  }
0x6d: {  	[spmem:s2] =	stream.indirect.scatter.add.f32 [tilespmem:s23], [sflag:$0x8], $0x40, s30, s14, $0xb8;
	[tilespmem:$0x1F000] =	vst v63  }
.Ltmp3:
0x6e: {  	_ = 	snop;
	(pc) =	sbr.rel .LBB2_2-.Ltmp3, $4  }
0x6f: {  	_ =	swait.ge [sflag:s31], $0x4000  }
0x70: {  	[sflag:s31] =	ssyncset.done $0x0  }
0x71: {  	s25 =	sadd.s32 $0x1000, s25;
	s30 =	sadd.s32 $0x900, s28;
	[sflag:s31] =	ssyncadd.s32 $0xFFFFC000  }
0x72: {  	[tilespmem:s16], [sflag:$0x2] =	stream.indirect.gather [hbm4b:s4+s14], $0x40, s30, s14, $0xb8;
	[tilespmem:$0x1F000] =	vst v63  }
.LBB2_5:
0x73: {  	_ =	sfence.sel $0x180000  }
0x74: {  	[bflag:$0x0] =	sbarrier.arrive $0xFFFF  }
0x75: {  	_ =	strace $0x9000004D  }
0x76: {  	s0 =	stileid.u32;
	[bflag:$0x2] =	sbarrier.arrive $0xFFFF  }
0x77: {  	p0 =	sne.s32 s0, $0x0;
	s0 =	rddreg [dreg:$0x3]  }
0x78: {  	s0 =	sadd.s32 @!p0 $0x100000, s0  }
0x79: {  	[sflag:s0] =	ssyncadd.tile.s32 @!p0 $0x1;
	_ =	shalt  }
.Lfunc_end2:
_tile_overlayer_lowered:
.L_overlay_start_2:
0x7a: {  	(tag) =	ssettag $0x2  }
0x7b: {  	s0 =	rddreg [dreg:$0x0];
	s2 =	stileid.u32  }
0x7c: {  	s1 =	rddreg [dreg:$0x1];
	p0 =	sne.s32 s2, $0x0  }
0x7d: {  	s3 =	rddreg [dreg:$0x2];
	[bflag:$0x3] =	sbarrier.arrive $0xFFFF;
	s2 =	simm.s32 @!p0 $0x1C09  }
0x7e: {  	[timem:s3], [sflag:s2] =	dma.local @!p0 [hbm:s0], s1  }
0x7f: {  	s0 =	simm.s32 @!p0 $0x9  }
0x80: {  	_ =	swait.ge @!p0 [sflag:s0], s1  }
0x81: {  	s1 =	ssub.s32 @!p0 $0x0, s1;
	[sflag:s0] =	ssyncset.done @!p0 $0x0  }
0x82: {  	[sflag:s0] =	ssyncadd.s32 @!p0 s1  }
0x83: {  	[bflag:$0x3] =	sbarrier.arrive $0xFFFF  }
0x84: {  	_ =	shalt  }

// kernel: kernel.8.cloned.1.call-start
scs
__scs_entry_jumppad:
0x0: {  	(pc) =	sbr.rel $0x88, $3  }
0x1: {  	(tag) =	ssettag $0x0;
	lr =	simm.s32 $0x1  }
0x2: {  	[smem:$0x3F9B] =	sst lr;
	_ =	strace $0xD0000000  }
0x3: {  	_ = 	snop  }
0x4: {  	_ = 	snop  }
0x5: {  	_ = 	snop  }
0x6: {  	_ = 	snop  }
0x7: {  	_ = 	snop  }
__scs_overlays_trampoline_lowered:
0x8: {  	[smem:$0x3FAA] =	sst s0  }
0x9: {  	[smem:$0x3FAB] =	sst s1  }
0xa: {  	[smem:$0x3FAC] =	sst s2  }
0xb: {  	[smem:$0x3FAD] =	sst s3  }
0xc: {  	[smem:$0x3FAE] =	sst s4  }
0xd: {  	[smem:$0x3FAF] =	sst s5  }
0xe: {  	[smem:$0x3FB0] =	sst s6  }
0xf: {  	[smem:$0x3FB1] =	sst s7  }
0x10: {  	[smem:$0x3FB2] =	sst s8  }
0x11: {  	[smem:$0x3FB3] =	sst s9;
	s0 =	simm.s32 @!p0 $0x0  }
0x12: {  	s1 =	sld [smem:$0x3F99];
	s0 =	simm.s32 @p0 $0x1  }
0x13: {  	[smem:$0x3FB4] =	sst s0;
	s0 =	simm.s32 @!p1 $0x0  }
0x14: {  	s2 =	sld [smem:$0x3F98];
	s0 =	simm.s32 @p1 $0x1  }
0x15: {  	[smem:$0x3FB5] =	sst s0;
	s0 =	simm.s32 @!p2 $0x0  }
0x16: {  	s3 =	sld [smem:$0x3FDB];
	s0 =	simm.s32 @p2 $0x1  }
0x17: {  	s4 =	simm.s32 $0x1BF5;
	[smem:$0x3FB7] =	sst s0  }
0x18: {  	s0 =	sld [smem:$0x3F9A];
	_ =	swait.ge [sflag:s4], $0x0  }
0x19: {  	s7 =	sld [smem:$0x3F9B]  }
0x1a: {  	s8 =	sadd.s32 $0xFFFFE003, lr  }
0x1b: {  	s9 =	sadd.s32 $0xFFFFFEF7, lr;
	s5 =	simm.s32 $0xFFFFFFFF;
	p2 =	slt.u32 s8, $0xFFFFF086  }
0x1c: {  	p1 =	slt.u32 s9, $0xF7A;
	s5 =	simm.s32 @!p2 $0x0  }
0x1d: {  	s5 =	simm.s32 @p1 $0x1;
	p0 =	seq.s32 s7, s2  }
0x1e: {  	s7 =	smul.u32 @!p0 $0xF7A, s2;
	p2 =	seq.s32 @!p0 s5, $0x0  }
0x1f: {  	s9 =	smul.u32 $0xF7A, s1;
	s8 =	simm.s32 @!p0 $0x1BF5;
	p2 =	por !p2, p0  }
0x20: {  	[sflag:s8] =	ssyncset.s32 @!p0 $0xFFFFF086;
	s6 =	sadd.s32 @!p0 s3, s7;
	s7 =	simm.s32 @!p0 $0x108  }
0x21: {  	s3 =	sadd.s32 s3, s9;
	s6 =	sadd.s32 @!p0 $0x88, s6;
	s7 =	simm.s32 @p2 $0x1082  }
0x22: {  	[simem:s7], [sflag:s8] =	dma.local @!p0 [hbm:s6], $0xF7A  }
0x23: {  	s9 =	sor.u32 $0xD0000000, s2;
	s6 =	simm.s32 $0x108;
	_ =	swait.ge @!p0 [sflag:s8], $0x0  }
0x24: {  	s3 =	sadd.s32 $0x88, s3;
	s6 =	simm.s32 @!p1 $0x1082;
	[sflag:s4] =	ssyncset.s32 $0xFFFFF086  }
0x25: {  	[simem:s6], [sflag:s4] =	dma.local [hbm:s3], $0xF7A  }
0x26: {  	[smem:$0x3F9B] =	sst s1;
	(tag) =	ssettag s2;
	_ =	strace s9  }
0x27: {  	s1 =	sld [smem:$0x3FAB]  }
0x28: {  	s2 =	sld [smem:$0x3FAC]  }
0x29: {  	s4 =	sld [smem:$0x3FAE]  }
0x2a: {  	p0 =	seq.s32 s5, $0x0;
	s5 =	sld [smem:$0x3FAF]  }
0x2b: {  	s6 =	sld [smem:$0x3FB0]  }
0x2c: {  	s7 =	sld [smem:$0x3FB1]  }
0x2d: {  	s3 =	simm.s32 $0x108;
	s8 =	sld [smem:$0x3FB2]  }
0x2e: {  	s3 =	simm.s32 @!p0 $0x1082;
	s9 =	sld [smem:$0x3FB3]  }
0x2f: {  	lr =	sadd.s32 s0, s3;
	s0 =	sld [smem:$0x3FAA]  }
0x30: {  	s3 =	sld [smem:$0x3FAD]  }
0x31: {  	[smem:$0x3FB6] =	sst s10  }
0x32: {  	s10 =	sld [smem:$0x3FB4];
	_ =	sdelay $0x3  }
0x33: {  	p0 =	seq.s32 s10, $0x1;
	s10 =	sld [smem:$0x3FB6];
	_ =	sdelay $0x3  }
0x34: {  	[smem:$0x3FB6] =	sst s10  }
0x35: {  	s10 =	sld [smem:$0x3FB5];
	_ =	sdelay $0x3  }
0x36: {  	p1 =	seq.s32 s10, $0x1;
	s10 =	sld [smem:$0x3FB6];
	_ =	sdelay $0x3  }
0x37: {  	[smem:$0x3FB6] =	sst s10  }
0x38: {  	s10 =	sld [smem:$0x3FB7]  }
0x39: {  	_ = 	snop;
	(pc) =	sbr.ind lr, $3  }
0x3a: {  	_ = 	snop  }
0x3b: {  	_ = 	snop  }
0x3c: {  	p2 =	seq.s32 s10, $0x1;
	s10 =	sld [smem:$0x3FB6]  }
0x3d: {  	_ =	shalt  }
0x3e: {  	_ =	shalt  }
0x3f: {  	_ =	shalt  }
0x40: {  	_ =	shalt  }
0x41: {  	_ =	shalt  }
0x42: {  	_ =	shalt  }
0x43: {  	_ =	shalt  }
0x44: {  	_ =	shalt  }
0x45: {  	_ =	shalt  }
0x46: {  	_ =	shalt  }
0x47: {  	_ =	shalt  }
0x48: {  	_ =	shalt  }
0x49: {  	_ =	shalt  }
0x4a: {  	_ =	shalt  }
0x4b: {  	_ =	shalt  }
0x4c: {  	_ =	shalt  }
0x4d: {  	_ =	shalt  }
0x4e: {  	_ =	shalt  }
0x4f: {  	_ =	shalt  }
0x50: {  	_ =	shalt  }
0x51: {  	_ =	shalt  }
0x52: {  	_ =	shalt  }
0x53: {  	_ =	shalt  }
0x54: {  	_ =	shalt  }
0x55: {  	_ =	shalt  }
0x56: {  	_ =	shalt  }
0x57: {  	_ =	shalt  }
0x58: {  	_ =	shalt  }
0x59: {  	_ =	shalt  }
0x5a: {  	_ =	shalt  }
0x5b: {  	_ =	shalt  }
0x5c: {  	_ =	shalt  }
0x5d: {  	_ =	shalt  }
0x5e: {  	_ =	shalt  }
0x5f: {  	_ =	shalt  }
0x60: {  	_ =	shalt  }
0x61: {  	_ =	shalt  }
0x62: {  	_ =	shalt  }
0x63: {  	_ =	shalt  }
0x64: {  	_ =	shalt  }
0x65: {  	_ =	shalt  }
0x66: {  	_ =	shalt  }
0x67: {  	_ =	shalt  }
0x68: {  	_ =	shalt  }
0x69: {  	_ =	shalt  }
0x6a: {  	_ =	shalt  }
0x6b: {  	_ =	shalt  }
0x6c: {  	_ =	shalt  }
0x6d: {  	_ =	shalt  }
0x6e: {  	_ =	shalt  }
0x6f: {  	_ =	shalt  }
0x70: {  	_ =	shalt  }
0x71: {  	_ =	shalt  }
0x72: {  	_ =	shalt  }
0x73: {  	_ =	shalt  }
0x74: {  	_ =	shalt  }
0x75: {  	_ =	shalt  }
0x76: {  	_ =	shalt  }
0x77: {  	_ =	shalt  }
0x78: {  	_ =	shalt  }
0x79: {  	_ =	shalt  }
0x7a: {  	_ =	shalt  }
0x7b: {  	_ =	shalt  }
0x7c: {  	_ =	shalt  }
0x7d: {  	_ =	shalt  }
0x7e: {  	_ =	shalt  }
0x7f: {  	_ =	shalt  }
0x80: {  	_ =	shalt  }
0x81: {  	_ =	shalt  }
0x82: {  	_ =	shalt  }
0x83: {  	_ =	shalt  }
0x84: {  	_ =	shalt  }
0x85: {  	_ =	shalt  }
0x86: {  	_ =	shalt  }
0x87: {  	_ =	shalt  }
.Lfunc_end0:
.L_simem_size_0:
called_computation_lowered:
.L_overlay_start_0:
0x88: {  	s2 =	sld [smem:$0x3FD9]  }
0x89: {  	s3 =	sld [smem:$0x3FFE];
	_ =	sdelay $0x1  }
0x8a: {  	s1 =	srdreg.scid  }
0x8b: {  	s0 =	sand.u32 $0x1, s1  }
0x8c: {  	s17 =	sshll.u32 s0, $0xA;
	s2 =	sadd.s32 s3, s2  }
0x8d: {  	s2 =	sadd.s32 s2, s17  }
0x8e: {  	[smem:$0x3FC2] =	sst s2  }
0x8f: {  	_ = 	snop  }
0x90: {  	s2 =	sld [smem:$0x3FD0];
	(tm) =	ssettm $0x1  }
0x91: {  	s18 =	sld [smem:$0x3FFB];
	_ =	sdelay $0x3  }
0x92: {  	_ =	strace s18  }
0x93: {  	s3 =	sld [smem:$0x3FFC];
	_ =	sdelay $0x3  }
0x94: {  	_ =	strace s3  }
0x95: {  	s3 =	sld [smem:$0x3FFD];
	_ =	sdelay $0x3  }
0x96: {  	_ =	strace s3  }
0x97: {  	_ =	strace $0x8FFFFFFF  }
0x98: {  	s19 =	sld [smem:$0x3FDB];
	_ =	sdelay $0x1  }
0x99: {  	s4 =	simm.s32 $_scs_section_size  }
0x9a: {  	s5 =	simm.s32 $_size__tile_overlayer_lowered;
	s6 =	simm.s32 $_tile_overlayer_lowered  }
0x9b: {  	s22 =	simm.s32 $0x1BFF;
	s21 =	sshll.u32 s6, $0x1;
	s3 =	sadd.s32 s4, s19  }
0x9c: {  	s7 =	simm.s32 $0x0;
	s20 =	sshll.u32 s5, $0x1;
	s5 =	sadd.s32 s21, s3  }
0x9d: {  	[timem:s7], [sflag:s22] =	dma.local [hbm:s5], s20  }
0x9e: {  	_ =	swait.ge [sflag:s22], s20  }
0x9f: {  	s4 =	ssub.s32 $0x0, s20;
	[sflag:s22] =	ssyncset.done $0x0  }
0xa0: {  	[sflag:s22] =	ssyncadd.s32 s4;
	_ =	sdelay $0x1  }
0xa1: {  	s23 =	simm.s32 $0x1B8B  }
0xa2: {  	_ =	swait.ge [sflag:s23], $0x1  }
0xa3: {  	[sflag:s23] =	ssyncset.done $0x0  }
0xa4: {  	s25 =	simm.s32 $0x1B8E;
	s24 =	sld [smem:$0x3FFE];
	[sflag:s23] =	ssyncadd.s32 $0xFFFFFFFF  }
0xa5: {  	s26 =	simm.s32 $execute0_lowered;
	[smem:$0x3FD2] =	sst s25  }
0xa6: {  	s5 =	sshll.u32 s26, $0x1;
	_ =	strace $0x80000046;
	[dreg:$0x1] =	wrdreg $0xFFFFFFFF  }
0xa7: {  	s28 =	simm.s32 $_size_execute0_lowered;
	s3 =	sadd.s32 s3, s5;
	[dreg:$0x0] =	wrdreg $0x0  }
0xa8: {  	s5 =	sshll.u32 s28, $0x1;
	[dreg:$0x2] =	wrdreg s3  }
0xa9: {  	[dreg:$0x3] =	wrdreg s5  }
0xaa: {  	[dreg:$0x4] =	wrdreg $0xC0  }
0xab: {  	_ =	task [dreg:s7], $0x5FFFF  }
0xac: {  	[dreg:$0x1] =	wrdreg $0xFFFFFFFF  }
0xad: {  	[dreg:$0x0] =	wrdreg $0x60  }
0xae: {  	[dreg:$0x2] =	wrdreg s24  }
0xaf: {  	[dreg:$0x3] =	wrdreg s2  }
0xb0: {  	[dreg:$0x4] =	wrdreg $0x51000  }
0xb1: {  	[dreg:$0x5] =	wrdreg $0x53800  }
0xb2: {  	[dreg:$0x6] =	wrdreg $0x9  }
0xb3: {  	_ =	task.clear_ibuf [dreg:s7], $0x7FFFF;
	_ =	strace $0x90000046  }
0xb4: {  	s29 =	simm.s32 $0x9;
	_ =	strace $0x80000048  }
0xb5: {  	_ =	swait.ge [sflag:s29], $0x1  }
0xb6: {  	[sflag:s29] =	ssyncadd.s32 $0xFFFFFFFF  }
0xb7: {  	_ =	strace $0x90000048  }
0xb8: {  	_ =	sfence  }
0xb9: {  	s30 =	sld [smem:$0x0];
	_ =	sdelay $0x2  }
0xba: {  	s31 =	sshll.u32 s1, $0xD;
	s1 =	sshrl.u32 s1, $0x2  }
0xbb: {  	s3 =	sand.u32 $0x4000, s31;
	s1 =	sadd.s32 s1, s30  }
0xbc: {  	s0 =	sor.u32 s3, s0;
	s1 =	sshll.u32 s1, $0x11  }
0xbd: {  	s0 =	sor.u32 s1, s0  }
0xbe: {  	s0 =	sadd.s32 $0x8F2B, s0  }
0xbf: {  	[sflag:s0] =	ssyncadd.remote.s32 $0x1  }
0xc0: {  	_ =	sfence.sel $0xFFFF  }
0xc1: {  	[dreg:$0x0] =	wrdreg $0xFFFFFFFF;
	(pc) =	sbr.abs _section_cstart, $3  }
0xc2: {  	[dreg:$0x1] =	wrdreg $0xFFFFFFFF  }
0xc3: {  	_ =	task.clear_ibuf [dreg:s7], $0x2FFFF;
	_ =	strace $0x9FFFFFFF  }
0xc4: {  	(tm) =	ssettm $0x7FFFFFFF  }
0xc5: {  	_ =	shalt  }
tec
execute0_lowered:
.L_overlay_start_1:
0x0: {  	(tag) =	ssettag $0x1  }
0x1: {  	s7 =	rddreg [dreg:$0x0]  }
0x2: {  	s9 =	rddreg [dreg:$0x1]  }
0x3: {  	s2 =	rddreg [dreg:$0x2]  }
0x4: {  	s0 =	srdreg.scid;
	s3 =	rddreg [dreg:$0x3];
	s4 =	simm.s32 $0x0  }
0x5: {  	s16 =	simm.s32 $0x2800;
	s17 =	simm.s32 $0x5000;
	s18 =	simm.s32 $0x100  }
0x6: {  	s19 =	simm.s32 $0x1;
	s6 =	sand.u32 $0x1, s0;
	s0 =	stileid.u32  }
0x7: {  	s20 =	simm.s32 $0x0;
	[smem:$0x7FF] =	sst s4;
	s8 =	smul.u32 $0x280, s0  }
0x8: {  	s1 =	sshll.u32 s6, $0x4;
	s5 =	smul.u32 $0x5000, s6;
	s13 =	ssub.s32 $0x2, s6  }
0x9: {  	s6 =	sadd.s32 $0xC200, s7;
	s31 =	sshll.u32 s0, $0x6;
	s1 =	sor.u32 s0, s1  }
0xa: {  	s30 =	sshrl.u32 s13, $0x1;
	s10 =	smul.u32 $0x500, s1;
	s1 =	rddreg [dreg:$0x4]  }
0xb: {  	_ =	strace $0x80000047;
	s12 =	sadd.s32 s8, s5;
	s5 =	sadd.s32 $0xC400, s7  }
0xc: {  	s13 =	ssub.s32 s13, s30;
	s14 =	sadd.s32 s8, s2;
	s15 =	sadd.s32 s8, s3  }
0xd: {  	s12 =	sshrl.u32 s12, $0x3;
	s15 =	sshrl.u32 s15, $0x3;
	s11 =	sadd.s32 s10, s7  }
0xe: {  	s12 =	sadd.s32 s12, s7;
	s7 =	sor.u32 $0x1C02, s31;
	s9 =	sadd.s32 s9, s10  }
0xf: {  	s8 =	sadd.s32 $0x2200, s11;
	s10 =	sadd.s32 $0xC600, s12;
	s11 =	sadd.s32 $0xCB00, s12  }
0x10: {  	s12 =	smax.u32 s13, $0x1;
	s13 =	sshrl.u32 s14, $0x3;
	s14 =	simm.s32 $0x2  }
.LBB2_1:
0x11: {  	[spmem:s13], [sflag:s7] =	dma.local [hbm:s6], $0x50  }
0x12: {  	_ =	swait.ge [sflag:s14], $0x50  }
0x13: {  	[sflag:s14] =	ssyncset.done $0x0  }
0x14: {  	[sflag:s14] =	ssyncadd.s32 $0xFFFFFFB0  }
0x15: {  	[spmem:s15], [sflag:s7] =	dma.local [hbm:s6], $0x50  }
0x16: {  	_ =	swait.ge [sflag:s14], $0x50  }
0x17: {  	[sflag:s14] =	ssyncset.done $0x0  }
0x18: {  	[sflag:s14] =	ssyncadd.s32 $0xFFFFFFB0  }
0x19: {  	[tilespmem:s4], [sflag:$0x2] =	stream.linear.gather [hbm4b:s8+s4], $0x2800, $0x38;
	[tilespmem:$0x5600] =	vst v63  }
0x1a: {  	_ =	swait.ge [sflag:s14], $0x2800  }
0x1b: {  	[sflag:s14] =	ssyncset.done $0x0  }
0x1c: {  	[sflag:s14] =	ssyncadd.s32 $0xFFFFD800  }
0x1d: {  	[tilespmem:s16], [sflag:$0x2] =	stream.linear.gather [hbm4b:s9+s4], $0x2800, $0x38;
	[tilespmem:$0x5600] =	vst v63  }
0x1e: {  	_ =	swait.ge [sflag:s14], $0x2800  }
0x1f: {  	[sflag:s14] =	ssyncset.done $0x0  }
0x20: {  	[sflag:s14] =	ssyncadd.s32 $0xFFFFD800  }
0x21: {  	[tilespmem:s17], [sflag:$0x2] =	stream.linear.gather [hbm4b:s5+s4], $0x100, $0x38;
	[tilespmem:$0x5600] =	vst v63  }
0x22: {  	_ =	swait.ge [sflag:s14], $0x100  }
0x23: {  	[sflag:s14] =	ssyncset.done $0x0  }
0x24: {  	[sflag:s14] =	ssyncadd.s32 $0xFFFFFF00  }
0x25: {  	s21 =	simm.s32 $0x0;
	[bflag:$0x0] =	sbarrier.arrive $0xFFFF  }
0x26: {  	[spmem:s2] =	stream.indirect.scatter.add.f32 [tilespmem:s17], [sflag:$0x1], $0x1, s21, s18, $0xb8;
	[tilespmem:$0x5600] =	vst v63  }
0x27: {  	s24 =	simm.s32 $0x2800  }
0x28: {  	[spmem:s3] =	stream.indirect.scatter.add.f32 [tilespmem:s17], [sflag:$0x1], $0x1, s24, s18, $0xb8;
	[tilespmem:$0x5600] =	vst v63  }
0x29: {  	s25 =	simm.s32 $0x100  }
0x2a: {  	[spmem:s2] =	stream.indirect.scatter.add.f32 [tilespmem:s17], [sflag:$0x1], $0x1, s25, s18, $0xb8;
	[tilespmem:$0x5600] =	vst v63  }
0x2b: {  	s26 =	simm.s32 $0x2900  }
0x2c: {  	[spmem:s3] =	stream.indirect.scatter.add.f32 [tilespmem:s17], [sflag:$0x1], $0x1, s26, s18, $0xb8;
	[tilespmem:$0x5600] =	vst v63  }
0x2d: {  	s28 =	simm.s32 $0x200  }
0x2e: {  	[spmem:s2] =	stream.indirect.scatter.add.f32 [tilespmem:s17], [sflag:$0x1], $0x1, s28, s18, $0xb8;
	[tilespmem:$0x5600] =	vst v63  }
0x2f: {  	s29 =	simm.s32 $0x2A00  }
0x30: {  	[spmem:s3] =	stream.indirect.scatter.add.f32 [tilespmem:s17], [sflag:$0x1], $0x1, s29, s18, $0xb8;
	[tilespmem:$0x5600] =	vst v63  }
0x31: {  	s30 =	simm.s32 $0x300  }
0x32: {  	[spmem:s2] =	stream.indirect.scatter.add.f32 [tilespmem:s17], [sflag:$0x1], $0x1, s30, s18, $0xb8;
	[tilespmem:$0x5600] =	vst v63  }
0x33: {  	s31 =	simm.s32 $0x2B00  }
0x34: {  	[spmem:s3] =	stream.indirect.scatter.add.f32 [tilespmem:s17], [sflag:$0x1], $0x1, s31, s18, $0xb8;
	[tilespmem:$0x5600] =	vst v63  }
0x35: {  	_ =	swait.ge [sflag:s19], $0x100  }
0x36: {  	[sflag:s19] =	ssyncset.done $0x0  }
0x37: {  	[sflag:s19] =	ssyncadd.s32 $0xFFFFFF00  }
0x38: {  	_ =	swait.ge [sflag:s19], $0x100  }
0x39: {  	[sflag:s19] =	ssyncset.done $0x0  }
0x3a: {  	[sflag:s19] =	ssyncadd.s32 $0xFFFFFF00  }
0x3b: {  	_ =	swait.ge [sflag:s19], $0x100  }
0x3c: {  	[sflag:s19] =	ssyncset.done $0x0  }
0x3d: {  	[sflag:s19] =	ssyncadd.s32 $0xFFFFFF00  }
0x3e: {  	_ =	swait.ge [sflag:s19], $0x100  }
0x3f: {  	[sflag:s19] =	ssyncset.done $0x0  }
0x40: {  	[sflag:s19] =	ssyncadd.s32 $0xFFFFFF00  }
0x41: {  	_ =	swait.ge [sflag:s19], $0x100  }
0x42: {  	[sflag:s19] =	ssyncset.done $0x0  }
0x43: {  	[sflag:s19] =	ssyncadd.s32 $0xFFFFFF00  }
0x44: {  	_ =	swait.ge [sflag:s19], $0x100  }
0x45: {  	[sflag:s19] =	ssyncset.done $0x0  }
0x46: {  	[sflag:s19] =	ssyncadd.s32 $0xFFFFFF00  }
0x47: {  	_ =	swait.ge [sflag:s19], $0x100  }
0x48: {  	[sflag:s19] =	ssyncset.done $0x0  }
0x49: {  	[sflag:s19] =	ssyncadd.s32 $0xFFFFFF00  }
0x4a: {  	_ =	swait.ge [sflag:s19], $0x100  }
0x4b: {  	s23 =	simm.s32 $0x2000;
	s21 =	simm.s32 $0x1000;
	[sflag:s19] =	ssyncset.done $0x0  }
.LBB2_2:
0x4c: {  	s24 =	sshra.s32 s21, $0x2  }
0x4d: {  	[sflag:s19] =	ssyncadd.s32 $0xFFFFFF00;
	s21 =	smov.u32 s23;
	s22 =	sadd.s32 $0x1000, s23  }
0x4e: {  	[spmem:s2] =	stream.indirect.scatter.add.f32 [tilespmem:s17], [sflag:$0x1], $0x1, s24, s18, $0xb8;
	[tilespmem:$0x5600] =	vst v63  }
0x4f: {  	p0 =	sne.s32 s23, $0x9000;
	s23 =	sadd.s32 $0x2800, s24  }
0x50: {  	[spmem:s3] =	stream.indirect.scatter.add.f32 [tilespmem:s17], [sflag:$0x1], $0x1, s23, s18, $0xb8;
	[tilespmem:$0x5600] =	vst v63  }
0x51: {  	s23 =	sadd.s32 $0x100, s24  }
0x52: {  	[spmem:s2] =	stream.indirect.scatter.add.f32 [tilespmem:s17], [sflag:$0x1], $0x1, s23, s18, $0xb8;
	[tilespmem:$0x5600] =	vst v63  }
0x53: {  	s23 =	sadd.s32 $0x2900, s24  }
0x54: {  	[spmem:s3] =	stream.indirect.scatter.add.f32 [tilespmem:s17], [sflag:$0x1], $0x1, s23, s18, $0xb8;
	[tilespmem:$0x5600] =	vst v63  }
0x55: {  	s23 =	sadd.s32 $0x200, s24  }
0x56: {  	[spmem:s2] =	stream.indirect.scatter.add.f32 [tilespmem:s17], [sflag:$0x1], $0x1, s23, s18, $0xb8;
	[tilespmem:$0x5600] =	vst v63  }
0x57: {  	s23 =	sadd.s32 $0x2A00, s24  }
0x58: {  	[spmem:s3] =	stream.indirect.scatter.add.f32 [tilespmem:s17], [sflag:$0x1], $0x1, s23, s18, $0xb8;
	[tilespmem:$0x5600] =	vst v63  }
0x59: {  	s23 =	sadd.s32 $0x300, s24  }
0x5a: {  	[spmem:s2] =	stream.indirect.scatter.add.f32 [tilespmem:s17], [sflag:$0x1], $0x1, s23, s18, $0xb8;
	[tilespmem:$0x5600] =	vst v63  }
0x5b: {  	s23 =	sadd.s32 $0x2B00, s24  }
0x5c: {  	[spmem:s3] =	stream.indirect.scatter.add.f32 [tilespmem:s17], [sflag:$0x1], $0x1, s23, s18, $0xb8;
	[tilespmem:$0x5600] =	vst v63  }
0x5d: {  	_ =	swait.ge [sflag:s19], $0x100  }
0x5e: {  	[sflag:s19] =	ssyncset.done $0x0  }
0x5f: {  	[sflag:s19] =	ssyncadd.s32 $0xFFFFFF00  }
0x60: {  	_ =	swait.ge [sflag:s19], $0x100  }
0x61: {  	[sflag:s19] =	ssyncset.done $0x0  }
0x62: {  	[sflag:s19] =	ssyncadd.s32 $0xFFFFFF00  }
0x63: {  	_ =	swait.ge [sflag:s19], $0x100  }
0x64: {  	[sflag:s19] =	ssyncset.done $0x0  }
0x65: {  	[sflag:s19] =	ssyncadd.s32 $0xFFFFFF00  }
0x66: {  	_ =	swait.ge [sflag:s19], $0x100  }
0x67: {  	[sflag:s19] =	ssyncset.done $0x0  }
0x68: {  	[sflag:s19] =	ssyncadd.s32 $0xFFFFFF00  }
0x69: {  	_ =	swait.ge [sflag:s19], $0x100  }
0x6a: {  	[sflag:s19] =	ssyncset.done $0x0  }
0x6b: {  	[sflag:s19] =	ssyncadd.s32 $0xFFFFFF00  }
0x6c: {  	_ =	swait.ge [sflag:s19], $0x100  }
0x6d: {  	[sflag:s19] =	ssyncset.done $0x0  }
0x6e: {  	[sflag:s19] =	ssyncadd.s32 $0xFFFFFF00  }
.Ltmp0:
0x6f: {  	_ =	swait.ge [sflag:s19], $0x100;
	(pc) =	sbr.rel @p0 .LBB2_2-.Ltmp0, $4  }
0x70: {  	[sflag:s19] =	ssyncset.done $0x0  }
0x71: {  	[sflag:s19] =	ssyncadd.s32 $0xFFFFFF00  }
0x72: {  	_ =	swait.ge [sflag:s19], $0x100  }
0x73: {  	s23 =	smov.u32 s22;
	[sflag:s19] =	ssyncset.done $0x0  }
0x74: {  	s21 =	sshra.s32 s21, $0x2;
	[sflag:s19] =	ssyncadd.s32 $0xFFFFFF00  }
0x75: {  	[spmem:s2] =	stream.indirect.scatter.add.f32 [tilespmem:s17], [sflag:$0x1], $0x1, s21, s18, $0xb8;
	[tilespmem:$0x5600] =	vst v63  }
0x76: {  	s22 =	sadd.s32 $0x2800, s21  }
0x77: {  	[spmem:s3] =	stream.indirect.scatter.add.f32 [tilespmem:s17], [sflag:$0x1], $0x1, s22, s18, $0xb8;
	[tilespmem:$0x5600] =	vst v63  }
0x78: {  	s26 =	sadd.s32 $0x100, s21  }
0x79: {  	[spmem:s2] =	stream.indirect.scatter.add.f32 [tilespmem:s17], [sflag:$0x1], $0x1, s26, s18, $0xb8;
	[tilespmem:$0x5600] =	vst v63  }
0x7a: {  	s28 =	sadd.s32 $0x2900, s21  }
0x7b: {  	[spmem:s3] =	stream.indirect.scatter.add.f32 [tilespmem:s17], [sflag:$0x1], $0x1, s28, s18, $0xb8;
	[tilespmem:$0x5600] =	vst v63  }
0x7c: {  	s29 =	sadd.s32 $0x200, s21  }
0x7d: {  	[spmem:s2] =	stream.indirect.scatter.add.f32 [tilespmem:s17], [sflag:$0x1], $0x1, s29, s18, $0xb8;
	[tilespmem:$0x5600] =	vst v63  }
0x7e: {  	s30 =	sadd.s32 $0x2A00, s21  }
0x7f: {  	[spmem:s3] =	stream.indirect.scatter.add.f32 [tilespmem:s17], [sflag:$0x1], $0x1, s30, s18, $0xb8;
	[tilespmem:$0x5600] =	vst v63  }
0x80: {  	s31 =	sadd.s32 $0x300, s21  }
0x81: {  	[spmem:s2] =	stream.indirect.scatter.add.f32 [tilespmem:s17], [sflag:$0x1], $0x1, s31, s18, $0xb8;
	[tilespmem:$0x5600] =	vst v63  }
0x82: {  	s21 =	sadd.s32 $0x2B00, s21  }
0x83: {  	[spmem:s3] =	stream.indirect.scatter.add.f32 [tilespmem:s17], [sflag:$0x1], $0x1, s21, s18, $0xb8;
	[tilespmem:$0x5600] =	vst v63  }
0x84: {  	_ =	swait.ge [sflag:s19], $0x100  }
0x85: {  	[sflag:s19] =	ssyncset.done $0x0  }
0x86: {  	[sflag:s19] =	ssyncadd.s32 $0xFFFFFF00  }
0x87: {  	_ =	swait.ge [sflag:s19], $0x100  }
0x88: {  	[sflag:s19] =	ssyncset.done $0x0  }
0x89: {  	[sflag:s19] =	ssyncadd.s32 $0xFFFFFF00  }
0x8a: {  	_ =	swait.ge [sflag:s19], $0x100  }
0x8b: {  	[sflag:s19] =	ssyncset.done $0x0  }
0x8c: {  	[sflag:s19] =	ssyncadd.s32 $0xFFFFFF00  }
0x8d: {  	_ =	swait.ge [sflag:s19], $0x100  }
0x8e: {  	[sflag:s19] =	ssyncset.done $0x0  }
0x8f: {  	[sflag:s19] =	ssyncadd.s32 $0xFFFFFF00  }
0x90: {  	_ =	swait.ge [sflag:s19], $0x100  }
0x91: {  	[sflag:s19] =	ssyncset.done $0x0  }
0x92: {  	[sflag:s19] =	ssyncadd.s32 $0xFFFFFF00  }
0x93: {  	_ =	swait.ge [sflag:s19], $0x100  }
0x94: {  	[sflag:s19] =	ssyncset.done $0x0  }
0x95: {  	[sflag:s19] =	ssyncadd.s32 $0xFFFFFF00  }
0x96: {  	_ =	swait.ge [sflag:s19], $0x100  }
0x97: {  	[sflag:s19] =	ssyncset.done $0x0  }
0x98: {  	[sflag:s19] =	ssyncadd.s32 $0xFFFFFF00  }
0x99: {  	_ =	swait.ge [sflag:s19], $0x100  }
0x9a: {  	[sflag:s19] =	ssyncset.done $0x0  }
0x9b: {  	[sflag:s19] =	ssyncadd.s32 $0xFFFFFF00  }
0x9c: {  	[bflag:$0x0] =	sbarrier.arrive $0xFFFF  }
0x9d: {  	[hbm:s10], [sflag:s7] =	dma.local [spmem:s13], $0x50  }
0x9e: {  	s20 =	sadd.s32 $0x1, s20;
	_ =	swait.ge [sflag:s14], $0x50  }
0x9f: {  	p0 =	sne.s32 s20, s12;
	[sflag:s14] =	ssyncset.done $0x0  }
.Ltmp1:
0xa0: {  	[sflag:s14] =	ssyncadd.s32 $0xFFFFFFB0;
	(pc) =	sbr.rel @p0 .LBB2_1-.Ltmp1, $4  }
0xa1: {  	[hbm:s11], [sflag:s7] =	dma.local [spmem:s15], $0x50  }
0xa2: {  	_ =	swait.ge [sflag:s14], $0x50  }
0xa3: {  	[sflag:s14] =	ssyncset.done $0x0  }
0xa4: {  	[sflag:s14] =	ssyncadd.s32 $0xFFFFFFB0  }
0xa5: {  	_ =	sfence.sel $0x180000  }
0xa6: {  	[bflag:$0x0] =	sbarrier.arrive $0xFFFF  }
0xa7: {  	p0 =	sne.s32 s0, $0x0;
	_ =	strace $0x90000047  }
0xa8: {  	s0 =	sadd.s32 @!p0 $0x100000, s1;
	[bflag:$0x2] =	sbarrier.arrive $0xFFFF  }
0xa9: {  	[sflag:s0] =	ssyncadd.tile.s32 @!p0 $0x1;
	_ =	shalt  }
.Lfunc_end2:
_tile_overlayer_lowered:
.L_overlay_start_2:
0xaa: {  	(tag) =	ssettag $0x2  }
0xab: {  	s0 =	rddreg [dreg:$0x0];
	s2 =	stileid.u32  }
0xac: {  	s1 =	rddreg [dreg:$0x1];
	p0 =	sne.s32 s2, $0x0  }
0xad: {  	s3 =	rddreg [dreg:$0x2];
	[bflag:$0x3] =	sbarrier.arrive $0xFFFF;
	s2 =	simm.s32 @!p0 $0x1C02  }
0xae: {  	[timem:s3], [sflag:s2] =	dma.local @!p0 [hbm:s0], s1  }
0xaf: {  	s0 =	simm.s32 @!p0 $0x2  }
0xb0: {  	_ =	swait.ge @!p0 [sflag:s0], s1  }
0xb1: {  	s1 =	ssub.s32 @!p0 $0x0, s1;
	[sflag:s0] =	ssyncset.done @!p0 $0x0  }
0xb2: {  	[sflag:s0] =	ssyncadd.s32 @!p0 s1  }
0xb3: {  	[bflag:$0x3] =	sbarrier.arrive $0xFFFF  }
0xb4: {  	_ =	shalt  }

</sc_bundles>
